<compile_context>
chip_gen: v7x
topology: tpu7x:2x2x1
jax: 0.10.2.dev20260603
libtpu: 0.0.44.dev20260713+nightly
codegen_flags: <defaults>
</compile_context>

<pallas_src>
import functools

import jax
import jax.numpy as jnp
from jax import lax
from jax.experimental import pallas as pl
from jax.experimental.pallas import tpu as pltpu
from jax.experimental.pallas import tpu_sc as plsc

_N = 10000
_NP = 10240
_K = 4
_H = 128
_RT = 512
_CT = 512
_R = _NP // _RT
_NJ = _NP // _CT
_NKROWS = float(_N * _K)

_SC_CORES = 2
_SC_SUBCORES = 16
_NW = _SC_CORES * _SC_SUBCORES
_E = _NP * _K
_EPW = _E // _NW
_GCH = 320
_NCH = _EPW // _GCH


def _elu(z):
    zn = jnp.where(z > 0, 0.0, z)
    h = 0.5 * zn
    e = jnp.tanh(h) * (1.0 + jnp.exp(zn))
    e = jnp.where(h == 0.0, zn, e)
    return jnp.where(z > 0, z, e)


def _bf(v):
    return v.astype(jnp.bfloat16)


def _dotbf(x, w):
    return lax.dot_general(_bf(x), _bf(w), (((1,), (0,)), ((), ())),
                           preferred_element_type=jnp.float32)


def _sqsum(x):
    return jnp.sum(x * x, axis=1, keepdims=True)


def _enc_body(xlc_ref, we1_ref, be1_ref, we2_ref, be2_ref, wt_ref,
              x_ref, a_ref, sq_ref):
    h = _elu(_dotbf(xlc_ref[...], we1_ref[...]) + be1_ref[...])
    x = _elu(_dotbf(h, we2_ref[...]) + be2_ref[...])
    x_ref[...] = x
    a_ref[...] = _dotbf(x, wt_ref[...])
    sq_ref[...] = _sqsum(x)


def _enc_call(xp, we1, be1, we2, be2, wt):
    s = jax.ShapeDtypeStruct((_NP, _H), jnp.float32)
    return pl.pallas_call(
        _enc_body,
        grid=(_R,),
        in_specs=[
            pl.BlockSpec((_RT, 16), lambda r: (r, 0)),
            pl.BlockSpec((16, _H), lambda r: (0, 0)),
            pl.BlockSpec((1, _H), lambda r: (0, 0)),
            pl.BlockSpec((_H, _H), lambda r: (0, 0)),
            pl.BlockSpec((1, _H), lambda r: (0, 0)),
            pl.BlockSpec((_H, _H), lambda r: (0, 0)),
        ],
        out_specs=[pl.BlockSpec((_RT, _H), lambda r: (r, 0))] * 2
        + [pl.BlockSpec((_RT, 1), lambda r: (r, 0))],
        out_shape=[s, s, jax.ShapeDtypeStruct((_NP, 1), jnp.float32)],
    )(xp, we1, be1, we2, be2, wt)


def _knn_body(bounds_ref, xr_ref, xc_ref, sqr_ref, sqc_ref, rs_ref, re_ref,
              idx_ref, vals_scr, ids_scr):
    r = pl.program_id(0)
    j = pl.program_id(1)
    lo = bounds_ref[0, r]
    hi = bounds_ref[1, r]

    @pl.when(j == 0)
    def _init():
        vals_scr[...] = jnp.full((_RT, _K), jnp.inf, jnp.float32)
        ids_scr[...] = jnp.zeros((_RT, _K), jnp.int32)

    @pl.when(lo + j <= hi)
    def _work():
        cb = jnp.minimum(lo + j, hi)
        rs = rs_ref[0]
        re = re_ref[0]
        sqr = sqr_ref[0]
        sqc = sqc_ref[0]
        d = sqr + sqc - 2.0 * lax.dot_general(
            _bf(xr_ref[...]), _bf(xc_ref[...]), (((1,), (1,)), ((), ())),
            preferred_element_type=jnp.float32)
        col0 = cb * _CT
        pos = lax.broadcasted_iota(jnp.int32, (_RT, _CT), 1)
        cols = col0 + pos
        d = jnp.where((cols < rs) | (cols >= re), jnp.inf, d)
        tv, ti = [], []
        for _ in range(_K):
            mn = jnp.min(d, axis=1, keepdims=True)
            am = jnp.min(jnp.where(d == mn, pos, _CT), axis=1, keepdims=True)
            tv.append(mn)
            ti.append(col0 + am)
            d = jnp.where(pos == am, jnp.inf, d)
        av = jnp.concatenate([vals_scr[...]] + tv, axis=1)
        ai = jnp.concatenate([ids_scr[...]] + ti, axis=1)
        pos8 = lax.broadcasted_iota(jnp.int32, (_RT, 2 * _K), 1)
        nv, ni = [], []
        for _ in range(_K):
            mn = jnp.min(av, axis=1, keepdims=True)
            am = jnp.min(jnp.where(av == mn, pos8, 2 * _K), axis=1,
                         keepdims=True)
            sel = pos8 == am
            nv.append(mn)
            ni.append(jnp.sum(jnp.where(sel, ai, 0), axis=1, keepdims=True))
            av = jnp.where(sel, jnp.inf, av)
        vals_scr[...] = jnp.concatenate(nv, axis=1)
        ids_scr[...] = jnp.concatenate(ni, axis=1)

    @pl.when(j == _NJ - 1)
    def _fin():
        v = vals_scr[...]
        ii = ids_scr[...]
        rs = rs_ref[0]
        re = re_ref[0]
        finite = v < jnp.float32(1e30)
        nval = jnp.sum(finite.astype(jnp.int32), axis=1, keepdims=True)
        slot = lax.broadcasted_iota(jnp.int32, (_RT, _K), 1)
        m = slot - nval
        fb = jnp.where(m < rs, m, re + (m - rs))
        fb = jnp.clip(fb, 0, _N - 1)
        idx_ref[...] = jnp.where(finite, ii, fb)


def _knn_call(bounds, x, sqa, sqb, rs3, re3):
    grid_spec = pltpu.PrefetchScalarGridSpec(
        num_scalar_prefetch=1,
        grid=(_R, _NJ),
        in_specs=[
            pl.BlockSpec((_RT, _H), lambda r, j, b: (r, 0)),
            pl.BlockSpec((_CT, _H),
                         lambda r, j, b: (jnp.minimum(b[0, r] + j, b[1, r]),
                                          0)),
            pl.BlockSpec((1, _RT, 1), lambda r, j, b: (r, 0, 0)),
            pl.BlockSpec((1, 1, _CT),
                         lambda r, j, b: (jnp.minimum(b[0, r] + j, b[1, r]),
                                          0, 0)),
            pl.BlockSpec((1, _RT, 1), lambda r, j, b: (r, 0, 0)),
            pl.BlockSpec((1, _RT, 1), lambda r, j, b: (r, 0, 0)),
        ],
        out_specs=pl.BlockSpec((_RT, _K), lambda r, j, b: (r, 0)),
        scratch_shapes=[pltpu.VMEM((_RT, _K), jnp.float32),
                        pltpu.VMEM((_RT, _K), jnp.int32)],
    )
    return pl.pallas_call(
        _knn_body,
        grid_spec=grid_spec,
        out_shape=jax.ShapeDtypeStruct((_NP, _K), jnp.int32),
    )(bounds, x, x, sqa, sqb, rs3, re3)


def _gather_call(x, idx_flat):
    mesh = plsc.VectorSubcoreMesh(core_axis_name="c", subcore_axis_name="s")

    @functools.partial(
        pl.kernel,
        mesh=mesh,
        out_type=jax.ShapeDtypeStruct((_E, _H), jnp.float32),
        scratch_types=[
            pltpu.VMEM((_EPW,), jnp.int32),
            pltpu.VMEM((_GCH, _H), jnp.float32),
            pltpu.SemaphoreType.DMA,
        ],
    )
    def _k(x_hbm, idx_hbm, out_hbm, idx_v, rows_v, sem):
        wid = lax.axis_index("s") * _SC_CORES + lax.axis_index("c")
        base = wid * _EPW
        pltpu.sync_copy(idx_hbm.at[pl.ds(base, _EPW)], idx_v)
        for ch in range(_NCH):
            pltpu.async_copy(
                x_hbm.at[idx_v.at[pl.ds(ch * _GCH, _GCH)]], rows_v,
                sem).wait()
            pltpu.sync_copy(rows_v, out_hbm.at[pl.ds(base + ch * _GCH, _GCH)])

    return _k(x, idx_flat)


def _msg_body(a_ref, x_ref, g_ref, wb_ref, b_ref, mx_ref, s_ref, q_ref):
    r = pl.program_id(0)

    @pl.when(r == 0)
    def _init():
        s_ref[...] = jnp.zeros((1, _H), jnp.float32)
        q_ref[...] = jnp.zeros((1, _H), jnp.float32)

    a = a_ref[...]
    x = x_ref[...]
    wb = wb_ref[...]
    b = b_ref[...]
    rid = r * _RT + lax.broadcasted_iota(jnp.int32, (_RT, 1), 0)
    valid = rid < _N
    mx = None
    s = jnp.zeros((1, _H), jnp.float32)
    q = jnp.zeros((1, _H), jnp.float32)
    for k in range(_K):
        m = _elu((a + _dotbf(g_ref[:, k, :] - x, wb)) + b)
        mx = m if mx is None else jnp.maximum(mx, m)
        mv = jnp.where(valid, m, 0.0)
        s = s + jnp.sum(mv, axis=0, keepdims=True)
        q = q + jnp.sum(mv * mv, axis=0, keepdims=True)
    mx_ref[...] = mx
    s_ref[...] = s_ref[...] + s
    q_ref[...] = q_ref[...] + q


def _msg_call(a, x, g, wb, b):
    return pl.pallas_call(
        _msg_body,
        grid=(_R,),
        in_specs=[
            pl.BlockSpec((_RT, _H), lambda r: (r, 0)),
            pl.BlockSpec((_RT, _H), lambda r: (r, 0)),
            pl.BlockSpec((_RT, _K, _H), lambda r: (r, 0, 0)),
            pl.BlockSpec((_H, _H), lambda r: (0, 0)),
            pl.BlockSpec((1, _H), lambda r: (0, 0)),
        ],
        out_specs=[
            pl.BlockSpec((_RT, _H), lambda r: (r, 0)),
            pl.BlockSpec((1, _H), lambda r: (0, 0)),
            pl.BlockSpec((1, _H), lambda r: (0, 0)),
        ],
        out_shape=[
            jax.ShapeDtypeStruct((_NP, _H), jnp.float32),
            jax.ShapeDtypeStruct((1, _H), jnp.float32),
            jax.ShapeDtypeStruct((1, _H), jnp.float32),
        ],
    )(a, x, g, wb, b)


def _bn(mx_ref, s_ref, q_ref, g_ref, be_ref):
    mu = s_ref[...] / _NKROWS
    var = q_ref[...] / _NKROWS - mu * mu
    return (mx_ref[...] - mu) * lax.rsqrt(var + 1e-5) * g_ref[...] + be_ref[...]


def _fin1_body(mx_ref, s_ref, q_ref, g_ref, be_ref, wt_ref,
               f_ref, a_ref, sq_ref):
    f = _bn(mx_ref, s_ref, q_ref, g_ref, be_ref)
    f_ref[...] = f
    a_ref[...] = _dotbf(f, wt_ref[...])
    sq_ref[...] = _sqsum(f)


def _fin2_body(mx_ref, s_ref, q_ref, g_ref, be_ref, res_ref, wt_ref,
               f_ref, a_ref, sq_ref):
    f = _bn(mx_ref, s_ref, q_ref, g_ref, be_ref) + res_ref[...]
    f_ref[...] = f
    a_ref[...] = _dotbf(f, wt_ref[...])
    sq_ref[...] = _sqsum(f)


def _fin3_body(mx_ref, s_ref, q_ref, g_ref, be_ref, res_ref, wo1_ref,
               bo1_ref, wo2_ref, bo2_ref, wo3_ref, bo3_ref, out_ref):
    f = _bn(mx_ref, s_ref, q_ref, g_ref, be_ref) + res_ref[...]
    o = _elu(_dotbf(f, wo1_ref[...]) + bo1_ref[...])
    o = _elu(_dotbf(o, wo2_ref[...]) + bo2_ref[...])
    out_ref[...] = _dotbf(o, wo3_ref[...]) + bo3_ref[...]


_VEC = pl.BlockSpec((1, _H), lambda r: (0, 0))
_ROW = pl.BlockSpec((_RT, _H), lambda r: (r, 0))
_COL1 = pl.BlockSpec((_RT, 1), lambda r: (r, 0))


def _fin_mid_call(mx, s, q, g, be, res, wt):
    sdt = jax.ShapeDtypeStruct((_NP, _H), jnp.float32)
    wspec = pl.BlockSpec((_H, _H), lambda r: (0, 0))
    if res is None:
        body, extra_in, extra_spec = _fin1_body, (), ()
    else:
        body, extra_in, extra_spec = _fin2_body, (res,), (_ROW,)
    return pl.pallas_call(
        body,
        grid=(_R,),
        in_specs=[_ROW, _VEC, _VEC, _VEC, _VEC, *extra_spec, wspec],
        out_specs=[_ROW, _ROW, _COL1],
        out_shape=[sdt, sdt, jax.ShapeDtypeStruct((_NP, 1), jnp.float32)],
    )(mx, s, q, g, be, *extra_in, wt)


def _fin_out_call(mx, s, q, g, be, res, wo1, bo1, wo2, bo2, wo3, bo3):
    return pl.pallas_call(
        _fin3_body,
        grid=(_R,),
        in_specs=[
            _ROW, _VEC, _VEC, _VEC, _VEC, _ROW,
            pl.BlockSpec((_H, 32), lambda r: (0, 0)),
            pl.BlockSpec((1, 32), lambda r: (0, 0)),
            pl.BlockSpec((32, 16), lambda r: (0, 0)),
            pl.BlockSpec((1, 16), lambda r: (0, 0)),
            pl.BlockSpec((16, 8), lambda r: (0, 0)),
            pl.BlockSpec((1, 8), lambda r: (0, 0)),
        ],
        out_specs=pl.BlockSpec((_RT, 8), lambda r: (r, 0)),
        out_shape=jax.ShapeDtypeStruct((_NP, 8), jnp.float32),
    )(mx, s, q, g, be, res, wo1, bo1, wo2, bo2, wo3, bo3)


def kernel(x_lc, batch_lc, W_e1, b_e1, W_e2, b_e2, W_c1, b_c1, g_c1, be_c1,
           W_c2, b_c2, g_c2, be_c2, W_c3, b_c3, g_c3, be_c3,
           W_o1, b_o1, W_o2, b_o2, W_o3, b_o3):
    f32 = jnp.float32
    xp = jnp.zeros((_NP, 16), f32).at[:_N, :15].set(x_lc)
    we1 = jnp.zeros((16, _H), f32).at[:15].set(W_e1)
    bp = jnp.full((_NP,), 16, jnp.int32).at[:_N].set(batch_lc.astype(jnp.int32))
    seg = jnp.searchsorted(bp, jnp.arange(18, dtype=jnp.int32)).astype(jnp.int32)
    rs3 = seg[bp].reshape(_R, _RT, 1)
    re3 = seg[bp + 1].reshape(_R, _RT, 1)
    tb = jnp.arange(_R, dtype=jnp.int32) * _RT
    lo_t = seg[bp[tb]] // _CT
    hi_t = (seg[bp[tb + _RT - 1] + 1] - 1) // _CT
    bounds = jnp.stack([lo_t, hi_t]).astype(jnp.int32)

    def row(v):
        return v.reshape(1, -1)

    def layer(x_cur, a, sq, wb, mb, gam, bet, res, nxt):
        sqa = sq.reshape(_R, _RT, 1)
        sqb = sq.reshape(_NJ, 1, _CT)
        idx = _knn_call(bounds, x_cur, sqa, sqb, rs3, re3)
        g = _gather_call(x_cur, idx.reshape(-1)).reshape(_NP, _K, _H)
        mx, s, q = _msg_call(a, x_cur, g, wb, row(mb))
        return _fin_mid_call(mx, s, q, row(gam), row(bet), res, nxt) \
            if nxt is not None else (mx, s, q)

    x, a, sq = _enc_call(xp, we1, row(b_e1), W_e2, row(b_e2), W_c1[:_H])
    f1, a, sq = layer(x, a, sq, W_c1[_H:], b_c1, g_c1, be_c1, None,
                      W_c2[:_H])
    f2, a, sq = layer(f1, a, sq, W_c2[_H:], b_c2, g_c2, be_c2, f1,
                      W_c3[:_H])
    mx, s, q = layer(f2, a, sq, W_c3[_H:], b_c3, None, None, None, None)
    out = _fin_out_call(mx, s, q, row(g_c3), row(be_c3), f2,
                        W_o1, row(b_o1), W_o2, row(b_o2), W_o3, row(b_o3))

    return (out[:_N], batch_lc)

# --- scband reference (transcript-rebuilt; emitter-appended) ---
"""Pipeline reference for scband-net-996432413186 (READ-ONLY COPY).

The authoritative reference and input builder live on the scoring server;
editing this copy changes nothing except your own understanding.
"""

import jax, jax.numpy as jnp
import numpy as np

N = 10000
K = 4
H = 128
B = 16


def _init_linear(key, fan_in, fan_out):
    k1, k2 = jax.random.split(key)
    bound = 1.0 / np.sqrt(fan_in)
    W = jax.random.uniform(k1, (fan_in, fan_out), minval=-bound, maxval=bound, dtype=jnp.float32)
    b = jax.random.uniform(k2, (fan_out,), minval=-bound, maxval=bound, dtype=jnp.float32)
    return W, b


def setup_inputs(seed: int = 0) -> dict:
    key = jax.random.key(seed)
    ks = jax.random.split(key, 16)
    x_lc = jax.random.normal(ks[0], (N, 15), dtype=jnp.float32)
    batch_lc = jnp.sort(jax.random.randint(ks[1], (N,), 0, B, dtype=jnp.int32))
    W_e1, b_e1 = _init_linear(ks[2], 15, H)
    W_e2, b_e2 = _init_linear(ks[3], H, H)
    W_c1, b_c1 = _init_linear(ks[4], 2 * H, H)
    g_c1 = jnp.ones((H,), jnp.float32); be_c1 = jnp.zeros((H,), jnp.float32)
    W_c2, b_c2 = _init_linear(ks[5], 2 * H, H)
    g_c2 = jnp.ones((H,), jnp.float32); be_c2 = jnp.zeros((H,), jnp.float32)
    W_c3, b_c3 = _init_linear(ks[6], 2 * H, H)
    g_c3 = jnp.ones((H,), jnp.float32); be_c3 = jnp.zeros((H,), jnp.float32)
    W_o1, b_o1 = _init_linear(ks[7], H, 32)
    W_o2, b_o2 = _init_linear(ks[8], 32, 16)
    W_o3, b_o3 = _init_linear(ks[9], 16, 8)
    return {
        'x_lc': x_lc, 'batch_lc': batch_lc,
        'W_e1': W_e1, 'b_e1': b_e1, 'W_e2': W_e2, 'b_e2': b_e2,
        'W_c1': W_c1, 'b_c1': b_c1, 'g_c1': g_c1, 'be_c1': be_c1,
        'W_c2': W_c2, 'b_c2': b_c2, 'g_c2': g_c2, 'be_c2': be_c2,
        'W_c3': W_c3, 'b_c3': b_c3, 'g_c3': g_c3, 'be_c3': be_c3,
        'W_o1': W_o1, 'b_o1': b_o1, 'W_o2': W_o2, 'b_o2': b_o2, 'W_o3': W_o3, 'b_o3': b_o3,
    }


def _knn_idx(x, batch, k):
    sq = jnp.sum(x * x, axis=1)
    dist = sq[:, None] + sq[None, :] - 2.0 * (x @ x.T)
    cross = batch[:, None] != batch[None, :]
    dist = jnp.where(cross, 1e10, dist)
    _, idx = jax.lax.top_k(-dist, k)
    return idx  # [N, k], includes self (dist 0)


def _edge_conv(x, batch, W, b, gamma=None, beta=None):
    idx = _knn_idx(x, batch, K)
    xi = jnp.broadcast_to(x[:, None, :], (x.shape[0], K, x.shape[1]))
    xj = x[idx]
    m = jnp.concatenate([xi, xj - xi], axis=-1)  # [N, K, 2H]
    m = jax.nn.elu(m @ W + b)
    if gamma is not None:
        mf = m.reshape(-1, m.shape[-1])
        mu = jnp.mean(mf, axis=0)
        var = jnp.var(mf, axis=0)  # biased, training-mode BatchNorm1d
        mf = (mf - mu) / jnp.sqrt(var + 1e-5) * gamma + beta
        m = mf.reshape(m.shape)
    return jnp.max(m, axis=1)  # max aggregation over k neighbors


def reference(x_lc, batch_lc, W_e1, b_e1, W_e2, b_e2,
              W_c1, b_c1, g_c1, be_c1,
              W_c2, b_c2, g_c2, be_c2,
              W_c3, b_c3, g_c3, be_c3,
              W_o1, b_o1, W_o2, b_o2, W_o3, b_o3):
    x = jax.nn.elu(x_lc @ W_e1 + b_e1)
    x = jax.nn.elu(x @ W_e2 + b_e2)
    feats1 = _edge_conv(x, batch_lc, W_c1, b_c1, g_c1, be_c1)
    feats2 = feats1 + _edge_conv(feats1, batch_lc, W_c2, b_c2, g_c2, be_c2)
    feats3 = feats2 + _edge_conv(feats2, batch_lc, W_c3, b_c3, g_c3, be_c3)
    out = jax.nn.elu(feats3 @ W_o1 + b_o1)
    out = jax.nn.elu(out @ W_o2 + b_o2)  # dropout = identity (eval)
    out = out @ W_o3 + b_o3
    return (out, batch_lc)

if __name__ == "__main__":
    import jax
    _d = setup_inputs()
    print(jax.jit(kernel)(*tuple(_d.values())))

</pallas_src>

<mosaic_0001>
#map = affine_map<(d0, d1) -> (0, 0)>
#map1 = affine_map<(d0, d1) -> (0)>
module attributes {stable_mosaic.version = 14 : i64} {
  func.func @_k(%arg0: i32, %arg1: i32, %arg2: memref<10240x128xf32, #tpu.memory_space<hbm>>, %arg3: memref<40960xi32, #tpu.memory_space<hbm>>, %arg4: memref<40960x128xf32, #tpu.memory_space<hbm>>, %arg5: memref<1280xi32, #tpu.memory_space<vmem>>, %arg6: memref<320x128xf32, #tpu.memory_space<vmem>>, %arg7: memref<!tpu.dma_semaphore, #tpu.memory_space<semaphore_mem>>) attributes {dimension_semantics = [#tpu.dimension_semantics<core_parallel>, #tpu.dimension_semantics<subcore_parallel>], iteration_bounds = array<i64: 2, 16>, scalar_prefetch = 0 : i64, scratch_operands = 3 : i64, tpu.core_type = #tpu.core_type<sc_vector_subcore>, window_params = [{transform_indices = #map}, {transform_indices = #map1}, {transform_indices = #map}]} {
    %mul3A = arith.constant 2 : i32
    %mul3A_0 = arith.muli %arg1, %mul3A : i32
    %add3A = arith.addi %mul3A_0, %arg0 : i32
    %mul3A_1 = arith.constant 1280 : i32
    %mul3A_2 = arith.muli %add3A, %mul3A_1 : i32
    "tpu.region"() ({
      %run_scoped3A = tpu.sem_alloc : memref<!tpu.dma_semaphore, #tpu.memory_space<semaphore_mem>>
      %dma_start3A_49 = tpu.memref_slice %arg3[%mul3A_2] : memref<40960xi32, #tpu.memory_space<hbm>> -> memref<1280xi32, #tpu.memory_space<hbm>>
      %dma_start3A_50 = tpu.memref_slice %arg3[%mul3A_2] : memref<40960xi32, #tpu.memory_space<hbm>> -> memref<1280xi32, #tpu.memory_space<hbm>>
      tpu.enqueue_dma source(%dma_start3A_50 : memref<1280xi32, #tpu.memory_space<hbm>>) target(%arg5 : memref<1280xi32, #tpu.memory_space<vmem>>) target_semaphore(%run_scoped3A : memref<!tpu.dma_semaphore, #tpu.memory_space<semaphore_mem>>)
      %dma_wait3A_51 = tpu.memref_slice %arg3[%mul3A_2] : memref<40960xi32, #tpu.memory_space<hbm>> -> memref<1280xi32, #tpu.memory_space<hbm>>
      %dma_wait3A_52 = tpu.memref_slice %arg3[%mul3A_2] : memref<40960xi32, #tpu.memory_space<hbm>> -> memref<1280xi32, #tpu.memory_space<hbm>>
      tpu.wait_dma2 semaphore(%run_scoped3A : memref<!tpu.dma_semaphore, #tpu.memory_space<semaphore_mem>>) src(%dma_wait3A_52 : memref<1280xi32, #tpu.memory_space<hbm>>) dst(%arg5 : memref<1280xi32, #tpu.memory_space<vmem>>)
      tpu.yield
    }) : () -> ()
    %dma_start3A = arith.constant 0 : i32
    %dma_start3A_3 = tpu.memref_slice %arg5[%dma_start3A] : memref<1280xi32, #tpu.memory_space<vmem>> -> memref<320xi32, #tpu.memory_space<vmem>>
    %dma_start3A_4 = arith.constant 0 : i32
    %dma_start3A_5 = arith.constant 0 : i32
    %dma_start3A_6 = tpu.memref_slice %arg2[%dma_start3A_4, %dma_start3A_5] : memref<10240x128xf32, #tpu.memory_space<hbm>> -> memref<10240x128xf32, #tpu.memory_space<hbm>>
    tpu.enqueue_indirect_dma source(%dma_start3A_6 : memref<10240x128xf32, #tpu.memory_space<hbm>>) target(%arg6 : memref<320x128xf32, #tpu.memory_space<vmem>>) offsets(%dma_start3A_3 : memref<320xi32, #tpu.memory_space<vmem>>) semaphore(%arg7 : memref<!tpu.dma_semaphore, #tpu.memory_space<semaphore_mem>>)
    %dma_wait3A = arith.constant 0 : i32
    %dma_wait3A_7 = tpu.memref_slice %arg5[%dma_wait3A] : memref<1280xi32, #tpu.memory_space<vmem>> -> memref<320xi32, #tpu.memory_space<vmem>>
    %dma_wait3A_8 = arith.constant 0 : i32
    %dma_wait3A_9 = arith.constant 0 : i32
    %dma_wait3A_10 = tpu.memref_slice %arg2[%dma_wait3A_8, %dma_wait3A_9] : memref<10240x128xf32, #tpu.memory_space<hbm>> -> memref<10240x128xf32, #tpu.memory_space<hbm>>
    tpu.wait_indirect_dma semaphore(%arg7 : memref<!tpu.dma_semaphore, #tpu.memory_space<semaphore_mem>>) src(%dma_wait3A_10 : memref<10240x128xf32, #tpu.memory_space<hbm>>) dst(%arg6 : memref<320x128xf32, #tpu.memory_space<vmem>>)
    %add3A_11 = arith.constant 0 : i32
    %add3A_12 = arith.addi %mul3A_2, %add3A_11 : i32
    "tpu.region"() ({
      %run_scoped3A = tpu.sem_alloc : memref<!tpu.dma_semaphore, #tpu.memory_space<semaphore_mem>>
      %dma_start3A_49 = arith.constant 0 : i32
      %dma_start3A_50 = tpu.memref_slice %arg4[%add3A_12, %dma_start3A_49] : memref<40960x128xf32, #tpu.memory_space<hbm>> -> memref<320x128xf32, #tpu.memory_space<hbm>>
      %dma_start3A_51 = arith.constant 0 : i32
      %dma_start3A_52 = tpu.memref_slice %arg4[%add3A_12, %dma_start3A_51] : memref<40960x128xf32, #tpu.memory_space<hbm>> -> memref<320x128xf32, #tpu.memory_space<hbm>>
      tpu.enqueue_dma source(%arg6 : memref<320x128xf32, #tpu.memory_space<vmem>>) target(%dma_start3A_52 : memref<320x128xf32, #tpu.memory_space<hbm>>) target_semaphore(%run_scoped3A : memref<!tpu.dma_semaphore, #tpu.memory_space<semaphore_mem>>)
      %dma_wait3A_53 = arith.constant 0 : i32
      %dma_wait3A_54 = tpu.memref_slice %arg4[%add3A_12, %dma_wait3A_53] : memref<40960x128xf32, #tpu.memory_space<hbm>> -> memref<320x128xf32, #tpu.memory_space<hbm>>
      %dma_wait3A_55 = arith.constant 0 : i32
      %dma_wait3A_56 = tpu.memref_slice %arg4[%add3A_12, %dma_wait3A_55] : memref<40960x128xf32, #tpu.memory_space<hbm>> -> memref<320x128xf32, #tpu.memory_space<hbm>>
      tpu.wait_dma2 semaphore(%run_scoped3A : memref<!tpu.dma_semaphore, #tpu.memory_space<semaphore_mem>>) src(%arg6 : memref<320x128xf32, #tpu.memory_space<vmem>>) dst(%dma_wait3A_56 : memref<320x128xf32, #tpu.memory_space<hbm>>)
      tpu.yield
    }) : () -> ()
    %dma_start3A_13 = arith.constant 320 : i32
    %dma_start3A_14 = tpu.memref_slice %arg5[%dma_start3A_13] : memref<1280xi32, #tpu.memory_space<vmem>> -> memref<320xi32, #tpu.memory_space<vmem>>
    %dma_start3A_15 = arith.constant 0 : i32
    %dma_start3A_16 = arith.constant 0 : i32
    %dma_start3A_17 = tpu.memref_slice %arg2[%dma_start3A_15, %dma_start3A_16] : memref<10240x128xf32, #tpu.memory_space<hbm>> -> memref<10240x128xf32, #tpu.memory_space<hbm>>
    tpu.enqueue_indirect_dma source(%dma_start3A_17 : memref<10240x128xf32, #tpu.memory_space<hbm>>) target(%arg6 : memref<320x128xf32, #tpu.memory_space<vmem>>) offsets(%dma_start3A_14 : memref<320xi32, #tpu.memory_space<vmem>>) semaphore(%arg7 : memref<!tpu.dma_semaphore, #tpu.memory_space<semaphore_mem>>)
    %dma_wait3A_18 = arith.constant 320 : i32
    %dma_wait3A_19 = tpu.memref_slice %arg5[%dma_wait3A_18] : memref<1280xi32, #tpu.memory_space<vmem>> -> memref<320xi32, #tpu.memory_space<vmem>>
    %dma_wait3A_20 = arith.constant 0 : i32
    %dma_wait3A_21 = arith.constant 0 : i32
    %dma_wait3A_22 = tpu.memref_slice %arg2[%dma_wait3A_20, %dma_wait3A_21] : memref<10240x128xf32, #tpu.memory_space<hbm>> -> memref<10240x128xf32, #tpu.memory_space<hbm>>
    tpu.wait_indirect_dma semaphore(%arg7 : memref<!tpu.dma_semaphore, #tpu.memory_space<semaphore_mem>>) src(%dma_wait3A_22 : memref<10240x128xf32, #tpu.memory_space<hbm>>) dst(%arg6 : memref<320x128xf32, #tpu.memory_space<vmem>>)
    %add3A_23 = arith.constant 320 : i32
    %add3A_24 = arith.addi %mul3A_2, %add3A_23 : i32
    "tpu.region"() ({
      %run_scoped3A = tpu.sem_alloc : memref<!tpu.dma_semaphore, #tpu.memory_space<semaphore_mem>>
      %dma_start3A_49 = arith.constant 0 : i32
      %dma_start3A_50 = tpu.memref_slice %arg4[%add3A_24, %dma_start3A_49] : memref<40960x128xf32, #tpu.memory_space<hbm>> -> memref<320x128xf32, #tpu.memory_space<hbm>>
      %dma_start3A_51 = arith.constant 0 : i32
      %dma_start3A_52 = tpu.memref_slice %arg4[%add3A_24, %dma_start3A_51] : memref<40960x128xf32, #tpu.memory_space<hbm>> -> memref<320x128xf32, #tpu.memory_space<hbm>>
      tpu.enqueue_dma source(%arg6 : memref<320x128xf32, #tpu.memory_space<vmem>>) target(%dma_start3A_52 : memref<320x128xf32, #tpu.memory_space<hbm>>) target_semaphore(%run_scoped3A : memref<!tpu.dma_semaphore, #tpu.memory_space<semaphore_mem>>)
      %dma_wait3A_53 = arith.constant 0 : i32
      %dma_wait3A_54 = tpu.memref_slice %arg4[%add3A_24, %dma_wait3A_53] : memref<40960x128xf32, #tpu.memory_space<hbm>> -> memref<320x128xf32, #tpu.memory_space<hbm>>
      %dma_wait3A_55 = arith.constant 0 : i32
      %dma_wait3A_56 = tpu.memref_slice %arg4[%add3A_24, %dma_wait3A_55] : memref<40960x128xf32, #tpu.memory_space<hbm>> -> memref<320x128xf32, #tpu.memory_space<hbm>>
      tpu.wait_dma2 semaphore(%run_scoped3A : memref<!tpu.dma_semaphore, #tpu.memory_space<semaphore_mem>>) src(%arg6 : memref<320x128xf32, #tpu.memory_space<vmem>>) dst(%dma_wait3A_56 : memref<320x128xf32, #tpu.memory_space<hbm>>)
      tpu.yield
    }) : () -> ()
    %dma_start3A_25 = arith.constant 640 : i32
    %dma_start3A_26 = tpu.memref_slice %arg5[%dma_start3A_25] : memref<1280xi32, #tpu.memory_space<vmem>> -> memref<320xi32, #tpu.memory_space<vmem>>
    %dma_start3A_27 = arith.constant 0 : i32
    %dma_start3A_28 = arith.constant 0 : i32
    %dma_start3A_29 = tpu.memref_slice %arg2[%dma_start3A_27, %dma_start3A_28] : memref<10240x128xf32, #tpu.memory_space<hbm>> -> memref<10240x128xf32, #tpu.memory_space<hbm>>
    tpu.enqueue_indirect_dma source(%dma_start3A_29 : memref<10240x128xf32, #tpu.memory_space<hbm>>) target(%arg6 : memref<320x128xf32, #tpu.memory_space<vmem>>) offsets(%dma_start3A_26 : memref<320xi32, #tpu.memory_space<vmem>>) semaphore(%arg7 : memref<!tpu.dma_semaphore, #tpu.memory_space<semaphore_mem>>)
    %dma_wait3A_30 = arith.constant 640 : i32
    %dma_wait3A_31 = tpu.memref_slice %arg5[%dma_wait3A_30] : memref<1280xi32, #tpu.memory_space<vmem>> -> memref<320xi32, #tpu.memory_space<vmem>>
    %dma_wait3A_32 = arith.constant 0 : i32
    %dma_wait3A_33 = arith.constant 0 : i32
    %dma_wait3A_34 = tpu.memref_slice %arg2[%dma_wait3A_32, %dma_wait3A_33] : memref<10240x128xf32, #tpu.memory_space<hbm>> -> memref<10240x128xf32, #tpu.memory_space<hbm>>
    tpu.wait_indirect_dma semaphore(%arg7 : memref<!tpu.dma_semaphore, #tpu.memory_space<semaphore_mem>>) src(%dma_wait3A_34 : memref<10240x128xf32, #tpu.memory_space<hbm>>) dst(%arg6 : memref<320x128xf32, #tpu.memory_space<vmem>>)
    %add3A_35 = arith.constant 640 : i32
    %add3A_36 = arith.addi %mul3A_2, %add3A_35 : i32
    "tpu.region"() ({
      %run_scoped3A = tpu.sem_alloc : memref<!tpu.dma_semaphore, #tpu.memory_space<semaphore_mem>>
      %dma_start3A_49 = arith.constant 0 : i32
      %dma_start3A_50 = tpu.memref_slice %arg4[%add3A_36, %dma_start3A_49] : memref<40960x128xf32, #tpu.memory_space<hbm>> -> memref<320x128xf32, #tpu.memory_space<hbm>>
      %dma_start3A_51 = arith.constant 0 : i32
      %dma_start3A_52 = tpu.memref_slice %arg4[%add3A_36, %dma_start3A_51] : memref<40960x128xf32, #tpu.memory_space<hbm>> -> memref<320x128xf32, #tpu.memory_space<hbm>>
      tpu.enqueue_dma source(%arg6 : memref<320x128xf32, #tpu.memory_space<vmem>>) target(%dma_start3A_52 : memref<320x128xf32, #tpu.memory_space<hbm>>) target_semaphore(%run_scoped3A : memref<!tpu.dma_semaphore, #tpu.memory_space<semaphore_mem>>)
      %dma_wait3A_53 = arith.constant 0 : i32
      %dma_wait3A_54 = tpu.memref_slice %arg4[%add3A_36, %dma_wait3A_53] : memref<40960x128xf32, #tpu.memory_space<hbm>> -> memref<320x128xf32, #tpu.memory_space<hbm>>
      %dma_wait3A_55 = arith.constant 0 : i32
      %dma_wait3A_56 = tpu.memref_slice %arg4[%add3A_36, %dma_wait3A_55] : memref<40960x128xf32, #tpu.memory_space<hbm>> -> memref<320x128xf32, #tpu.memory_space<hbm>>
      tpu.wait_dma2 semaphore(%run_scoped3A : memref<!tpu.dma_semaphore, #tpu.memory_space<semaphore_mem>>) src(%arg6 : memref<320x128xf32, #tpu.memory_space<vmem>>) dst(%dma_wait3A_56 : memref<320x128xf32, #tpu.memory_space<hbm>>)
      tpu.yield
    }) : () -> ()
    %dma_start3A_37 = arith.constant 960 : i32
    %dma_start3A_38 = tpu.memref_slice %arg5[%dma_start3A_37] : memref<1280xi32, #tpu.memory_space<vmem>> -> memref<320xi32, #tpu.memory_space<vmem>>
    %dma_start3A_39 = arith.constant 0 : i32
    %dma_start3A_40 = arith.constant 0 : i32
    %dma_start3A_41 = tpu.memref_slice %arg2[%dma_start3A_39, %dma_start3A_40] : memref<10240x128xf32, #tpu.memory_space<hbm>> -> memref<10240x128xf32, #tpu.memory_space<hbm>>
    tpu.enqueue_indirect_dma source(%dma_start3A_41 : memref<10240x128xf32, #tpu.memory_space<hbm>>) target(%arg6 : memref<320x128xf32, #tpu.memory_space<vmem>>) offsets(%dma_start3A_38 : memref<320xi32, #tpu.memory_space<vmem>>) semaphore(%arg7 : memref<!tpu.dma_semaphore, #tpu.memory_space<semaphore_mem>>)
    %dma_wait3A_42 = arith.constant 960 : i32
    %dma_wait3A_43 = tpu.memref_slice %arg5[%dma_wait3A_42] : memref<1280xi32, #tpu.memory_space<vmem>> -> memref<320xi32, #tpu.memory_space<vmem>>
    %dma_wait3A_44 = arith.constant 0 : i32
    %dma_wait3A_45 = arith.constant 0 : i32
    %dma_wait3A_46 = tpu.memref_slice %arg2[%dma_wait3A_44, %dma_wait3A_45] : memref<10240x128xf32, #tpu.memory_space<hbm>> -> memref<10240x128xf32, #tpu.memory_space<hbm>>
    tpu.wait_indirect_dma semaphore(%arg7 : memref<!tpu.dma_semaphore, #tpu.memory_space<semaphore_mem>>) src(%dma_wait3A_46 : memref<10240x128xf32, #tpu.memory_space<hbm>>) dst(%arg6 : memref<320x128xf32, #tpu.memory_space<vmem>>)
    %add3A_47 = arith.constant 960 : i32
    %add3A_48 = arith.addi %mul3A_2, %add3A_47 : i32
    "tpu.region"() ({
      %run_scoped3A = tpu.sem_alloc : memref<!tpu.dma_semaphore, #tpu.memory_space<semaphore_mem>>
      %dma_start3A_49 = arith.constant 0 : i32
      %dma_start3A_50 = tpu.memref_slice %arg4[%add3A_48, %dma_start3A_49] : memref<40960x128xf32, #tpu.memory_space<hbm>> -> memref<320x128xf32, #tpu.memory_space<hbm>>
      %dma_start3A_51 = arith.constant 0 : i32
      %dma_start3A_52 = tpu.memref_slice %arg4[%add3A_48, %dma_start3A_51] : memref<40960x128xf32, #tpu.memory_space<hbm>> -> memref<320x128xf32, #tpu.memory_space<hbm>>
      tpu.enqueue_dma source(%arg6 : memref<320x128xf32, #tpu.memory_space<vmem>>) target(%dma_start3A_52 : memref<320x128xf32, #tpu.memory_space<hbm>>) target_semaphore(%run_scoped3A : memref<!tpu.dma_semaphore, #tpu.memory_space<semaphore_mem>>)
      %dma_wait3A_53 = arith.constant 0 : i32
      %dma_wait3A_54 = tpu.memref_slice %arg4[%add3A_48, %dma_wait3A_53] : memref<40960x128xf32, #tpu.memory_space<hbm>> -> memref<320x128xf32, #tpu.memory_space<hbm>>
      %dma_wait3A_55 = arith.constant 0 : i32
      %dma_wait3A_56 = tpu.memref_slice %arg4[%add3A_48, %dma_wait3A_55] : memref<40960x128xf32, #tpu.memory_space<hbm>> -> memref<320x128xf32, #tpu.memory_space<hbm>>
      tpu.wait_dma2 semaphore(%run_scoped3A : memref<!tpu.dma_semaphore, #tpu.memory_space<semaphore_mem>>) src(%arg6 : memref<320x128xf32, #tpu.memory_space<vmem>>) dst(%dma_wait3A_56 : memref<320x128xf32, #tpu.memory_space<hbm>>)
      tpu.yield
    }) : () -> ()
    return
  }
}

#map = affine_map<(d0, d1) -> (0, 0)>
#map1 = affine_map<(d0, d1) -> (0)>
module attributes {stable_mosaic.version = 14 : i64} {
  func.func @_k(%arg0: i32, %arg1: i32, %arg2: memref<10240x128xf32, #tpu.memory_space<hbm>>, %arg3: memref<40960xi32, #tpu.memory_space<hbm>>, %arg4: memref<40960x128xf32, #tpu.memory_space<hbm>>, %arg5: memref<1280xi32, #tpu.memory_space<vmem>>, %arg6: memref<320x128xf32, #tpu.memory_space<vmem>>, %arg7: memref<!tpu.dma_semaphore, #tpu.memory_space<semaphore_mem>>) attributes {dimension_semantics = [#tpu.dimension_semantics<core_parallel>, #tpu.dimension_semantics<subcore_parallel>], iteration_bounds = array<i64: 2, 16>, scalar_prefetch = 0 : i64, scratch_operands = 3 : i64, tpu.core_type = #tpu.core_type<sc_vector_subcore>, window_params = [{transform_indices = #map}, {transform_indices = #map1}, {transform_indices = #map}]} {
    %mul3A = arith.constant 2 : i32
    %mul3A_0 = arith.muli %arg1, %mul3A : i32
    %add3A = arith.addi %mul3A_0, %arg0 : i32
    %mul3A_1 = arith.constant 1280 : i32
    %mul3A_2 = arith.muli %add3A, %mul3A_1 : i32
    "tpu.region"() ({
      %run_scoped3A = tpu.sem_alloc : memref<!tpu.dma_semaphore, #tpu.memory_space<semaphore_mem>>
      %dma_start3A_49 = tpu.memref_slice %arg3[%mul3A_2] : memref<40960xi32, #tpu.memory_space<hbm>> -> memref<1280xi32, #tpu.memory_space<hbm>>
      %dma_start3A_50 = tpu.memref_slice %arg3[%mul3A_2] : memref<40960xi32, #tpu.memory_space<hbm>> -> memref<1280xi32, #tpu.memory_space<hbm>>
      tpu.enqueue_dma source(%dma_start3A_50 : memref<1280xi32, #tpu.memory_space<hbm>>) target(%arg5 : memref<1280xi32, #tpu.memory_space<vmem>>) target_semaphore(%run_scoped3A : memref<!tpu.dma_semaphore, #tpu.memory_space<semaphore_mem>>)
      %dma_wait3A_51 = tpu.memref_slice %arg3[%mul3A_2] : memref<40960xi32, #tpu.memory_space<hbm>> -> memref<1280xi32, #tpu.memory_space<hbm>>
      %dma_wait3A_52 = tpu.memref_slice %arg3[%mul3A_2] : memref<40960xi32, #tpu.memory_space<hbm>> -> memref<1280xi32, #tpu.memory_space<hbm>>
      tpu.wait_dma2 semaphore(%run_scoped3A : memref<!tpu.dma_semaphore, #tpu.memory_space<semaphore_mem>>) src(%dma_wait3A_52 : memref<1280xi32, #tpu.memory_space<hbm>>) dst(%arg5 : memref<1280xi32, #tpu.memory_space<vmem>>)
      tpu.yield
    }) : () -> ()
    %dma_start3A = arith.constant 0 : i32
    %dma_start3A_3 = tpu.memref_slice %arg5[%dma_start3A] : memref<1280xi32, #tpu.memory_space<vmem>> -> memref<320xi32, #tpu.memory_space<vmem>>
    %dma_start3A_4 = arith.constant 0 : i32
    %dma_start3A_5 = arith.constant 0 : i32
    %dma_start3A_6 = tpu.memref_slice %arg2[%dma_start3A_4, %dma_start3A_5] : memref<10240x128xf32, #tpu.memory_space<hbm>> -> memref<10240x128xf32, #tpu.memory_space<hbm>>
    tpu.enqueue_indirect_dma source(%dma_start3A_6 : memref<10240x128xf32, #tpu.memory_space<hbm>>) target(%arg6 : memref<320x128xf32, #tpu.memory_space<vmem>>) offsets(%dma_start3A_3 : memref<320xi32, #tpu.memory_space<vmem>>) semaphore(%arg7 : memref<!tpu.dma_semaphore, #tpu.memory_space<semaphore_mem>>)
    %dma_wait3A = arith.constant 0 : i32
    %dma_wait3A_7 = tpu.memref_slice %arg5[%dma_wait3A] : memref<1280xi32, #tpu.memory_space<vmem>> -> memref<320xi32, #tpu.memory_space<vmem>>
    %dma_wait3A_8 = arith.constant 0 : i32
    %dma_wait3A_9 = arith.constant 0 : i32
    %dma_wait3A_10 = tpu.memref_slice %arg2[%dma_wait3A_8, %dma_wait3A_9] : memref<10240x128xf32, #tpu.memory_space<hbm>> -> memref<10240x128xf32, #tpu.memory_space<hbm>>
    tpu.wait_indirect_dma semaphore(%arg7 : memref<!tpu.dma_semaphore, #tpu.memory_space<semaphore_mem>>) src(%dma_wait3A_10 : memref<10240x128xf32, #tpu.memory_space<hbm>>) dst(%arg6 : memref<320x128xf32, #tpu.memory_space<vmem>>)
    %add3A_11 = arith.constant 0 : i32
    %add3A_12 = arith.addi %mul3A_2, %add3A_11 : i32
    "tpu.region"() ({
      %run_scoped3A = tpu.sem_alloc : memref<!tpu.dma_semaphore, #tpu.memory_space<semaphore_mem>>
      %dma_start3A_49 = arith.constant 0 : i32
      %dma_start3A_50 = tpu.memref_slice %arg4[%add3A_12, %dma_start3A_49] : memref<40960x128xf32, #tpu.memory_space<hbm>> -> memref<320x128xf32, #tpu.memory_space<hbm>>
      %dma_start3A_51 = arith.constant 0 : i32
      %dma_start3A_52 = tpu.memref_slice %arg4[%add3A_12, %dma_start3A_51] : memref<40960x128xf32, #tpu.memory_space<hbm>> -> memref<320x128xf32, #tpu.memory_space<hbm>>
      tpu.enqueue_dma source(%arg6 : memref<320x128xf32, #tpu.memory_space<vmem>>) target(%dma_start3A_52 : memref<320x128xf32, #tpu.memory_space<hbm>>) target_semaphore(%run_scoped3A : memref<!tpu.dma_semaphore, #tpu.memory_space<semaphore_mem>>)
      %dma_wait3A_53 = arith.constant 0 : i32
      %dma_wait3A_54 = tpu.memref_slice %arg4[%add3A_12, %dma_wait3A_53] : memref<40960x128xf32, #tpu.memory_space<hbm>> -> memref<320x128xf32, #tpu.memory_space<hbm>>
      %dma_wait3A_55 = arith.constant 0 : i32
      %dma_wait3A_56 = tpu.memref_slice %arg4[%add3A_12, %dma_wait3A_55] : memref<40960x128xf32, #tpu.memory_space<hbm>> -> memref<320x128xf32, #tpu.memory_space<hbm>>
      tpu.wait_dma2 semaphore(%run_scoped3A : memref<!tpu.dma_semaphore, #tpu.memory_space<semaphore_mem>>) src(%arg6 : memref<320x128xf32, #tpu.memory_space<vmem>>) dst(%dma_wait3A_56 : memref<320x128xf32, #tpu.memory_space<hbm>>)
      tpu.yield
    }) : () -> ()
    %dma_start3A_13 = arith.constant 320 : i32
    %dma_start3A_14 = tpu.memref_slice %arg5[%dma_start3A_13] : memref<1280xi32, #tpu.memory_space<vmem>> -> memref<320xi32, #tpu.memory_space<vmem>>
    %dma_start3A_15 = arith.constant 0 : i32
    %dma_start3A_16 = arith.constant 0 : i32
    %dma_start3A_17 = tpu.memref_slice %arg2[%dma_start3A_15, %dma_start3A_16] : memref<10240x128xf32, #tpu.memory_space<hbm>> -> memref<10240x128xf32, #tpu.memory_space<hbm>>
    tpu.enqueue_indirect_dma source(%dma_start3A_17 : memref<10240x128xf32, #tpu.memory_space<hbm>>) target(%arg6 : memref<320x128xf32, #tpu.memory_space<vmem>>) offsets(%dma_start3A_14 : memref<320xi32, #tpu.memory_space<vmem>>) semaphore(%arg7 : memref<!tpu.dma_semaphore, #tpu.memory_space<semaphore_mem>>)
    %dma_wait3A_18 = arith.constant 320 : i32
    %dma_wait3A_19 = tpu.memref_slice %arg5[%dma_wait3A_18] : memref<1280xi32, #tpu.memory_space<vmem>> -> memref<320xi32, #tpu.memory_space<vmem>>
    %dma_wait3A_20 = arith.constant 0 : i32
    %dma_wait3A_21 = arith.constant 0 : i32
    %dma_wait3A_22 = tpu.memref_slice %arg2[%dma_wait3A_20, %dma_wait3A_21] : memref<10240x128xf32, #tpu.memory_space<hbm>> -> memref<10240x128xf32, #tpu.memory_space<hbm>>
    tpu.wait_indirect_dma semaphore(%arg7 : memref<!tpu.dma_semaphore, #tpu.memory_space<semaphore_mem>>) src(%dma_wait3A_22 : memref<10240x128xf32, #tpu.memory_space<hbm>>) dst(%arg6 : memref<320x128xf32, #tpu.memory_space<vmem>>)
    %add3A_23 = arith.constant 320 : i32
    %add3A_24 = arith.addi %mul3A_2, %add3A_23 : i32
    "tpu.region"() ({
      %run_scoped3A = tpu.sem_alloc : memref<!tpu.dma_semaphore, #tpu.memory_space<semaphore_mem>>
      %dma_start3A_49 = arith.constant 0 : i32
      %dma_start3A_50 = tpu.memref_slice %arg4[%add3A_24, %dma_start3A_49] : memref<40960x128xf32, #tpu.memory_space<hbm>> -> memref<320x128xf32, #tpu.memory_space<hbm>>
      %dma_start3A_51 = arith.constant 0 : i32
      %dma_start3A_52 = tpu.memref_slice %arg4[%add3A_24, %dma_start3A_51] : memref<40960x128xf32, #tpu.memory_space<hbm>> -> memref<320x128xf32, #tpu.memory_space<hbm>>
      tpu.enqueue_dma source(%arg6 : memref<320x128xf32, #tpu.memory_space<vmem>>) target(%dma_start3A_52 : memref<320x128xf32, #tpu.memory_space<hbm>>) target_semaphore(%run_scoped3A : memref<!tpu.dma_semaphore, #tpu.memory_space<semaphore_mem>>)
      %dma_wait3A_53 = arith.constant 0 : i32
      %dma_wait3A_54 = tpu.memref_slice %arg4[%add3A_24, %dma_wait3A_53] : memref<40960x128xf32, #tpu.memory_space<hbm>> -> memref<320x128xf32, #tpu.memory_space<hbm>>
      %dma_wait3A_55 = arith.constant 0 : i32
      %dma_wait3A_56 = tpu.memref_slice %arg4[%add3A_24, %dma_wait3A_55] : memref<40960x128xf32, #tpu.memory_space<hbm>> -> memref<320x128xf32, #tpu.memory_space<hbm>>
      tpu.wait_dma2 semaphore(%run_scoped3A : memref<!tpu.dma_semaphore, #tpu.memory_space<semaphore_mem>>) src(%arg6 : memref<320x128xf32, #tpu.memory_space<vmem>>) dst(%dma_wait3A_56 : memref<320x128xf32, #tpu.memory_space<hbm>>)
      tpu.yield
    }) : () -> ()
    %dma_start3A_25 = arith.constant 640 : i32
    %dma_start3A_26 = tpu.memref_slice %arg5[%dma_start3A_25] : memref<1280xi32, #tpu.memory_space<vmem>> -> memref<320xi32, #tpu.memory_space<vmem>>
    %dma_start3A_27 = arith.constant 0 : i32
    %dma_start3A_28 = arith.constant 0 : i32
    %dma_start3A_29 = tpu.memref_slice %arg2[%dma_start3A_27, %dma_start3A_28] : memref<10240x128xf32, #tpu.memory_space<hbm>> -> memref<10240x128xf32, #tpu.memory_space<hbm>>
    tpu.enqueue_indirect_dma source(%dma_start3A_29 : memref<10240x128xf32, #tpu.memory_space<hbm>>) target(%arg6 : memref<320x128xf32, #tpu.memory_space<vmem>>) offsets(%dma_start3A_26 : memref<320xi32, #tpu.memory_space<vmem>>) semaphore(%arg7 : memref<!tpu.dma_semaphore, #tpu.memory_space<semaphore_mem>>)
    %dma_wait3A_30 = arith.constant 640 : i32
    %dma_wait3A_31 = tpu.memref_slice %arg5[%dma_wait3A_30] : memref<1280xi32, #tpu.memory_space<vmem>> -> memref<320xi32, #tpu.memory_space<vmem>>
    %dma_wait3A_32 = arith.constant 0 : i32
    %dma_wait3A_33 = arith.constant 0 : i32
    %dma_wait3A_34 = tpu.memref_slice %arg2[%dma_wait3A_32, %dma_wait3A_33] : memref<10240x128xf32, #tpu.memory_space<hbm>> -> memref<10240x128xf32, #tpu.memory_space<hbm>>
    tpu.wait_indirect_dma semaphore(%arg7 : memref<!tpu.dma_semaphore, #tpu.memory_space<semaphore_mem>>) src(%dma_wait3A_34 : memref<10240x128xf32, #tpu.memory_space<hbm>>) dst(%arg6 : memref<320x128xf32, #tpu.memory_space<vmem>>)
    %add3A_35 = arith.constant 640 : i32
    %add3A_36 = arith.addi %mul3A_2, %add3A_35 : i32
    "tpu.region"() ({
      %run_scoped3A = tpu.sem_alloc : memref<!tpu.dma_semaphore, #tpu.memory_space<semaphore_mem>>
      %dma_start3A_49 = arith.constant 0 : i32
      %dma_start3A_50 = tpu.memref_slice %arg4[%add3A_36, %dma_start3A_49] : memref<40960x128xf32, #tpu.memory_space<hbm>> -> memref<320x128xf32, #tpu.memory_space<hbm>>
      %dma_start3A_51 = arith.constant 0 : i32
      %dma_start3A_52 = tpu.memref_slice %arg4[%add3A_36, %dma_start3A_51] : memref<40960x128xf32, #tpu.memory_space<hbm>> -> memref<320x128xf32, #tpu.memory_space<hbm>>
      tpu.enqueue_dma source(%arg6 : memref<320x128xf32, #tpu.memory_space<vmem>>) target(%dma_start3A_52 : memref<320x128xf32, #tpu.memory_space<hbm>>) target_semaphore(%run_scoped3A : memref<!tpu.dma_semaphore, #tpu.memory_space<semaphore_mem>>)
      %dma_wait3A_53 = arith.constant 0 : i32
      %dma_wait3A_54 = tpu.memref_slice %arg4[%add3A_36, %dma_wait3A_53] : memref<40960x128xf32, #tpu.memory_space<hbm>> -> memref<320x128xf32, #tpu.memory_space<hbm>>
      %dma_wait3A_55 = arith.constant 0 : i32
      %dma_wait3A_56 = tpu.memref_slice %arg4[%add3A_36, %dma_wait3A_55] : memref<40960x128xf32, #tpu.memory_space<hbm>> -> memref<320x128xf32, #tpu.memory_space<hbm>>
      tpu.wait_dma2 semaphore(%run_scoped3A : memref<!tpu.dma_semaphore, #tpu.memory_space<semaphore_mem>>) src(%arg6 : memref<320x128xf32, #tpu.memory_space<vmem>>) dst(%dma_wait3A_56 : memref<320x128xf32, #tpu.memory_space<hbm>>)
      tpu.yield
    }) : () -> ()
    %dma_start3A_37 = arith.constant 960 : i32
    %dma_start3A_38 = tpu.memref_slice %arg5[%dma_start3A_37] : memref<1280xi32, #tpu.memory_space<vmem>> -> memref<320xi32, #tpu.memory_space<vmem>>
    %dma_start3A_39 = arith.constant 0 : i32
    %dma_start3A_40 = arith.constant 0 : i32
    %dma_start3A_41 = tpu.memref_slice %arg2[%dma_start3A_39, %dma_start3A_40] : memref<10240x128xf32, #tpu.memory_space<hbm>> -> memref<10240x128xf32, #tpu.memory_space<hbm>>
    tpu.enqueue_indirect_dma source(%dma_start3A_41 : memref<10240x128xf32, #tpu.memory_space<hbm>>) target(%arg6 : memref<320x128xf32, #tpu.memory_space<vmem>>) offsets(%dma_start3A_38 : memref<320xi32, #tpu.memory_space<vmem>>) semaphore(%arg7 : memref<!tpu.dma_semaphore, #tpu.memory_space<semaphore_mem>>)
    %dma_wait3A_42 = arith.constant 960 : i32
    %dma_wait3A_43 = tpu.memref_slice %arg5[%dma_wait3A_42] : memref<1280xi32, #tpu.memory_space<vmem>> -> memref<320xi32, #tpu.memory_space<vmem>>
    %dma_wait3A_44 = arith.constant 0 : i32
    %dma_wait3A_45 = arith.constant 0 : i32
    %dma_wait3A_46 = tpu.memref_slice %arg2[%dma_wait3A_44, %dma_wait3A_45] : memref<10240x128xf32, #tpu.memory_space<hbm>> -> memref<10240x128xf32, #tpu.memory_space<hbm>>
    tpu.wait_indirect_dma semaphore(%arg7 : memref<!tpu.dma_semaphore, #tpu.memory_space<semaphore_mem>>) src(%dma_wait3A_46 : memref<10240x128xf32, #tpu.memory_space<hbm>>) dst(%arg6 : memref<320x128xf32, #tpu.memory_space<vmem>>)
    %add3A_47 = arith.constant 960 : i32
    %add3A_48 = arith.addi %mul3A_2, %add3A_47 : i32
    "tpu.region"() ({
      %run_scoped3A = tpu.sem_alloc : memref<!tpu.dma_semaphore, #tpu.memory_space<semaphore_mem>>
      %dma_start3A_49 = arith.constant 0 : i32
      %dma_start3A_50 = tpu.memref_slice %arg4[%add3A_48, %dma_start3A_49] : memref<40960x128xf32, #tpu.memory_space<hbm>> -> memref<320x128xf32, #tpu.memory_space<hbm>>
      %dma_start3A_51 = arith.constant 0 : i32
      %dma_start3A_52 = tpu.memref_slice %arg4[%add3A_48, %dma_start3A_51] : memref<40960x128xf32, #tpu.memory_space<hbm>> -> memref<320x128xf32, #tpu.memory_space<hbm>>
      tpu.enqueue_dma source(%arg6 : memref<320x128xf32, #tpu.memory_space<vmem>>) target(%dma_start3A_52 : memref<320x128xf32, #tpu.memory_space<hbm>>) target_semaphore(%run_scoped3A : memref<!tpu.dma_semaphore, #tpu.memory_space<semaphore_mem>>)
      %dma_wait3A_53 = arith.constant 0 : i32
      %dma_wait3A_54 = tpu.memref_slice %arg4[%add3A_48, %dma_wait3A_53] : memref<40960x128xf32, #tpu.memory_space<hbm>> -> memref<320x128xf32, #tpu.memory_space<hbm>>
      %dma_wait3A_55 = arith.constant 0 : i32
      %dma_wait3A_56 = tpu.memref_slice %arg4[%add3A_48, %dma_wait3A_55] : memref<40960x128xf32, #tpu.memory_space<hbm>> -> memref<320x128xf32, #tpu.memory_space<hbm>>
      tpu.wait_dma2 semaphore(%run_scoped3A : memref<!tpu.dma_semaphore, #tpu.memory_space<semaphore_mem>>) src(%arg6 : memref<320x128xf32, #tpu.memory_space<vmem>>) dst(%dma_wait3A_56 : memref<320x128xf32, #tpu.memory_space<hbm>>)
      tpu.yield
    }) : () -> ()
    return
  }
}

#map = affine_map<(d0, d1) -> (0, 0)>
#map1 = affine_map<(d0, d1) -> (0)>
module attributes {stable_mosaic.version = 14 : i64} {
  func.func @_k(%arg0: i32, %arg1: i32, %arg2: memref<10240x128xf32, #tpu.memory_space<hbm>>, %arg3: memref<40960xi32, #tpu.memory_space<hbm>>, %arg4: memref<40960x128xf32, #tpu.memory_space<hbm>>, %arg5: memref<1280xi32, #tpu.memory_space<vmem>>, %arg6: memref<320x128xf32, #tpu.memory_space<vmem>>, %arg7: memref<!tpu.dma_semaphore, #tpu.memory_space<semaphore_mem>>) attributes {dimension_semantics = [#tpu.dimension_semantics<core_parallel>, #tpu.dimension_semantics<subcore_parallel>], iteration_bounds = array<i64: 2, 16>, scalar_prefetch = 0 : i64, scratch_operands = 3 : i64, tpu.core_type = #tpu.core_type<sc_vector_subcore>, window_params = [{transform_indices = #map}, {transform_indices = #map1}, {transform_indices = #map}]} {
    %mul3A = arith.constant 2 : i32
    %mul3A_0 = arith.muli %arg1, %mul3A : i32
    %add3A = arith.addi %mul3A_0, %arg0 : i32
    %mul3A_1 = arith.constant 1280 : i32
    %mul3A_2 = arith.muli %add3A, %mul3A_1 : i32
    "tpu.region"() ({
      %run_scoped3A = tpu.sem_alloc : memref<!tpu.dma_semaphore, #tpu.memory_space<semaphore_mem>>
      %dma_start3A_49 = tpu.memref_slice %arg3[%mul3A_2] : memref<40960xi32, #tpu.memory_space<hbm>> -> memref<1280xi32, #tpu.memory_space<hbm>>
      %dma_start3A_50 = tpu.memref_slice %arg3[%mul3A_2] : memref<40960xi32, #tpu.memory_space<hbm>> -> memref<1280xi32, #tpu.memory_space<hbm>>
      tpu.enqueue_dma source(%dma_start3A_50 : memref<1280xi32, #tpu.memory_space<hbm>>) target(%arg5 : memref<1280xi32, #tpu.memory_space<vmem>>) target_semaphore(%run_scoped3A : memref<!tpu.dma_semaphore, #tpu.memory_space<semaphore_mem>>)
      %dma_wait3A_51 = tpu.memref_slice %arg3[%mul3A_2] : memref<40960xi32, #tpu.memory_space<hbm>> -> memref<1280xi32, #tpu.memory_space<hbm>>
      %dma_wait3A_52 = tpu.memref_slice %arg3[%mul3A_2] : memref<40960xi32, #tpu.memory_space<hbm>> -> memref<1280xi32, #tpu.memory_space<hbm>>
      tpu.wait_dma2 semaphore(%run_scoped3A : memref<!tpu.dma_semaphore, #tpu.memory_space<semaphore_mem>>) src(%dma_wait3A_52 : memref<1280xi32, #tpu.memory_space<hbm>>) dst(%arg5 : memref<1280xi32, #tpu.memory_space<vmem>>)
      tpu.yield
    }) : () -> ()
    %dma_start3A = arith.constant 0 : i32
    %dma_start3A_3 = tpu.memref_slice %arg5[%dma_start3A] : memref<1280xi32, #tpu.memory_space<vmem>> -> memref<320xi32, #tpu.memory_space<vmem>>
    %dma_start3A_4 = arith.constant 0 : i32
    %dma_start3A_5 = arith.constant 0 : i32
    %dma_start3A_6 = tpu.memref_slice %arg2[%dma_start3A_4, %dma_start3A_5] : memref<10240x128xf32, #tpu.memory_space<hbm>> -> memref<10240x128xf32, #tpu.memory_space<hbm>>
    tpu.enqueue_indirect_dma source(%dma_start3A_6 : memref<10240x128xf32, #tpu.memory_space<hbm>>) target(%arg6 : memref<320x128xf32, #tpu.memory_space<vmem>>) offsets(%dma_start3A_3 : memref<320xi32, #tpu.memory_space<vmem>>) semaphore(%arg7 : memref<!tpu.dma_semaphore, #tpu.memory_space<semaphore_mem>>)
    %dma_wait3A = arith.constant 0 : i32
    %dma_wait3A_7 = tpu.memref_slice %arg5[%dma_wait3A] : memref<1280xi32, #tpu.memory_space<vmem>> -> memref<320xi32, #tpu.memory_space<vmem>>
    %dma_wait3A_8 = arith.constant 0 : i32
    %dma_wait3A_9 = arith.constant 0 : i32
    %dma_wait3A_10 = tpu.memref_slice %arg2[%dma_wait3A_8, %dma_wait3A_9] : memref<10240x128xf32, #tpu.memory_space<hbm>> -> memref<10240x128xf32, #tpu.memory_space<hbm>>
    tpu.wait_indirect_dma semaphore(%arg7 : memref<!tpu.dma_semaphore, #tpu.memory_space<semaphore_mem>>) src(%dma_wait3A_10 : memref<10240x128xf32, #tpu.memory_space<hbm>>) dst(%arg6 : memref<320x128xf32, #tpu.memory_space<vmem>>)
    %add3A_11 = arith.constant 0 : i32
    %add3A_12 = arith.addi %mul3A_2, %add3A_11 : i32
    "tpu.region"() ({
      %run_scoped3A = tpu.sem_alloc : memref<!tpu.dma_semaphore, #tpu.memory_space<semaphore_mem>>
      %dma_start3A_49 = arith.constant 0 : i32
      %dma_start3A_50 = tpu.memref_slice %arg4[%add3A_12, %dma_start3A_49] : memref<40960x128xf32, #tpu.memory_space<hbm>> -> memref<320x128xf32, #tpu.memory_space<hbm>>
      %dma_start3A_51 = arith.constant 0 : i32
      %dma_start3A_52 = tpu.memref_slice %arg4[%add3A_12, %dma_start3A_51] : memref<40960x128xf32, #tpu.memory_space<hbm>> -> memref<320x128xf32, #tpu.memory_space<hbm>>
      tpu.enqueue_dma source(%arg6 : memref<320x128xf32, #tpu.memory_space<vmem>>) target(%dma_start3A_52 : memref<320x128xf32, #tpu.memory_space<hbm>>) target_semaphore(%run_scoped3A : memref<!tpu.dma_semaphore, #tpu.memory_space<semaphore_mem>>)
      %dma_wait3A_53 = arith.constant 0 : i32
      %dma_wait3A_54 = tpu.memref_slice %arg4[%add3A_12, %dma_wait3A_53] : memref<40960x128xf32, #tpu.memory_space<hbm>> -> memref<320x128xf32, #tpu.memory_space<hbm>>
      %dma_wait3A_55 = arith.constant 0 : i32
      %dma_wait3A_56 = tpu.memref_slice %arg4[%add3A_12, %dma_wait3A_55] : memref<40960x128xf32, #tpu.memory_space<hbm>> -> memref<320x128xf32, #tpu.memory_space<hbm>>
      tpu.wait_dma2 semaphore(%run_scoped3A : memref<!tpu.dma_semaphore, #tpu.memory_space<semaphore_mem>>) src(%arg6 : memref<320x128xf32, #tpu.memory_space<vmem>>) dst(%dma_wait3A_56 : memref<320x128xf32, #tpu.memory_space<hbm>>)
      tpu.yield
    }) : () -> ()
    %dma_start3A_13 = arith.constant 320 : i32
    %dma_start3A_14 = tpu.memref_slice %arg5[%dma_start3A_13] : memref<1280xi32, #tpu.memory_space<vmem>> -> memref<320xi32, #tpu.memory_space<vmem>>
    %dma_start3A_15 = arith.constant 0 : i32
    %dma_start3A_16 = arith.constant 0 : i32
    %dma_start3A_17 = tpu.memref_slice %arg2[%dma_start3A_15, %dma_start3A_16] : memref<10240x128xf32, #tpu.memory_space<hbm>> -> memref<10240x128xf32, #tpu.memory_space<hbm>>
    tpu.enqueue_indirect_dma source(%dma_start3A_17 : memref<10240x128xf32, #tpu.memory_space<hbm>>) target(%arg6 : memref<320x128xf32, #tpu.memory_space<vmem>>) offsets(%dma_start3A_14 : memref<320xi32, #tpu.memory_space<vmem>>) semaphore(%arg7 : memref<!tpu.dma_semaphore, #tpu.memory_space<semaphore_mem>>)
    %dma_wait3A_18 = arith.constant 320 : i32
    %dma_wait3A_19 = tpu.memref_slice %arg5[%dma_wait3A_18] : memref<1280xi32, #tpu.memory_space<vmem>> -> memref<320xi32, #tpu.memory_space<vmem>>
    %dma_wait3A_20 = arith.constant 0 : i32
    %dma_wait3A_21 = arith.constant 0 : i32
    %dma_wait3A_22 = tpu.memref_slice %arg2[%dma_wait3A_20, %dma_wait3A_21] : memref<10240x128xf32, #tpu.memory_space<hbm>> -> memref<10240x128xf32, #tpu.memory_space<hbm>>
    tpu.wait_indirect_dma semaphore(%arg7 : memref<!tpu.dma_semaphore, #tpu.memory_space<semaphore_mem>>) src(%dma_wait3A_22 : memref<10240x128xf32, #tpu.memory_space<hbm>>) dst(%arg6 : memref<320x128xf32, #tpu.memory_space<vmem>>)
    %add3A_23 = arith.constant 320 : i32
    %add3A_24 = arith.addi %mul3A_2, %add3A_23 : i32
    "tpu.region"() ({
      %run_scoped3A = tpu.sem_alloc : memref<!tpu.dma_semaphore, #tpu.memory_space<semaphore_mem>>
      %dma_start3A_49 = arith.constant 0 : i32
      %dma_start3A_50 = tpu.memref_slice %arg4[%add3A_24, %dma_start3A_49] : memref<40960x128xf32, #tpu.memory_space<hbm>> -> memref<320x128xf32, #tpu.memory_space<hbm>>
      %dma_start3A_51 = arith.constant 0 : i32
      %dma_start3A_52 = tpu.memref_slice %arg4[%add3A_24, %dma_start3A_51] : memref<40960x128xf32, #tpu.memory_space<hbm>> -> memref<320x128xf32, #tpu.memory_space<hbm>>
      tpu.enqueue_dma source(%arg6 : memref<320x128xf32, #tpu.memory_space<vmem>>) target(%dma_start3A_52 : memref<320x128xf32, #tpu.memory_space<hbm>>) target_semaphore(%run_scoped3A : memref<!tpu.dma_semaphore, #tpu.memory_space<semaphore_mem>>)
      %dma_wait3A_53 = arith.constant 0 : i32
      %dma_wait3A_54 = tpu.memref_slice %arg4[%add3A_24, %dma_wait3A_53] : memref<40960x128xf32, #tpu.memory_space<hbm>> -> memref<320x128xf32, #tpu.memory_space<hbm>>
      %dma_wait3A_55 = arith.constant 0 : i32
      %dma_wait3A_56 = tpu.memref_slice %arg4[%add3A_24, %dma_wait3A_55] : memref<40960x128xf32, #tpu.memory_space<hbm>> -> memref<320x128xf32, #tpu.memory_space<hbm>>
      tpu.wait_dma2 semaphore(%run_scoped3A : memref<!tpu.dma_semaphore, #tpu.memory_space<semaphore_mem>>) src(%arg6 : memref<320x128xf32, #tpu.memory_space<vmem>>) dst(%dma_wait3A_56 : memref<320x128xf32, #tpu.memory_space<hbm>>)
      tpu.yield
    }) : () -> ()
    %dma_start3A_25 = arith.constant 640 : i32
    %dma_start3A_26 = tpu.memref_slice %arg5[%dma_start3A_25] : memref<1280xi32, #tpu.memory_space<vmem>> -> memref<320xi32, #tpu.memory_space<vmem>>
    %dma_start3A_27 = arith.constant 0 : i32
    %dma_start3A_28 = arith.constant 0 : i32
    %dma_start3A_29 = tpu.memref_slice %arg2[%dma_start3A_27, %dma_start3A_28] : memref<10240x128xf32, #tpu.memory_space<hbm>> -> memref<10240x128xf32, #tpu.memory_space<hbm>>
    tpu.enqueue_indirect_dma source(%dma_start3A_29 : memref<10240x128xf32, #tpu.memory_space<hbm>>) target(%arg6 : memref<320x128xf32, #tpu.memory_space<vmem>>) offsets(%dma_start3A_26 : memref<320xi32, #tpu.memory_space<vmem>>) semaphore(%arg7 : memref<!tpu.dma_semaphore, #tpu.memory_space<semaphore_mem>>)
    %dma_wait3A_30 = arith.constant 640 : i32
    %dma_wait3A_31 = tpu.memref_slice %arg5[%dma_wait3A_30] : memref<1280xi32, #tpu.memory_space<vmem>> -> memref<320xi32, #tpu.memory_space<vmem>>
    %dma_wait3A_32 = arith.constant 0 : i32
    %dma_wait3A_33 = arith.constant 0 : i32
    %dma_wait3A_34 = tpu.memref_slice %arg2[%dma_wait3A_32, %dma_wait3A_33] : memref<10240x128xf32, #tpu.memory_space<hbm>> -> memref<10240x128xf32, #tpu.memory_space<hbm>>
    tpu.wait_indirect_dma semaphore(%arg7 : memref<!tpu.dma_semaphore, #tpu.memory_space<semaphore_mem>>) src(%dma_wait3A_34 : memref<10240x128xf32, #tpu.memory_space<hbm>>) dst(%arg6 : memref<320x128xf32, #tpu.memory_space<vmem>>)
    %add3A_35 = arith.constant 640 : i32
    %add3A_36 = arith.addi %mul3A_2, %add3A_35 : i32
    "tpu.region"() ({
      %run_scoped3A = tpu.sem_alloc : memref<!tpu.dma_semaphore, #tpu.memory_space<semaphore_mem>>
      %dma_start3A_49 = arith.constant 0 : i32
      %dma_start3A_50 = tpu.memref_slice %arg4[%add3A_36, %dma_start3A_49] : memref<40960x128xf32, #tpu.memory_space<hbm>> -> memref<320x128xf32, #tpu.memory_space<hbm>>
      %dma_start3A_51 = arith.constant 0 : i32
      %dma_start3A_52 = tpu.memref_slice %arg4[%add3A_36, %dma_start3A_51] : memref<40960x128xf32, #tpu.memory_space<hbm>> -> memref<320x128xf32, #tpu.memory_space<hbm>>
      tpu.enqueue_dma source(%arg6 : memref<320x128xf32, #tpu.memory_space<vmem>>) target(%dma_start3A_52 : memref<320x128xf32, #tpu.memory_space<hbm>>) target_semaphore(%run_scoped3A : memref<!tpu.dma_semaphore, #tpu.memory_space<semaphore_mem>>)
      %dma_wait3A_53 = arith.constant 0 : i32
      %dma_wait3A_54 = tpu.memref_slice %arg4[%add3A_36, %dma_wait3A_53] : memref<40960x128xf32, #tpu.memory_space<hbm>> -> memref<320x128xf32, #tpu.memory_space<hbm>>
      %dma_wait3A_55 = arith.constant 0 : i32
      %dma_wait3A_56 = tpu.memref_slice %arg4[%add3A_36, %dma_wait3A_55] : memref<40960x128xf32, #tpu.memory_space<hbm>> -> memref<320x128xf32, #tpu.memory_space<hbm>>
      tpu.wait_dma2 semaphore(%run_scoped3A : memref<!tpu.dma_semaphore, #tpu.memory_space<semaphore_mem>>) src(%arg6 : memref<320x128xf32, #tpu.memory_space<vmem>>) dst(%dma_wait3A_56 : memref<320x128xf32, #tpu.memory_space<hbm>>)
      tpu.yield
    }) : () -> ()
    %dma_start3A_37 = arith.constant 960 : i32
    %dma_start3A_38 = tpu.memref_slice %arg5[%dma_start3A_37] : memref<1280xi32, #tpu.memory_space<vmem>> -> memref<320xi32, #tpu.memory_space<vmem>>
    %dma_start3A_39 = arith.constant 0 : i32
    %dma_start3A_40 = arith.constant 0 : i32
    %dma_start3A_41 = tpu.memref_slice %arg2[%dma_start3A_39, %dma_start3A_40] : memref<10240x128xf32, #tpu.memory_space<hbm>> -> memref<10240x128xf32, #tpu.memory_space<hbm>>
    tpu.enqueue_indirect_dma source(%dma_start3A_41 : memref<10240x128xf32, #tpu.memory_space<hbm>>) target(%arg6 : memref<320x128xf32, #tpu.memory_space<vmem>>) offsets(%dma_start3A_38 : memref<320xi32, #tpu.memory_space<vmem>>) semaphore(%arg7 : memref<!tpu.dma_semaphore, #tpu.memory_space<semaphore_mem>>)
    %dma_wait3A_42 = arith.constant 960 : i32
    %dma_wait3A_43 = tpu.memref_slice %arg5[%dma_wait3A_42] : memref<1280xi32, #tpu.memory_space<vmem>> -> memref<320xi32, #tpu.memory_space<vmem>>
    %dma_wait3A_44 = arith.constant 0 : i32
    %dma_wait3A_45 = arith.constant 0 : i32
    %dma_wait3A_46 = tpu.memref_slice %arg2[%dma_wait3A_44, %dma_wait3A_45] : memref<10240x128xf32, #tpu.memory_space<hbm>> -> memref<10240x128xf32, #tpu.memory_space<hbm>>
    tpu.wait_indirect_dma semaphore(%arg7 : memref<!tpu.dma_semaphore, #tpu.memory_space<semaphore_mem>>) src(%dma_wait3A_46 : memref<10240x128xf32, #tpu.memory_space<hbm>>) dst(%arg6 : memref<320x128xf32, #tpu.memory_space<vmem>>)
    %add3A_47 = arith.constant 960 : i32
    %add3A_48 = arith.addi %mul3A_2, %add3A_47 : i32
    "tpu.region"() ({
      %run_scoped3A = tpu.sem_alloc : memref<!tpu.dma_semaphore, #tpu.memory_space<semaphore_mem>>
      %dma_start3A_49 = arith.constant 0 : i32
      %dma_start3A_50 = tpu.memref_slice %arg4[%add3A_48, %dma_start3A_49] : memref<40960x128xf32, #tpu.memory_space<hbm>> -> memref<320x128xf32, #tpu.memory_space<hbm>>
      %dma_start3A_51 = arith.constant 0 : i32
      %dma_start3A_52 = tpu.memref_slice %arg4[%add3A_48, %dma_start3A_51] : memref<40960x128xf32, #tpu.memory_space<hbm>> -> memref<320x128xf32, #tpu.memory_space<hbm>>
      tpu.enqueue_dma source(%arg6 : memref<320x128xf32, #tpu.memory_space<vmem>>) target(%dma_start3A_52 : memref<320x128xf32, #tpu.memory_space<hbm>>) target_semaphore(%run_scoped3A : memref<!tpu.dma_semaphore, #tpu.memory_space<semaphore_mem>>)
      %dma_wait3A_53 = arith.constant 0 : i32
      %dma_wait3A_54 = tpu.memref_slice %arg4[%add3A_48, %dma_wait3A_53] : memref<40960x128xf32, #tpu.memory_space<hbm>> -> memref<320x128xf32, #tpu.memory_space<hbm>>
      %dma_wait3A_55 = arith.constant 0 : i32
      %dma_wait3A_56 = tpu.memref_slice %arg4[%add3A_48, %dma_wait3A_55] : memref<40960x128xf32, #tpu.memory_space<hbm>> -> memref<320x128xf32, #tpu.memory_space<hbm>>
      tpu.wait_dma2 semaphore(%run_scoped3A : memref<!tpu.dma_semaphore, #tpu.memory_space<semaphore_mem>>) src(%arg6 : memref<320x128xf32, #tpu.memory_space<vmem>>) dst(%dma_wait3A_56 : memref<320x128xf32, #tpu.memory_space<hbm>>)
      tpu.yield
    }) : () -> ()
    return
  }
}

module attributes {stable_mosaic.version = 14 : i64} {
  func.func @_enc_body(%arg0: i32, %arg1: memref<512x16xf32, #tpu.memory_space<vmem>>, %arg2: memref<16x128xf32, #tpu.memory_space<vmem>>, %arg3: memref<1x128xf32, #tpu.memory_space<vmem>>, %arg4: memref<128x128xf32, #tpu.memory_space<vmem>>, %arg5: memref<1x128xf32, #tpu.memory_space<vmem>>, %arg6: memref<128x128xf32, #tpu.memory_space<vmem>>, %arg7: memref<512x128xf32, #tpu.memory_space<vmem>>, %arg8: memref<512x128xf32, #tpu.memory_space<vmem>>, %arg9: memref<512x1xf32, #tpu.memory_space<vmem>>) attributes {dimension_semantics = [#tpu.dimension_semantics<arbitrary>], iteration_bounds = array<i64: 20>, scalar_prefetch = 0 : i64, scratch_operands = 0 : i64, tpu.core_type = #tpu.core_type<tc>, window_params = [{transform_indices = @transform_0, window_bounds = array<i64: 512, 16>}, {pipeline_mode = #tpu.pipeline_mode<synchronous>, transform_indices = @transform_1, window_bounds = array<i64: 16, 128>}, {pipeline_mode = #tpu.pipeline_mode<synchronous>, transform_indices = @transform_2, window_bounds = array<i64: 1, 128>}, {pipeline_mode = #tpu.pipeline_mode<synchronous>, transform_indices = @transform_3, window_bounds = array<i64: 128, 128>}, {pipeline_mode = #tpu.pipeline_mode<synchronous>, transform_indices = @transform_4, window_bounds = array<i64: 1, 128>}, {pipeline_mode = #tpu.pipeline_mode<synchronous>, transform_indices = @transform_5, window_bounds = array<i64: 128, 128>}, {transform_indices = @transform_6, window_bounds = array<i64: 512, 128>}, {transform_indices = @transform_7, window_bounds = array<i64: 512, 128>}, {transform_indices = @transform_8, window_bounds = array<i64: 512, 1>}]} {
    %get3A = arith.constant 0 : index
    %get3A_0 = arith.constant 0 : index
    %get3A_1 = vector.load %arg1[%get3A, %get3A_0] : memref<512x16xf32, #tpu.memory_space<vmem>>, vector<512x16xf32>
    %get3A_2 = arith.constant 0 : index
    %get3A_3 = arith.constant 0 : index
    %get3A_4 = vector.load %arg2[%get3A_2, %get3A_3] : memref<16x128xf32, #tpu.memory_space<vmem>>, vector<16x128xf32>
    %convert_element_type3A = arith.truncf %get3A_1 : vector<512x16xf32> to vector<512x16xbf16>
    %convert_element_type3A_5 = arith.truncf %get3A_4 : vector<16x128xf32> to vector<16x128xbf16>
    %dot_general3A = arith.constant dense<0.000000e+00> : vector<512x128xf32>
    %dot_general3A_6 = tpu.matmul %convert_element_type3A, %convert_element_type3A_5, %dot_general3A {dimension_numbers = #tpu.dot_dimension_numbers<[1], [0], [0], [1], [0, 0, 1, 1], [], []>, transpose_lhs_hint = false} : vector<512x16xbf16>, vector<16x128xbf16>, vector<512x128xf32> -> vector<512x128xf32>
    %get3A_7 = arith.constant 0 : index
    %get3A_8 = arith.constant 0 : index
    %get3A_9 = vector.load %arg3[%get3A_7, %get3A_8] : memref<1x128xf32, #tpu.memory_space<vmem>>, vector<1x128xf32>
    %add3A = vector.broadcast %get3A_9 : vector<1x128xf32> to vector<512x128xf32>
    %add3A_10 = arith.addf %dot_general3A_6, %add3A : vector<512x128xf32>
    %gt3A = arith.constant 0.000000e+00 : f32
    %gt3A_11 = vector.broadcast %gt3A : f32 to vector<512x128xf32>
    %gt3A_12 = arith.cmpf ogt, %add3A_10, %gt3A_11 : vector<512x128xf32>
    %jit3A = arith.constant 0.000000e+00 : f32
    %broadcast_in_dim3A = vector.broadcast %jit3A : f32 to vector<512x128xf32>
    %select_n3A = arith.select %gt3A_12, %broadcast_in_dim3A, %add3A_10 : vector<512x128xi1>, vector<512x128xf32>
    %mul3A = arith.constant 5.000000e-01 : f32
    %mul3A_13 = vector.broadcast %mul3A : f32 to vector<512x128xf32>
    %mul3A_14 = arith.mulf %mul3A_13, %select_n3A : vector<512x128xf32>
    %tanh3A = math.tanh %mul3A_14 : vector<512x128xf32>
    %exp3A = math.exp %select_n3A : vector<512x128xf32>
    %add3A_15 = arith.constant 1.000000e+00 : f32
    %add3A_16 = vector.broadcast %add3A_15 : f32 to vector<512x128xf32>
    %add3A_17 = arith.addf %add3A_16, %exp3A : vector<512x128xf32>
    %mul3A_18 = arith.mulf %tanh3A, %add3A_17 : vector<512x128xf32>
    %eq3A = arith.constant 0.000000e+00 : f32
    %eq3A_19 = vector.broadcast %eq3A : f32 to vector<512x128xf32>
    %eq3A_20 = arith.cmpf oeq, %mul3A_14, %eq3A_19 : vector<512x128xf32>
    %select_n3A_21 = arith.select %eq3A_20, %select_n3A, %mul3A_18 : vector<512x128xi1>, vector<512x128xf32>
    %gt3A_22 = arith.constant 0.000000e+00 : f32
    %gt3A_23 = vector.broadcast %gt3A_22 : f32 to vector<512x128xf32>
    %gt3A_24 = arith.cmpf ogt, %add3A_10, %gt3A_23 : vector<512x128xf32>
    %select_n3A_25 = arith.select %gt3A_24, %add3A_10, %select_n3A_21 : vector<512x128xi1>, vector<512x128xf32>
    %get3A_26 = arith.constant 0 : index
    %get3A_27 = arith.constant 0 : index
    %get3A_28 = vector.load %arg4[%get3A_26, %get3A_27] : memref<128x128xf32, #tpu.memory_space<vmem>>, vector<128x128xf32>
    %convert_element_type3A_29 = arith.truncf %select_n3A_25 : vector<512x128xf32> to vector<512x128xbf16>
    %convert_element_type3A_30 = arith.truncf %get3A_28 : vector<128x128xf32> to vector<128x128xbf16>
    %dot_general3A_31 = arith.constant dense<0.000000e+00> : vector<512x128xf32>
    %dot_general3A_32 = tpu.matmul %convert_element_type3A_29, %convert_element_type3A_30, %dot_general3A_31 {dimension_numbers = #tpu.dot_dimension_numbers<[1], [0], [0], [1], [0, 0, 1, 1], [], []>, transpose_lhs_hint = false} : vector<512x128xbf16>, vector<128x128xbf16>, vector<512x128xf32> -> vector<512x128xf32>
    %get3A_33 = arith.constant 0 : index
    %get3A_34 = arith.constant 0 : index
    %get3A_35 = vector.load %arg5[%get3A_33, %get3A_34] : memref<1x128xf32, #tpu.memory_space<vmem>>, vector<1x128xf32>
    %add3A_36 = vector.broadcast %get3A_35 : vector<1x128xf32> to vector<512x128xf32>
    %add3A_37 = arith.addf %dot_general3A_32, %add3A_36 : vector<512x128xf32>
    %gt3A_38 = arith.constant 0.000000e+00 : f32
    %gt3A_39 = vector.broadcast %gt3A_38 : f32 to vector<512x128xf32>
    %gt3A_40 = arith.cmpf ogt, %add3A_37, %gt3A_39 : vector<512x128xf32>
    %jit3A_41 = arith.constant 0.000000e+00 : f32
    %broadcast_in_dim3A_42 = vector.broadcast %jit3A_41 : f32 to vector<512x128xf32>
    %select_n3A_43 = arith.select %gt3A_40, %broadcast_in_dim3A_42, %add3A_37 : vector<512x128xi1>, vector<512x128xf32>
    %mul3A_44 = arith.constant 5.000000e-01 : f32
    %mul3A_45 = vector.broadcast %mul3A_44 : f32 to vector<512x128xf32>
    %mul3A_46 = arith.mulf %mul3A_45, %select_n3A_43 : vector<512x128xf32>
    %tanh3A_47 = math.tanh %mul3A_46 : vector<512x128xf32>
    %exp3A_48 = math.exp %select_n3A_43 : vector<512x128xf32>
    %add3A_49 = arith.constant 1.000000e+00 : f32
    %add3A_50 = vector.broadcast %add3A_49 : f32 to vector<512x128xf32>
    %add3A_51 = arith.addf %add3A_50, %exp3A_48 : vector<512x128xf32>
    %mul3A_52 = arith.mulf %tanh3A_47, %add3A_51 : vector<512x128xf32>
    %eq3A_53 = arith.constant 0.000000e+00 : f32
    %eq3A_54 = vector.broadcast %eq3A_53 : f32 to vector<512x128xf32>
    %eq3A_55 = arith.cmpf oeq, %mul3A_46, %eq3A_54 : vector<512x128xf32>
    %select_n3A_56 = arith.select %eq3A_55, %select_n3A_43, %mul3A_52 : vector<512x128xi1>, vector<512x128xf32>
    %gt3A_57 = arith.constant 0.000000e+00 : f32
    %gt3A_58 = vector.broadcast %gt3A_57 : f32 to vector<512x128xf32>
    %gt3A_59 = arith.cmpf ogt, %add3A_37, %gt3A_58 : vector<512x128xf32>
    %select_n3A_60 = arith.select %gt3A_59, %add3A_37, %select_n3A_56 : vector<512x128xi1>, vector<512x128xf32>
    %swap3A = arith.constant 0 : index
    %swap3A_61 = arith.constant 0 : index
    %swap3A_62 = vector.load %arg7[%swap3A, %swap3A_61] : memref<512x128xf32, #tpu.memory_space<vmem>>, vector<512x128xf32>
    tpu.vector_store %arg7[%swap3A, %swap3A_61], %select_n3A_60 {strides = array<i32>} : memref<512x128xf32, #tpu.memory_space<vmem>>, vector<512x128xf32>,
    %get3A_63 = arith.constant 0 : index
    %get3A_64 = arith.constant 0 : index
    %get3A_65 = vector.load %arg6[%get3A_63, %get3A_64] : memref<128x128xf32, #tpu.memory_space<vmem>>, vector<128x128xf32>
    %convert_element_type3A_66 = arith.truncf %select_n3A_60 : vector<512x128xf32> to vector<512x128xbf16>
    %convert_element_type3A_67 = arith.truncf %get3A_65 : vector<128x128xf32> to vector<128x128xbf16>
    %dot_general3A_68 = arith.constant dense<0.000000e+00> : vector<512x128xf32>
    %dot_general3A_69 = tpu.matmul %convert_element_type3A_66, %convert_element_type3A_67, %dot_general3A_68 {dimension_numbers = #tpu.dot_dimension_numbers<[1], [0], [0], [1], [0, 0, 1, 1], [], []>, transpose_lhs_hint = false} : vector<512x128xbf16>, vector<128x128xbf16>, vector<512x128xf32> -> vector<512x128xf32>
    %swap3A_70 = arith.constant 0 : index
    %swap3A_71 = arith.constant 0 : index
    %swap3A_72 = vector.load %arg8[%swap3A_70, %swap3A_71] : memref<512x128xf32, #tpu.memory_space<vmem>>, vector<512x128xf32>
    tpu.vector_store %arg8[%swap3A_70, %swap3A_71], %dot_general3A_69 {strides = array<i32>} : memref<512x128xf32, #tpu.memory_space<vmem>>, vector<512x128xf32>,
    %mul3A_73 = arith.mulf %select_n3A_60, %select_n3A_60 : vector<512x128xf32>
    %reduce_sum3A = arith.constant dense<0.000000e+00> : vector<512xf32>
    %reduce_sum3A_74 = vector.multi_reduction <add>, %mul3A_73, %reduce_sum3A [1] : vector<512x128xf32> to vector<512xf32>
    %broadcast_in_dim3A_75 = vector.shape_cast %reduce_sum3A_74 : vector<512xf32> to vector<512x1xf32>
    %swap3A_76 = arith.constant 0 : index
    %swap3A_77 = arith.constant 0 : index
    %swap3A_78 = vector.load %arg9[%swap3A_76, %swap3A_77] : memref<512x1xf32, #tpu.memory_space<vmem>>, vector<512x1xf32>
    tpu.vector_store %arg9[%swap3A_76, %swap3A_77], %broadcast_in_dim3A_75 {strides = array<i32>} : memref<512x1xf32, #tpu.memory_space<vmem>>, vector<512x1xf32>,
    return
  }
  func.func @transform_0(%arg0: i32) -> (i32, i32) {
    %c0_i32 = arith.constant 0 : i32
    %c0_i32_0 = arith.constant 0 : i32
    return %arg0, %c0_i32 : i32, i32
  }
  func.func @transform_1(%arg0: i32) -> (i32, i32) {
    %c0_i32 = arith.constant 0 : i32
    %c0_i32_0 = arith.constant 0 : i32
    %c0_i32_1 = arith.constant 0 : i32
    return %c0_i32, %c0_i32_0 : i32, i32
  }
  func.func @transform_2(%arg0: i32) -> (i32, i32) {
    %c0_i32 = arith.constant 0 : i32
    %c0_i32_0 = arith.constant 0 : i32
    %c0_i32_1 = arith.constant 0 : i32
    return %c0_i32, %c0_i32_0 : i32, i32
  }
  func.func @transform_3(%arg0: i32) -> (i32, i32) {
    %c0_i32 = arith.constant 0 : i32
    %c0_i32_0 = arith.constant 0 : i32
    %c0_i32_1 = arith.constant 0 : i32
    return %c0_i32, %c0_i32_0 : i32, i32
  }
  func.func @transform_4(%arg0: i32) -> (i32, i32) {
    %c0_i32 = arith.constant 0 : i32
    %c0_i32_0 = arith.constant 0 : i32
    %c0_i32_1 = arith.constant 0 : i32
    return %c0_i32, %c0_i32_0 : i32, i32
  }
  func.func @transform_5(%arg0: i32) -> (i32, i32) {
    %c0_i32 = arith.constant 0 : i32
    %c0_i32_0 = arith.constant 0 : i32
    %c0_i32_1 = arith.constant 0 : i32
    return %c0_i32, %c0_i32_0 : i32, i32
  }
  func.func @transform_6(%arg0: i32) -> (i32, i32) {
    %c0_i32 = arith.constant 0 : i32
    %c0_i32_0 = arith.constant 0 : i32
    return %arg0, %c0_i32 : i32, i32
  }
  func.func @transform_7(%arg0: i32) -> (i32, i32) {
    %c0_i32 = arith.constant 0 : i32
    %c0_i32_0 = arith.constant 0 : i32
    return %arg0, %c0_i32 : i32, i32
  }
  func.func @transform_8(%arg0: i32) -> (i32, i32) {
    %c0_i32 = arith.constant 0 : i32
    %c0_i32_0 = arith.constant 0 : i32
    return %arg0, %c0_i32 : i32, i32
  }
}

module attributes {stable_mosaic.version = 14 : i64} {
  func.func @_knn_body(%arg0: i32, %arg1: i32, %arg2: memref<2x20xi32, #tpu.memory_space<smem>>, %arg3: memref<512x128xf32, #tpu.memory_space<vmem>>, %arg4: memref<512x128xf32, #tpu.memory_space<vmem>>, %arg5: memref<1x512x1xf32, #tpu.memory_space<vmem>>, %arg6: memref<1x1x512xf32, #tpu.memory_space<vmem>>, %arg7: memref<1x512x1xi32, #tpu.memory_space<vmem>>, %arg8: memref<1x512x1xi32, #tpu.memory_space<vmem>>, %arg9: memref<512x4xi32, #tpu.memory_space<vmem>>, %arg10: memref<512x4xf32, #tpu.memory_space<vmem>>, %arg11: memref<512x4xi32, #tpu.memory_space<vmem>>) attributes {dimension_semantics = [#tpu.dimension_semantics<arbitrary>, #tpu.dimension_semantics<arbitrary>], iteration_bounds = array<i64: 20, 20>, scalar_prefetch = 1 : i64, scratch_operands = 2 : i64, tpu.core_type = #tpu.core_type<tc>, window_params = [{transform_indices = @transform_0, window_bounds = array<i64: 512, 128>}, {transform_indices = @transform_1, window_bounds = array<i64: 512, 128>}, {transform_indices = @transform_2, window_bounds = array<i64: 1, 512, 1>}, {transform_indices = @transform_3, window_bounds = array<i64: 1, 1, 512>}, {transform_indices = @transform_4, window_bounds = array<i64: 1, 512, 1>}, {transform_indices = @transform_5, window_bounds = array<i64: 1, 512, 1>}, {transform_indices = @transform_6, window_bounds = array<i64: 512, 4>}]} {
    %get3A = arith.constant 0 : index
    %get3A_0 = arith.index_cast %arg0 : i32 to index
    %get3A_1 = memref.load %arg2[%get3A, %get3A_0] : memref<2x20xi32, #tpu.memory_space<smem>>
    %get3A_2 = arith.constant 1 : index
    %get3A_3 = arith.index_cast %arg0 : i32 to index
    %get3A_4 = memref.load %arg2[%get3A_2, %get3A_3] : memref<2x20xi32, #tpu.memory_space<smem>>
    %eq3A = arith.constant 0 : i32
    %eq3A_5 = arith.cmpi eq, %arg1, %eq3A : i32
    %convert_element_type3A = arith.extui %eq3A_5 : i1 to i32
    %cond3A = arith.constant 0 : i32
    %cond3A_6 = arith.cmpi ne, %convert_element_type3A, %cond3A : i32
    scf.if %cond3A_6 {
      %broadcast_in_dim3A = arith.constant 0x7F800000 : f32
      %broadcast_in_dim3A_15 = vector.broadcast %broadcast_in_dim3A : f32 to vector<512x4xf32>
      %swap3A = arith.constant 0 : index
      %swap3A_16 = arith.constant 0 : index
      %swap3A_17 = vector.load %arg10[%swap3A, %swap3A_16] : memref<512x4xf32, #tpu.memory_space<vmem>>, vector<512x4xf32>
      tpu.vector_store %arg10[%swap3A, %swap3A_16], %broadcast_in_dim3A_15 {strides = array<i32>} : memref<512x4xf32, #tpu.memory_space<vmem>>, vector<512x4xf32>,
      %broadcast_in_dim3A_18 = arith.constant 0 : i32
      %broadcast_in_dim3A_19 = vector.broadcast %broadcast_in_dim3A_18 : i32 to vector<512x4xi32>
      %swap3A_20 = arith.constant 0 : index
      %swap3A_21 = arith.constant 0 : index
      %swap3A_22 = vector.load %arg11[%swap3A_20, %swap3A_21] : memref<512x4xi32, #tpu.memory_space<vmem>>, vector<512x4xi32>
      tpu.vector_store %arg11[%swap3A_20, %swap3A_21], %broadcast_in_dim3A_19 {strides = array<i32>} : memref<512x4xi32, #tpu.memory_space<vmem>>, vector<512x4xi32>,
    } else {
    }
    %add3A = arith.addi %get3A_1, %arg1 : i32
    %le3A = arith.cmpi sle, %add3A, %get3A_4 : i32
    %convert_element_type3A_7 = arith.extui %le3A : i1 to i32
    %cond3A_8 = arith.constant 0 : i32
    %cond3A_9 = arith.cmpi ne, %convert_element_type3A_7, %cond3A_8 : i32
    scf.if %cond3A_9 {
      %add3A_15 = arith.addi %get3A_1, %arg1 : i32
      %min3A = arith.minsi %add3A_15, %get3A_4 : i32
      %get3A_16 = arith.constant 0 : index
      %get3A_17 = arith.constant 0 : index
      %get3A_18 = arith.constant 0 : index
      %get3A_19 = vector.load %arg7[%get3A_16, %get3A_17, %get3A_18] : memref<1x512x1xi32, #tpu.memory_space<vmem>>, vector<1x512x1xi32>
      %get3A_20 = vector.shape_cast %get3A_19 : vector<1x512x1xi32> to vector<512x1xi32>
      %get3A_21 = arith.constant 0 : index
      %get3A_22 = arith.constant 0 : index
      %get3A_23 = arith.constant 0 : index
      %get3A_24 = vector.load %arg8[%get3A_21, %get3A_22, %get3A_23] : memref<1x512x1xi32, #tpu.memory_space<vmem>>, vector<1x512x1xi32>
      %get3A_25 = vector.shape_cast %get3A_24 : vector<1x512x1xi32> to vector<512x1xi32>
      %get3A_26 = arith.constant 0 : index
      %get3A_27 = arith.constant 0 : index
      %get3A_28 = arith.constant 0 : index
      %get3A_29 = vector.load %arg5[%get3A_26, %get3A_27, %get3A_28] : memref<1x512x1xf32, #tpu.memory_space<vmem>>, vector<1x512x1xf32>
      %get3A_30 = vector.shape_cast %get3A_29 : vector<1x512x1xf32> to vector<512x1xf32>
      %get3A_31 = arith.constant 0 : index
      %get3A_32 = arith.constant 0 : index
      %get3A_33 = arith.constant 0 : index
      %get3A_34 = vector.load %arg6[%get3A_31, %get3A_32, %get3A_33] : memref<1x1x512xf32, #tpu.memory_space<vmem>>, vector<1x1x512xf32>
      %get3A_35 = vector.shape_cast %get3A_34 : vector<1x1x512xf32> to vector<1x512xf32>
      %add3A_36 = vector.broadcast %get3A_30 : vector<512x1xf32> to vector<512x512xf32>
      %add3A_37 = vector.broadcast %get3A_35 : vector<1x512xf32> to vector<512x512xf32>
      %add3A_38 = arith.addf %add3A_36, %add3A_37 : vector<512x512xf32>
      %get3A_39 = arith.constant 0 : index
      %get3A_40 = arith.constant 0 : index
      %get3A_41 = vector.load %arg3[%get3A_39, %get3A_40] : memref<512x128xf32, #tpu.memory_space<vmem>>, vector<512x128xf32>
      %convert_element_type3A_42 = arith.truncf %get3A_41 : vector<512x128xf32> to vector<512x128xbf16>
      %get3A_43 = arith.constant 0 : index
      %get3A_44 = arith.constant 0 : index
      %get3A_45 = vector.load %arg4[%get3A_43, %get3A_44] : memref<512x128xf32, #tpu.memory_space<vmem>>, vector<512x128xf32>
      %convert_element_type3A_46 = arith.truncf %get3A_45 : vector<512x128xf32> to vector<512x128xbf16>
      %dot_general3A = arith.constant dense<0.000000e+00> : vector<512x512xf32>
      %dot_general3A_47 = tpu.matmul %convert_element_type3A_42, %convert_element_type3A_46, %dot_general3A {dimension_numbers = #tpu.dot_dimension_numbers<[1], [1], [0], [0], [0, 0, 1, 0], [], []>, transpose_lhs_hint = false} : vector<512x128xbf16>, vector<512x128xbf16>, vector<512x512xf32> -> vector<512x512xf32>
      %mul3A = arith.constant 2.000000e+00 : f32
      %mul3A_48 = vector.broadcast %mul3A : f32 to vector<512x512xf32>
      %mul3A_49 = arith.mulf %mul3A_48, %dot_general3A_47 : vector<512x512xf32>
      %sub3A = arith.subf %add3A_38, %mul3A_49 : vector<512x512xf32>
      %mul3A_50 = arith.constant 512 : i32
      %mul3A_51 = arith.muli %min3A, %mul3A_50 : i32
      %iota3A = tpu.iota {dimensions = array<i32: 1>} : vector<512x512xi32>
      %add3A_52 = vector.broadcast %mul3A_51 : i32 to vector<512x512xi32>
      %add3A_53 = arith.addi %add3A_52, %iota3A : vector<512x512xi32>
      %lt3A = vector.broadcast %get3A_20 : vector<512x1xi32> to vector<512x512xi32>
      %lt3A_54 = arith.cmpi slt, %add3A_53, %lt3A : vector<512x512xi32>
      %ge3A = vector.broadcast %get3A_25 : vector<512x1xi32> to vector<512x512xi32>
      %ge3A_55 = arith.cmpi sge, %add3A_53, %ge3A : vector<512x512xi32>
      %or3A = arith.ori %lt3A_54, %ge3A_55 : vector<512x512xi1>
      %jit3A = arith.constant 0x7F800000 : f32
      %broadcast_in_dim3A = vector.broadcast %jit3A : f32 to vector<512x512xf32>
      %select_n3A = arith.select %or3A, %broadcast_in_dim3A, %sub3A : vector<512x512xi1>, vector<512x512xf32>
      %reduce_min3A = arith.constant dense<0x7F800000> : vector<512xf32>
      %reduce_min3A_56 = vector.multi_reduction <minimumf>, %select_n3A, %reduce_min3A [1] : vector<512x512xf32> to vector<512xf32>
      %broadcast_in_dim3A_57 = vector.shape_cast %reduce_min3A_56 : vector<512xf32> to vector<512x1xf32>
      %eq3A_58 = vector.broadcast %broadcast_in_dim3A_57 : vector<512x1xf32> to vector<512x512xf32>
      %eq3A_59 = arith.cmpf oeq, %select_n3A, %eq3A_58 : vector<512x512xf32>
      %jit3A_60 = arith.constant 512 : i32
      %broadcast_in_dim3A_61 = vector.broadcast %jit3A_60 : i32 to vector<512x512xi32>
      %select_n3A_62 = arith.select %eq3A_59, %iota3A, %broadcast_in_dim3A_61 : vector<512x512xi1>, vector<512x512xi32>
      %reduce_min3A_63 = arith.constant dense<2147483647> : vector<512xi32>
      %reduce_min3A_64 = vector.multi_reduction <minsi>, %select_n3A_62, %reduce_min3A_63 [1] : vector<512x512xi32> to vector<512xi32>
      %broadcast_in_dim3A_65 = vector.shape_cast %reduce_min3A_64 : vector<512xi32> to vector<512x1xi32>
      %add3A_66 = vector.broadcast %mul3A_51 : i32 to vector<512x1xi32>
      %add3A_67 = arith.addi %add3A_66, %broadcast_in_dim3A_65 : vector<512x1xi32>
      %eq3A_68 = vector.broadcast %broadcast_in_dim3A_65 : vector<512x1xi32> to vector<512x512xi32>
      %eq3A_69 = arith.cmpi eq, %iota3A, %eq3A_68 : vector<512x512xi32>
      %jit3A_70 = arith.constant 0x7F800000 : f32
      %broadcast_in_dim3A_71 = vector.broadcast %jit3A_70 : f32 to vector<512x512xf32>
      %select_n3A_72 = arith.select %eq3A_69, %broadcast_in_dim3A_71, %select_n3A : vector<512x512xi1>, vector<512x512xf32>
      %reduce_min3A_73 = arith.constant dense<0x7F800000> : vector<512xf32>
      %reduce_min3A_74 = vector.multi_reduction <minimumf>, %select_n3A_72, %reduce_min3A_73 [1] : vector<512x512xf32> to vector<512xf32>
      %broadcast_in_dim3A_75 = vector.shape_cast %reduce_min3A_74 : vector<512xf32> to vector<512x1xf32>
      %eq3A_76 = vector.broadcast %broadcast_in_dim3A_75 : vector<512x1xf32> to vector<512x512xf32>
      %eq3A_77 = arith.cmpf oeq, %select_n3A_72, %eq3A_76 : vector<512x512xf32>
      %jit3A_78 = arith.constant 512 : i32
      %broadcast_in_dim3A_79 = vector.broadcast %jit3A_78 : i32 to vector<512x512xi32>
      %select_n3A_80 = arith.select %eq3A_77, %iota3A, %broadcast_in_dim3A_79 : vector<512x512xi1>, vector<512x512xi32>
      %reduce_min3A_81 = arith.constant dense<2147483647> : vector<512xi32>
      %reduce_min3A_82 = vector.multi_reduction <minsi>, %select_n3A_80, %reduce_min3A_81 [1] : vector<512x512xi32> to vector<512xi32>
      %broadcast_in_dim3A_83 = vector.shape_cast %reduce_min3A_82 : vector<512xi32> to vector<512x1xi32>
      %add3A_84 = vector.broadcast %mul3A_51 : i32 to vector<512x1xi32>
      %add3A_85 = arith.addi %add3A_84, %broadcast_in_dim3A_83 : vector<512x1xi32>
      %eq3A_86 = vector.broadcast %broadcast_in_dim3A_83 : vector<512x1xi32> to vector<512x512xi32>
      %eq3A_87 = arith.cmpi eq, %iota3A, %eq3A_86 : vector<512x512xi32>
      %jit3A_88 = arith.constant 0x7F800000 : f32
      %broadcast_in_dim3A_89 = vector.broadcast %jit3A_88 : f32 to vector<512x512xf32>
      %select_n3A_90 = arith.select %eq3A_87, %broadcast_in_dim3A_89, %select_n3A_72 : vector<512x512xi1>, vector<512x512xf32>
      %reduce_min3A_91 = arith.constant dense<0x7F800000> : vector<512xf32>
      %reduce_min3A_92 = vector.multi_reduction <minimumf>, %select_n3A_90, %reduce_min3A_91 [1] : vector<512x512xf32> to vector<512xf32>
      %broadcast_in_dim3A_93 = vector.shape_cast %reduce_min3A_92 : vector<512xf32> to vector<512x1xf32>
      %eq3A_94 = vector.broadcast %broadcast_in_dim3A_93 : vector<512x1xf32> to vector<512x512xf32>
      %eq3A_95 = arith.cmpf oeq, %select_n3A_90, %eq3A_94 : vector<512x512xf32>
      %jit3A_96 = arith.constant 512 : i32
      %broadcast_in_dim3A_97 = vector.broadcast %jit3A_96 : i32 to vector<512x512xi32>
      %select_n3A_98 = arith.select %eq3A_95, %iota3A, %broadcast_in_dim3A_97 : vector<512x512xi1>, vector<512x512xi32>
      %reduce_min3A_99 = arith.constant dense<2147483647> : vector<512xi32>
      %reduce_min3A_100 = vector.multi_reduction <minsi>, %select_n3A_98, %reduce_min3A_99 [1] : vector<512x512xi32> to vector<512xi32>
      %broadcast_in_dim3A_101 = vector.shape_cast %reduce_min3A_100 : vector<512xi32> to vector<512x1xi32>
      %add3A_102 = vector.broadcast %mul3A_51 : i32 to vector<512x1xi32>
      %add3A_103 = arith.addi %add3A_102, %broadcast_in_dim3A_101 : vector<512x1xi32>
      %eq3A_104 = vector.broadcast %broadcast_in_dim3A_101 : vector<512x1xi32> to vector<512x512xi32>
      %eq3A_105 = arith.cmpi eq, %iota3A, %eq3A_104 : vector<512x512xi32>
      %jit3A_106 = arith.constant 0x7F800000 : f32
      %broadcast_in_dim3A_107 = vector.broadcast %jit3A_106 : f32 to vector<512x512xf32>
      %select_n3A_108 = arith.select %eq3A_105, %broadcast_in_dim3A_107, %select_n3A_90 : vector<512x512xi1>, vector<512x512xf32>
      %reduce_min3A_109 = arith.constant dense<0x7F800000> : vector<512xf32>
      %reduce_min3A_110 = vector.multi_reduction <minimumf>, %select_n3A_108, %reduce_min3A_109 [1] : vector<512x512xf32> to vector<512xf32>
      %broadcast_in_dim3A_111 = vector.shape_cast %reduce_min3A_110 : vector<512xf32> to vector<512x1xf32>
      %eq3A_112 = vector.broadcast %broadcast_in_dim3A_111 : vector<512x1xf32> to vector<512x512xf32>
      %eq3A_113 = arith.cmpf oeq, %select_n3A_108, %eq3A_112 : vector<512x512xf32>
      %jit3A_114 = arith.constant 512 : i32
      %broadcast_in_dim3A_115 = vector.broadcast %jit3A_114 : i32 to vector<512x512xi32>
      %select_n3A_116 = arith.select %eq3A_113, %iota3A, %broadcast_in_dim3A_115 : vector<512x512xi1>, vector<512x512xi32>
      %reduce_min3A_117 = arith.constant dense<2147483647> : vector<512xi32>
      %reduce_min3A_118 = vector.multi_reduction <minsi>, %select_n3A_116, %reduce_min3A_117 [1] : vector<512x512xi32> to vector<512xi32>
      %broadcast_in_dim3A_119 = vector.shape_cast %reduce_min3A_118 : vector<512xi32> to vector<512x1xi32>
      %add3A_120 = vector.broadcast %mul3A_51 : i32 to vector<512x1xi32>
      %add3A_121 = arith.addi %add3A_120, %broadcast_in_dim3A_119 : vector<512x1xi32>
      %get3A_122 = arith.constant 0 : index
      %get3A_123 = arith.constant 0 : index
      %get3A_124 = vector.load %arg10[%get3A_122, %get3A_123] : memref<512x4xf32, #tpu.memory_space<vmem>>, vector<512x4xf32>
      %concatenate3A = tpu.concatenate %get3A_124, %broadcast_in_dim3A_57, %broadcast_in_dim3A_75, %broadcast_in_dim3A_93, %broadcast_in_dim3A_111 in 1 : vector<512x4xf32>, vector<512x1xf32>, vector<512x1xf32>, vector<512x1xf32>, vector<512x1xf32> -> vector<512x8xf32>
      %get3A_125 = arith.constant 0 : index
      %get3A_126 = arith.constant 0 : index
      %get3A_127 = vector.load %arg11[%get3A_125, %get3A_126] : memref<512x4xi32, #tpu.memory_space<vmem>>, vector<512x4xi32>
      %concatenate3A_128 = tpu.concatenate %get3A_127, %add3A_67, %add3A_85, %add3A_103, %add3A_121 in 1 : vector<512x4xi32>, vector<512x1xi32>, vector<512x1xi32>, vector<512x1xi32>, vector<512x1xi32> -> vector<512x8xi32>
      %iota3A_129 = tpu.iota {dimensions = array<i32: 1>} : vector<512x8xi32>
      %reduce_min3A_130 = arith.constant dense<0x7F800000> : vector<512xf32>
      %reduce_min3A_131 = vector.multi_reduction <minimumf>, %concatenate3A, %reduce_min3A_130 [1] : vector<512x8xf32> to vector<512xf32>
      %broadcast_in_dim3A_132 = vector.shape_cast %reduce_min3A_131 : vector<512xf32> to vector<512x1xf32>
      %eq3A_133 = vector.broadcast %broadcast_in_dim3A_132 : vector<512x1xf32> to vector<512x8xf32>
      %eq3A_134 = arith.cmpf oeq, %concatenate3A, %eq3A_133 : vector<512x8xf32>
      %jit3A_135 = arith.constant 8 : i32
      %broadcast_in_dim3A_136 = vector.broadcast %jit3A_135 : i32 to vector<512x8xi32>
      %select_n3A_137 = arith.select %eq3A_134, %iota3A_129, %broadcast_in_dim3A_136 : vector<512x8xi1>, vector<512x8xi32>
      %reduce_min3A_138 = arith.constant dense<2147483647> : vector<512xi32>
      %reduce_min3A_139 = vector.multi_reduction <minsi>, %select_n3A_137, %reduce_min3A_138 [1] : vector<512x8xi32> to vector<512xi32>
      %broadcast_in_dim3A_140 = vector.shape_cast %reduce_min3A_139 : vector<512xi32> to vector<512x1xi32>
      %eq3A_141 = vector.broadcast %broadcast_in_dim3A_140 : vector<512x1xi32> to vector<512x8xi32>
      %eq3A_142 = arith.cmpi eq, %iota3A_129, %eq3A_141 : vector<512x8xi32>
      %jit3A_143 = arith.constant 0 : i32
      %broadcast_in_dim3A_144 = vector.broadcast %jit3A_143 : i32 to vector<512x8xi32>
      %select_n3A_145 = arith.select %eq3A_142, %concatenate3A_128, %broadcast_in_dim3A_144 : vector<512x8xi1>, vector<512x8xi32>
      %reduce_sum3A = arith.constant dense<0> : vector<512xi32>
      %reduce_sum3A_146 = vector.multi_reduction <add>, %select_n3A_145, %reduce_sum3A [1] : vector<512x8xi32> to vector<512xi32>
      %broadcast_in_dim3A_147 = vector.shape_cast %reduce_sum3A_146 : vector<512xi32> to vector<512x1xi32>
      %jit3A_148 = arith.constant 0x7F800000 : f32
      %broadcast_in_dim3A_149 = vector.broadcast %jit3A_148 : f32 to vector<512x8xf32>
      %select_n3A_150 = arith.select %eq3A_142, %broadcast_in_dim3A_149, %concatenate3A : vector<512x8xi1>, vector<512x8xf32>
      %reduce_min3A_151 = arith.constant dense<0x7F800000> : vector<512xf32>
      %reduce_min3A_152 = vector.multi_reduction <minimumf>, %select_n3A_150, %reduce_min3A_151 [1] : vector<512x8xf32> to vector<512xf32>
      %broadcast_in_dim3A_153 = vector.shape_cast %reduce_min3A_152 : vector<512xf32> to vector<512x1xf32>
      %eq3A_154 = vector.broadcast %broadcast_in_dim3A_153 : vector<512x1xf32> to vector<512x8xf32>
      %eq3A_155 = arith.cmpf oeq, %select_n3A_150, %eq3A_154 : vector<512x8xf32>
      %jit3A_156 = arith.constant 8 : i32
      %broadcast_in_dim3A_157 = vector.broadcast %jit3A_156 : i32 to vector<512x8xi32>
      %select_n3A_158 = arith.select %eq3A_155, %iota3A_129, %broadcast_in_dim3A_157 : vector<512x8xi1>, vector<512x8xi32>
      %reduce_min3A_159 = arith.constant dense<2147483647> : vector<512xi32>
      %reduce_min3A_160 = vector.multi_reduction <minsi>, %select_n3A_158, %reduce_min3A_159 [1] : vector<512x8xi32> to vector<512xi32>
      %broadcast_in_dim3A_161 = vector.shape_cast %reduce_min3A_160 : vector<512xi32> to vector<512x1xi32>
      %eq3A_162 = vector.broadcast %broadcast_in_dim3A_161 : vector<512x1xi32> to vector<512x8xi32>
      %eq3A_163 = arith.cmpi eq, %iota3A_129, %eq3A_162 : vector<512x8xi32>
      %jit3A_164 = arith.constant 0 : i32
      %broadcast_in_dim3A_165 = vector.broadcast %jit3A_164 : i32 to vector<512x8xi32>
      %select_n3A_166 = arith.select %eq3A_163, %concatenate3A_128, %broadcast_in_dim3A_165 : vector<512x8xi1>, vector<512x8xi32>
      %reduce_sum3A_167 = arith.constant dense<0> : vector<512xi32>
      %reduce_sum3A_168 = vector.multi_reduction <add>, %select_n3A_166, %reduce_sum3A_167 [1] : vector<512x8xi32> to vector<512xi32>
      %broadcast_in_dim3A_169 = vector.shape_cast %reduce_sum3A_168 : vector<512xi32> to vector<512x1xi32>
      %jit3A_170 = arith.constant 0x7F800000 : f32
      %broadcast_in_dim3A_171 = vector.broadcast %jit3A_170 : f32 to vector<512x8xf32>
      %select_n3A_172 = arith.select %eq3A_163, %broadcast_in_dim3A_171, %select_n3A_150 : vector<512x8xi1>, vector<512x8xf32>
      %reduce_min3A_173 = arith.constant dense<0x7F800000> : vector<512xf32>
      %reduce_min3A_174 = vector.multi_reduction <minimumf>, %select_n3A_172, %reduce_min3A_173 [1] : vector<512x8xf32> to vector<512xf32>
      %broadcast_in_dim3A_175 = vector.shape_cast %reduce_min3A_174 : vector<512xf32> to vector<512x1xf32>
      %eq3A_176 = vector.broadcast %broadcast_in_dim3A_175 : vector<512x1xf32> to vector<512x8xf32>
      %eq3A_177 = arith.cmpf oeq, %select_n3A_172, %eq3A_176 : vector<512x8xf32>
      %jit3A_178 = arith.constant 8 : i32
      %broadcast_in_dim3A_179 = vector.broadcast %jit3A_178 : i32 to vector<512x8xi32>
      %select_n3A_180 = arith.select %eq3A_177, %iota3A_129, %broadcast_in_dim3A_179 : vector<512x8xi1>, vector<512x8xi32>
      %reduce_min3A_181 = arith.constant dense<2147483647> : vector<512xi32>
      %reduce_min3A_182 = vector.multi_reduction <minsi>, %select_n3A_180, %reduce_min3A_181 [1] : vector<512x8xi32> to vector<512xi32>
      %broadcast_in_dim3A_183 = vector.shape_cast %reduce_min3A_182 : vector<512xi32> to vector<512x1xi32>
      %eq3A_184 = vector.broadcast %broadcast_in_dim3A_183 : vector<512x1xi32> to vector<512x8xi32>
      %eq3A_185 = arith.cmpi eq, %iota3A_129, %eq3A_184 : vector<512x8xi32>
      %jit3A_186 = arith.constant 0 : i32
      %broadcast_in_dim3A_187 = vector.broadcast %jit3A_186 : i32 to vector<512x8xi32>
      %select_n3A_188 = arith.select %eq3A_185, %concatenate3A_128, %broadcast_in_dim3A_187 : vector<512x8xi1>, vector<512x8xi32>
      %reduce_sum3A_189 = arith.constant dense<0> : vector<512xi32>
      %reduce_sum3A_190 = vector.multi_reduction <add>, %select_n3A_188, %reduce_sum3A_189 [1] : vector<512x8xi32> to vector<512xi32>
      %broadcast_in_dim3A_191 = vector.shape_cast %reduce_sum3A_190 : vector<512xi32> to vector<512x1xi32>
      %jit3A_192 = arith.constant 0x7F800000 : f32
      %broadcast_in_dim3A_193 = vector.broadcast %jit3A_192 : f32 to vector<512x8xf32>
      %select_n3A_194 = arith.select %eq3A_185, %broadcast_in_dim3A_193, %select_n3A_172 : vector<512x8xi1>, vector<512x8xf32>
      %reduce_min3A_195 = arith.constant dense<0x7F800000> : vector<512xf32>
      %reduce_min3A_196 = vector.multi_reduction <minimumf>, %select_n3A_194, %reduce_min3A_195 [1] : vector<512x8xf32> to vector<512xf32>
      %broadcast_in_dim3A_197 = vector.shape_cast %reduce_min3A_196 : vector<512xf32> to vector<512x1xf32>
      %eq3A_198 = vector.broadcast %broadcast_in_dim3A_197 : vector<512x1xf32> to vector<512x8xf32>
      %eq3A_199 = arith.cmpf oeq, %select_n3A_194, %eq3A_198 : vector<512x8xf32>
      %jit3A_200 = arith.constant 8 : i32
      %broadcast_in_dim3A_201 = vector.broadcast %jit3A_200 : i32 to vector<512x8xi32>
      %select_n3A_202 = arith.select %eq3A_199, %iota3A_129, %broadcast_in_dim3A_201 : vector<512x8xi1>, vector<512x8xi32>
      %reduce_min3A_203 = arith.constant dense<2147483647> : vector<512xi32>
      %reduce_min3A_204 = vector.multi_reduction <minsi>, %select_n3A_202, %reduce_min3A_203 [1] : vector<512x8xi32> to vector<512xi32>
      %broadcast_in_dim3A_205 = vector.shape_cast %reduce_min3A_204 : vector<512xi32> to vector<512x1xi32>
      %eq3A_206 = vector.broadcast %broadcast_in_dim3A_205 : vector<512x1xi32> to vector<512x8xi32>
      %eq3A_207 = arith.cmpi eq, %iota3A_129, %eq3A_206 : vector<512x8xi32>
      %jit3A_208 = arith.constant 0 : i32
      %broadcast_in_dim3A_209 = vector.broadcast %jit3A_208 : i32 to vector<512x8xi32>
      %select_n3A_210 = arith.select %eq3A_207, %concatenate3A_128, %broadcast_in_dim3A_209 : vector<512x8xi1>, vector<512x8xi32>
      %reduce_sum3A_211 = arith.constant dense<0> : vector<512xi32>
      %reduce_sum3A_212 = vector.multi_reduction <add>, %select_n3A_210, %reduce_sum3A_211 [1] : vector<512x8xi32> to vector<512xi32>
      %broadcast_in_dim3A_213 = vector.shape_cast %reduce_sum3A_212 : vector<512xi32> to vector<512x1xi32>
      %concatenate3A_214 = tpu.concatenate %broadcast_in_dim3A_132, %broadcast_in_dim3A_153, %broadcast_in_dim3A_175, %broadcast_in_dim3A_197 in 1 : vector<512x1xf32>, vector<512x1xf32>, vector<512x1xf32>, vector<512x1xf32> -> vector<512x4xf32>
      %swap3A = arith.constant 0 : index
      %swap3A_215 = arith.constant 0 : index
      %swap3A_216 = vector.load %arg10[%swap3A, %swap3A_215] : memref<512x4xf32, #tpu.memory_space<vmem>>, vector<512x4xf32>
      tpu.vector_store %arg10[%swap3A, %swap3A_215], %concatenate3A_214 {strides = array<i32>} : memref<512x4xf32, #tpu.memory_space<vmem>>, vector<512x4xf32>,
      %concatenate3A_217 = tpu.concatenate %broadcast_in_dim3A_147, %broadcast_in_dim3A_169, %broadcast_in_dim3A_191, %broadcast_in_dim3A_213 in 1 : vector<512x1xi32>, vector<512x1xi32>, vector<512x1xi32>, vector<512x1xi32> -> vector<512x4xi32>
      %swap3A_218 = arith.constant 0 : index
      %swap3A_219 = arith.constant 0 : index
      %swap3A_220 = vector.load %arg11[%swap3A_218, %swap3A_219] : memref<512x4xi32, #tpu.memory_space<vmem>>, vector<512x4xi32>
      tpu.vector_store %arg11[%swap3A_218, %swap3A_219], %concatenate3A_217 {strides = array<i32>} : memref<512x4xi32, #tpu.memory_space<vmem>>, vector<512x4xi32>,
    } else {
    }
    %eq3A_10 = arith.constant 19 : i32
    %eq3A_11 = arith.cmpi eq, %arg1, %eq3A_10 : i32
    %convert_element_type3A_12 = arith.extui %eq3A_11 : i1 to i32
    %cond3A_13 = arith.constant 0 : i32
    %cond3A_14 = arith.cmpi ne, %convert_element_type3A_12, %cond3A_13 : i32
    scf.if %cond3A_14 {
      %get3A_15 = arith.constant 0 : index
      %get3A_16 = arith.constant 0 : index
      %get3A_17 = vector.load %arg10[%get3A_15, %get3A_16] : memref<512x4xf32, #tpu.memory_space<vmem>>, vector<512x4xf32>
      %get3A_18 = arith.constant 0 : index
      %get3A_19 = arith.constant 0 : index
      %get3A_20 = vector.load %arg11[%get3A_18, %get3A_19] : memref<512x4xi32, #tpu.memory_space<vmem>>, vector<512x4xi32>
      %get3A_21 = arith.constant 0 : index
      %get3A_22 = arith.constant 0 : index
      %get3A_23 = arith.constant 0 : index
      %get3A_24 = vector.load %arg7[%get3A_21, %get3A_22, %get3A_23] : memref<1x512x1xi32, #tpu.memory_space<vmem>>, vector<1x512x1xi32>
      %get3A_25 = vector.shape_cast %get3A_24 : vector<1x512x1xi32> to vector<512x1xi32>
      %get3A_26 = arith.constant 0 : index
      %get3A_27 = arith.constant 0 : index
      %get3A_28 = arith.constant 0 : index
      %get3A_29 = vector.load %arg8[%get3A_26, %get3A_27, %get3A_28] : memref<1x512x1xi32, #tpu.memory_space<vmem>>, vector<1x512x1xi32>
      %get3A_30 = vector.shape_cast %get3A_29 : vector<1x512x1xi32> to vector<512x1xi32>
      %lt3A = arith.constant 1.000000e+30 : f32
      %lt3A_31 = vector.broadcast %lt3A : f32 to vector<512x4xf32>
      %lt3A_32 = arith.cmpf olt, %get3A_17, %lt3A_31 : vector<512x4xf32>
      %convert_element_type3A_33 = arith.extui %lt3A_32 : vector<512x4xi1> to vector<512x4xi32>
      %reduce_sum3A = arith.constant dense<0> : vector<512xi32>
      %reduce_sum3A_34 = vector.multi_reduction <add>, %convert_element_type3A_33, %reduce_sum3A [1] : vector<512x4xi32> to vector<512xi32>
      %broadcast_in_dim3A = vector.shape_cast %reduce_sum3A_34 : vector<512xi32> to vector<512x1xi32>
      %iota3A = tpu.iota {dimensions = array<i32: 1>} : vector<512x4xi32>
      %sub3A = vector.broadcast %broadcast_in_dim3A : vector<512x1xi32> to vector<512x4xi32>
      %sub3A_35 = arith.subi %iota3A, %sub3A : vector<512x4xi32>
      %lt3A_36 = vector.broadcast %get3A_25 : vector<512x1xi32> to vector<512x4xi32>
      %lt3A_37 = arith.cmpi slt, %sub3A_35, %lt3A_36 : vector<512x4xi32>
      %sub3A_38 = vector.broadcast %get3A_25 : vector<512x1xi32> to vector<512x4xi32>
      %sub3A_39 = arith.subi %sub3A_35, %sub3A_38 : vector<512x4xi32>
      %add3A_40 = vector.broadcast %get3A_30 : vector<512x1xi32> to vector<512x4xi32>
      %add3A_41 = arith.addi %add3A_40, %sub3A_39 : vector<512x4xi32>
      %select_n3A = arith.select %lt3A_37, %sub3A_35, %add3A_41 : vector<512x4xi1>, vector<512x4xi32>
      %jit3A = arith.constant 0 : i32
      %jit3A_42 = arith.constant 9999 : i32
      %max3A = vector.broadcast %jit3A : i32 to vector<512x4xi32>
      %max3A_43 = arith.maxsi %max3A, %select_n3A : vector<512x4xi32>
      %min3A = vector.broadcast %jit3A_42 : i32 to vector<512x4xi32>
      %min3A_44 = arith.minsi %min3A, %max3A_43 : vector<512x4xi32>
      %select_n3A_45 = arith.select %lt3A_32, %get3A_20, %min3A_44 : vector<512x4xi1>, vector<512x4xi32>
      %swap3A = arith.constant 0 : index
      %swap3A_46 = arith.constant 0 : index
      %swap3A_47 = vector.load %arg9[%swap3A, %swap3A_46] : memref<512x4xi32, #tpu.memory_space<vmem>>, vector<512x4xi32>
      tpu.vector_store %arg9[%swap3A, %swap3A_46], %select_n3A_45 {strides = array<i32>} : memref<512x4xi32, #tpu.memory_space<vmem>>, vector<512x4xi32>,
    } else {
    }
    return
  }
  func.func @transform_0(%arg0: i32, %arg1: i32, %arg2: memref<2x20xi32, #tpu.memory_space<smem>>) -> (i32, i32) {
    %c0_i32 = arith.constant 0 : i32
    %c0_i32_0 = arith.constant 0 : i32
    return %arg0, %c0_i32 : i32, i32
  }
  func.func @transform_1(%arg0: i32, %arg1: i32, %arg2: memref<2x20xi32, #tpu.memory_space<smem>>) -> (i32, i32) {
    %get3A = arith.constant 0 : index
    %get3A_0 = arith.index_cast %arg0 : i32 to index
    %get3A_1 = memref.load %arg2[%get3A, %get3A_0] : memref<2x20xi32, #tpu.memory_space<smem>>
    %add3A = arith.addi %get3A_1, %arg1 : i32
    %get3A_2 = arith.constant 1 : index
    %get3A_3 = arith.index_cast %arg0 : i32 to index
    %get3A_4 = memref.load %arg2[%get3A_2, %get3A_3] : memref<2x20xi32, #tpu.memory_space<smem>>
    %min3A = arith.minsi %add3A, %get3A_4 : i32
    %c0_i32 = arith.constant 0 : i32
    %c0_i32_5 = arith.constant 0 : i32
    return %min3A, %c0_i32 : i32, i32
  }
  func.func @transform_2(%arg0: i32, %arg1: i32, %arg2: memref<2x20xi32, #tpu.memory_space<smem>>) -> (i32, i32, i32) {
    %c0_i32 = arith.constant 0 : i32
    %c0_i32_0 = arith.constant 0 : i32
    %c0_i32_1 = arith.constant 0 : i32
    return %arg0, %c0_i32, %c0_i32_0 : i32, i32, i32
  }
  func.func @transform_3(%arg0: i32, %arg1: i32, %arg2: memref<2x20xi32, #tpu.memory_space<smem>>) -> (i32, i32, i32) {
    %get3A = arith.constant 0 : index
    %get3A_0 = arith.index_cast %arg0 : i32 to index
    %get3A_1 = memref.load %arg2[%get3A, %get3A_0] : memref<2x20xi32, #tpu.memory_space<smem>>
    %add3A = arith.addi %get3A_1, %arg1 : i32
    %get3A_2 = arith.constant 1 : index
    %get3A_3 = arith.index_cast %arg0 : i32 to index
    %get3A_4 = memref.load %arg2[%get3A_2, %get3A_3] : memref<2x20xi32, #tpu.memory_space<smem>>
    %min3A = arith.minsi %add3A, %get3A_4 : i32
    %c0_i32 = arith.constant 0 : i32
    %c0_i32_5 = arith.constant 0 : i32
    %c0_i32_6 = arith.constant 0 : i32
    return %min3A, %c0_i32, %c0_i32_5 : i32, i32, i32
  }
  func.func @transform_4(%arg0: i32, %arg1: i32, %arg2: memref<2x20xi32, #tpu.memory_space<smem>>) -> (i32, i32, i32) {
    %c0_i32 = arith.constant 0 : i32
    %c0_i32_0 = arith.constant 0 : i32
    %c0_i32_1 = arith.constant 0 : i32
    return %arg0, %c0_i32, %c0_i32_0 : i32, i32, i32
  }
  func.func @transform_5(%arg0: i32, %arg1: i32, %arg2: memref<2x20xi32, #tpu.memory_space<smem>>) -> (i32, i32, i32) {
    %c0_i32 = arith.constant 0 : i32
    %c0_i32_0 = arith.constant 0 : i32
    %c0_i32_1 = arith.constant 0 : i32
    return %arg0, %c0_i32, %c0_i32_0 : i32, i32, i32
  }
  func.func @transform_6(%arg0: i32, %arg1: i32, %arg2: memref<2x20xi32, #tpu.memory_space<smem>>) -> (i32, i32) {
    %c0_i32 = arith.constant 0 : i32
    %c0_i32_0 = arith.constant 0 : i32
    return %arg0, %c0_i32 : i32, i32
  }
}

module attributes {stable_mosaic.version = 14 : i64} {
  func.func @_msg_body(%arg0: i32, %arg1: memref<512x128xf32, #tpu.memory_space<vmem>>, %arg2: memref<512x128xf32, #tpu.memory_space<vmem>>, %arg3: memref<512x4x128xf32, #tpu.memory_space<vmem>>, %arg4: memref<128x128xf32, #tpu.memory_space<vmem>>, %arg5: memref<1x128xf32, #tpu.memory_space<vmem>>, %arg6: memref<512x128xf32, #tpu.memory_space<vmem>>, %arg7: memref<1x128xf32, #tpu.memory_space<vmem>>, %arg8: memref<1x128xf32, #tpu.memory_space<vmem>>) attributes {dimension_semantics = [#tpu.dimension_semantics<arbitrary>], iteration_bounds = array<i64: 20>, scalar_prefetch = 0 : i64, scratch_operands = 0 : i64, tpu.core_type = #tpu.core_type<tc>, window_params = [{transform_indices = @transform_0, window_bounds = array<i64: 512, 128>}, {transform_indices = @transform_1, window_bounds = array<i64: 512, 128>}, {transform_indices = @transform_2, window_bounds = array<i64: 512, 4, 128>}, {pipeline_mode = #tpu.pipeline_mode<synchronous>, transform_indices = @transform_3, window_bounds = array<i64: 128, 128>}, {pipeline_mode = #tpu.pipeline_mode<synchronous>, transform_indices = @transform_4, window_bounds = array<i64: 1, 128>}, {transform_indices = @transform_5, window_bounds = array<i64: 512, 128>}, {pipeline_mode = #tpu.pipeline_mode<synchronous>, transform_indices = @transform_6, window_bounds = array<i64: 1, 128>}, {pipeline_mode = #tpu.pipeline_mode<synchronous>, transform_indices = @transform_7, window_bounds = array<i64: 1, 128>}]} {
    %eq3A = arith.constant 0 : i32
    %eq3A_0 = arith.cmpi eq, %arg0, %eq3A : i32
    %convert_element_type3A = arith.extui %eq3A_0 : i1 to i32
    %cond3A = arith.constant 0 : i32
    %cond3A_1 = arith.cmpi ne, %convert_element_type3A, %cond3A : i32
    scf.if %cond3A_1 {
      %broadcast_in_dim3A_230 = arith.constant 0.000000e+00 : f32
      %broadcast_in_dim3A_231 = vector.broadcast %broadcast_in_dim3A_230 : f32 to vector<1x128xf32>
      %swap3A_232 = arith.constant 0 : index
      %swap3A_233 = arith.constant 0 : index
      %swap3A_234 = vector.load %arg7[%swap3A_232, %swap3A_233] : memref<1x128xf32, #tpu.memory_space<vmem>>, vector<1x128xf32>
      tpu.vector_store %arg7[%swap3A_232, %swap3A_233], %broadcast_in_dim3A_231 {strides = array<i32>} : memref<1x128xf32, #tpu.memory_space<vmem>>, vector<1x128xf32>,
      %broadcast_in_dim3A_235 = arith.constant 0.000000e+00 : f32
      %broadcast_in_dim3A_236 = vector.broadcast %broadcast_in_dim3A_235 : f32 to vector<1x128xf32>
      %swap3A_237 = arith.constant 0 : index
      %swap3A_238 = arith.constant 0 : index
      %swap3A_239 = vector.load %arg8[%swap3A_237, %swap3A_238] : memref<1x128xf32, #tpu.memory_space<vmem>>, vector<1x128xf32>
      tpu.vector_store %arg8[%swap3A_237, %swap3A_238], %broadcast_in_dim3A_236 {strides = array<i32>} : memref<1x128xf32, #tpu.memory_space<vmem>>, vector<1x128xf32>,
    } else {
    }
    %get3A = arith.constant 0 : index
    %get3A_2 = arith.constant 0 : index
    %get3A_3 = vector.load %arg1[%get3A, %get3A_2] : memref<512x128xf32, #tpu.memory_space<vmem>>, vector<512x128xf32>
    %get3A_4 = arith.constant 0 : index
    %get3A_5 = arith.constant 0 : index
    %get3A_6 = vector.load %arg2[%get3A_4, %get3A_5] : memref<512x128xf32, #tpu.memory_space<vmem>>, vector<512x128xf32>
    %get3A_7 = arith.constant 0 : index
    %get3A_8 = arith.constant 0 : index
    %get3A_9 = vector.load %arg4[%get3A_7, %get3A_8] : memref<128x128xf32, #tpu.memory_space<vmem>>, vector<128x128xf32>
    %get3A_10 = arith.constant 0 : index
    %get3A_11 = arith.constant 0 : index
    %get3A_12 = vector.load %arg5[%get3A_10, %get3A_11] : memref<1x128xf32, #tpu.memory_space<vmem>>, vector<1x128xf32>
    %mul3A = arith.constant 512 : i32
    %mul3A_13 = arith.muli %arg0, %mul3A : i32
    %iota3A = tpu.iota {dimensions = array<i32: 0>} : vector<512x1xi32>
    %add3A = vector.broadcast %mul3A_13 : i32 to vector<512x1xi32>
    %add3A_14 = arith.addi %add3A, %iota3A : vector<512x1xi32>
    %lt3A = arith.constant 10000 : i32
    %lt3A_15 = vector.broadcast %lt3A : i32 to vector<512x1xi32>
    %lt3A_16 = arith.cmpi slt, %add3A_14, %lt3A_15 : vector<512x1xi32>
    %broadcast_in_dim3A = arith.constant 0.000000e+00 : f32
    %broadcast_in_dim3A_17 = vector.broadcast %broadcast_in_dim3A : f32 to vector<1x128xf32>
    %broadcast_in_dim3A_18 = arith.constant 0.000000e+00 : f32
    %broadcast_in_dim3A_19 = vector.broadcast %broadcast_in_dim3A_18 : f32 to vector<1x128xf32>
    %get3A_20 = arith.constant 0 : index
    %get3A_21 = arith.constant 0 : index
    %get3A_22 = arith.constant 0 : index
    %get3A_23 = vector.load %arg3[%get3A_20, %get3A_21, %get3A_22] : memref<512x4x128xf32, #tpu.memory_space<vmem>>, vector<512x1x128xf32>
    %get3A_24 = vector.shape_cast %get3A_23 : vector<512x1x128xf32> to vector<512x128xf32>
    %sub3A = arith.subf %get3A_24, %get3A_6 : vector<512x128xf32>
    %convert_element_type3A_25 = arith.truncf %sub3A : vector<512x128xf32> to vector<512x128xbf16>
    %convert_element_type3A_26 = arith.truncf %get3A_9 : vector<128x128xf32> to vector<128x128xbf16>
    %dot_general3A = arith.constant dense<0.000000e+00> : vector<512x128xf32>
    %dot_general3A_27 = tpu.matmul %convert_element_type3A_25, %convert_element_type3A_26, %dot_general3A {dimension_numbers = #tpu.dot_dimension_numbers<[1], [0], [0], [1], [0, 0, 1, 1], [], []>, transpose_lhs_hint = false} : vector<512x128xbf16>, vector<128x128xbf16>, vector<512x128xf32> -> vector<512x128xf32>
    %add3A_28 = arith.addf %get3A_3, %dot_general3A_27 : vector<512x128xf32>
    %add3A_29 = vector.broadcast %get3A_12 : vector<1x128xf32> to vector<512x128xf32>
    %add3A_30 = arith.addf %add3A_28, %add3A_29 : vector<512x128xf32>
    %gt3A = arith.constant 0.000000e+00 : f32
    %gt3A_31 = vector.broadcast %gt3A : f32 to vector<512x128xf32>
    %gt3A_32 = arith.cmpf ogt, %add3A_30, %gt3A_31 : vector<512x128xf32>
    %jit3A = arith.constant 0.000000e+00 : f32
    %broadcast_in_dim3A_33 = vector.broadcast %jit3A : f32 to vector<512x128xf32>
    %select_n3A = arith.select %gt3A_32, %broadcast_in_dim3A_33, %add3A_30 : vector<512x128xi1>, vector<512x128xf32>
    %mul3A_34 = arith.constant 5.000000e-01 : f32
    %mul3A_35 = vector.broadcast %mul3A_34 : f32 to vector<512x128xf32>
    %mul3A_36 = arith.mulf %mul3A_35, %select_n3A : vector<512x128xf32>
    %tanh3A = math.tanh %mul3A_36 : vector<512x128xf32>
    %exp3A = math.exp %select_n3A : vector<512x128xf32>
    %add3A_37 = arith.constant 1.000000e+00 : f32
    %add3A_38 = vector.broadcast %add3A_37 : f32 to vector<512x128xf32>
    %add3A_39 = arith.addf %add3A_38, %exp3A : vector<512x128xf32>
    %mul3A_40 = arith.mulf %tanh3A, %add3A_39 : vector<512x128xf32>
    %eq3A_41 = arith.constant 0.000000e+00 : f32
    %eq3A_42 = vector.broadcast %eq3A_41 : f32 to vector<512x128xf32>
    %eq3A_43 = arith.cmpf oeq, %mul3A_36, %eq3A_42 : vector<512x128xf32>
    %select_n3A_44 = arith.select %eq3A_43, %select_n3A, %mul3A_40 : vector<512x128xi1>, vector<512x128xf32>
    %gt3A_45 = arith.constant 0.000000e+00 : f32
    %gt3A_46 = vector.broadcast %gt3A_45 : f32 to vector<512x128xf32>
    %gt3A_47 = arith.cmpf ogt, %add3A_30, %gt3A_46 : vector<512x128xf32>
    %select_n3A_48 = arith.select %gt3A_47, %add3A_30, %select_n3A_44 : vector<512x128xi1>, vector<512x128xf32>
    %jit3A_49 = arith.constant 0.000000e+00 : f32
    %broadcast_in_dim3A_50 = vector.shape_cast %lt3A_16 : vector<512x1xi1> to vector<512x1xi1>
    %broadcast_in_dim3A_51 = vector.broadcast %broadcast_in_dim3A_50 : vector<512x1xi1> to vector<512x128xi1>
    %broadcast_in_dim3A_52 = vector.broadcast %jit3A_49 : f32 to vector<512x128xf32>
    %select_n3A_53 = arith.select %broadcast_in_dim3A_51, %select_n3A_48, %broadcast_in_dim3A_52 : vector<512x128xi1>, vector<512x128xf32>
    %reduce_sum3A = arith.constant dense<0.000000e+00> : vector<128xf32>
    %reduce_sum3A_54 = vector.multi_reduction <add>, %select_n3A_53, %reduce_sum3A [0] : vector<512x128xf32> to vector<128xf32>
    %broadcast_in_dim3A_55 = vector.shape_cast %reduce_sum3A_54 : vector<128xf32> to vector<1x128xf32>
    %add3A_56 = arith.addf %broadcast_in_dim3A_17, %broadcast_in_dim3A_55 : vector<1x128xf32>
    %mul3A_57 = arith.mulf %select_n3A_53, %select_n3A_53 : vector<512x128xf32>
    %reduce_sum3A_58 = arith.constant dense<0.000000e+00> : vector<128xf32>
    %reduce_sum3A_59 = vector.multi_reduction <add>, %mul3A_57, %reduce_sum3A_58 [0] : vector<512x128xf32> to vector<128xf32>
    %broadcast_in_dim3A_60 = vector.shape_cast %reduce_sum3A_59 : vector<128xf32> to vector<1x128xf32>
    %add3A_61 = arith.addf %broadcast_in_dim3A_19, %broadcast_in_dim3A_60 : vector<1x128xf32>
    %get3A_62 = arith.constant 0 : index
    %get3A_63 = arith.constant 1 : index
    %get3A_64 = arith.constant 0 : index
    %get3A_65 = vector.load %arg3[%get3A_62, %get3A_63, %get3A_64] : memref<512x4x128xf32, #tpu.memory_space<vmem>>, vector<512x1x128xf32>
    %get3A_66 = vector.shape_cast %get3A_65 : vector<512x1x128xf32> to vector<512x128xf32>
    %sub3A_67 = arith.subf %get3A_66, %get3A_6 : vector<512x128xf32>
    %convert_element_type3A_68 = arith.truncf %sub3A_67 : vector<512x128xf32> to vector<512x128xbf16>
    %convert_element_type3A_69 = arith.truncf %get3A_9 : vector<128x128xf32> to vector<128x128xbf16>
    %dot_general3A_70 = arith.constant dense<0.000000e+00> : vector<512x128xf32>
    %dot_general3A_71 = tpu.matmul %convert_element_type3A_68, %convert_element_type3A_69, %dot_general3A_70 {dimension_numbers = #tpu.dot_dimension_numbers<[1], [0], [0], [1], [0, 0, 1, 1], [], []>, transpose_lhs_hint = false} : vector<512x128xbf16>, vector<128x128xbf16>, vector<512x128xf32> -> vector<512x128xf32>
    %add3A_72 = arith.addf %get3A_3, %dot_general3A_71 : vector<512x128xf32>
    %add3A_73 = vector.broadcast %get3A_12 : vector<1x128xf32> to vector<512x128xf32>
    %add3A_74 = arith.addf %add3A_72, %add3A_73 : vector<512x128xf32>
    %gt3A_75 = arith.constant 0.000000e+00 : f32
    %gt3A_76 = vector.broadcast %gt3A_75 : f32 to vector<512x128xf32>
    %gt3A_77 = arith.cmpf ogt, %add3A_74, %gt3A_76 : vector<512x128xf32>
    %jit3A_78 = arith.constant 0.000000e+00 : f32
    %broadcast_in_dim3A_79 = vector.broadcast %jit3A_78 : f32 to vector<512x128xf32>
    %select_n3A_80 = arith.select %gt3A_77, %broadcast_in_dim3A_79, %add3A_74 : vector<512x128xi1>, vector<512x128xf32>
    %mul3A_81 = arith.constant 5.000000e-01 : f32
    %mul3A_82 = vector.broadcast %mul3A_81 : f32 to vector<512x128xf32>
    %mul3A_83 = arith.mulf %mul3A_82, %select_n3A_80 : vector<512x128xf32>
    %tanh3A_84 = math.tanh %mul3A_83 : vector<512x128xf32>
    %exp3A_85 = math.exp %select_n3A_80 : vector<512x128xf32>
    %add3A_86 = arith.constant 1.000000e+00 : f32
    %add3A_87 = vector.broadcast %add3A_86 : f32 to vector<512x128xf32>
    %add3A_88 = arith.addf %add3A_87, %exp3A_85 : vector<512x128xf32>
    %mul3A_89 = arith.mulf %tanh3A_84, %add3A_88 : vector<512x128xf32>
    %eq3A_90 = arith.constant 0.000000e+00 : f32
    %eq3A_91 = vector.broadcast %eq3A_90 : f32 to vector<512x128xf32>
    %eq3A_92 = arith.cmpf oeq, %mul3A_83, %eq3A_91 : vector<512x128xf32>
    %select_n3A_93 = arith.select %eq3A_92, %select_n3A_80, %mul3A_89 : vector<512x128xi1>, vector<512x128xf32>
    %gt3A_94 = arith.constant 0.000000e+00 : f32
    %gt3A_95 = vector.broadcast %gt3A_94 : f32 to vector<512x128xf32>
    %gt3A_96 = arith.cmpf ogt, %add3A_74, %gt3A_95 : vector<512x128xf32>
    %select_n3A_97 = arith.select %gt3A_96, %add3A_74, %select_n3A_93 : vector<512x128xi1>, vector<512x128xf32>
    %max3A = arith.maximumf %select_n3A_48, %select_n3A_97 : vector<512x128xf32>
    %jit3A_98 = arith.constant 0.000000e+00 : f32
    %broadcast_in_dim3A_99 = vector.shape_cast %lt3A_16 : vector<512x1xi1> to vector<512x1xi1>
    %broadcast_in_dim3A_100 = vector.broadcast %broadcast_in_dim3A_99 : vector<512x1xi1> to vector<512x128xi1>
    %broadcast_in_dim3A_101 = vector.broadcast %jit3A_98 : f32 to vector<512x128xf32>
    %select_n3A_102 = arith.select %broadcast_in_dim3A_100, %select_n3A_97, %broadcast_in_dim3A_101 : vector<512x128xi1>, vector<512x128xf32>
    %reduce_sum3A_103 = arith.constant dense<0.000000e+00> : vector<128xf32>
    %reduce_sum3A_104 = vector.multi_reduction <add>, %select_n3A_102, %reduce_sum3A_103 [0] : vector<512x128xf32> to vector<128xf32>
    %broadcast_in_dim3A_105 = vector.shape_cast %reduce_sum3A_104 : vector<128xf32> to vector<1x128xf32>
    %add3A_106 = arith.addf %add3A_56, %broadcast_in_dim3A_105 : vector<1x128xf32>
    %mul3A_107 = arith.mulf %select_n3A_102, %select_n3A_102 : vector<512x128xf32>
    %reduce_sum3A_108 = arith.constant dense<0.000000e+00> : vector<128xf32>
    %reduce_sum3A_109 = vector.multi_reduction <add>, %mul3A_107, %reduce_sum3A_108 [0] : vector<512x128xf32> to vector<128xf32>
    %broadcast_in_dim3A_110 = vector.shape_cast %reduce_sum3A_109 : vector<128xf32> to vector<1x128xf32>
    %add3A_111 = arith.addf %add3A_61, %broadcast_in_dim3A_110 : vector<1x128xf32>
    %get3A_112 = arith.constant 0 : index
    %get3A_113 = arith.constant 2 : index
    %get3A_114 = arith.constant 0 : index
    %get3A_115 = vector.load %arg3[%get3A_112, %get3A_113, %get3A_114] : memref<512x4x128xf32, #tpu.memory_space<vmem>>, vector<512x1x128xf32>
    %get3A_116 = vector.shape_cast %get3A_115 : vector<512x1x128xf32> to vector<512x128xf32>
    %sub3A_117 = arith.subf %get3A_116, %get3A_6 : vector<512x128xf32>
    %convert_element_type3A_118 = arith.truncf %sub3A_117 : vector<512x128xf32> to vector<512x128xbf16>
    %convert_element_type3A_119 = arith.truncf %get3A_9 : vector<128x128xf32> to vector<128x128xbf16>
    %dot_general3A_120 = arith.constant dense<0.000000e+00> : vector<512x128xf32>
    %dot_general3A_121 = tpu.matmul %convert_element_type3A_118, %convert_element_type3A_119, %dot_general3A_120 {dimension_numbers = #tpu.dot_dimension_numbers<[1], [0], [0], [1], [0, 0, 1, 1], [], []>, transpose_lhs_hint = false} : vector<512x128xbf16>, vector<128x128xbf16>, vector<512x128xf32> -> vector<512x128xf32>
    %add3A_122 = arith.addf %get3A_3, %dot_general3A_121 : vector<512x128xf32>
    %add3A_123 = vector.broadcast %get3A_12 : vector<1x128xf32> to vector<512x128xf32>
    %add3A_124 = arith.addf %add3A_122, %add3A_123 : vector<512x128xf32>
    %gt3A_125 = arith.constant 0.000000e+00 : f32
    %gt3A_126 = vector.broadcast %gt3A_125 : f32 to vector<512x128xf32>
    %gt3A_127 = arith.cmpf ogt, %add3A_124, %gt3A_126 : vector<512x128xf32>
    %jit3A_128 = arith.constant 0.000000e+00 : f32
    %broadcast_in_dim3A_129 = vector.broadcast %jit3A_128 : f32 to vector<512x128xf32>
    %select_n3A_130 = arith.select %gt3A_127, %broadcast_in_dim3A_129, %add3A_124 : vector<512x128xi1>, vector<512x128xf32>
    %mul3A_131 = arith.constant 5.000000e-01 : f32
    %mul3A_132 = vector.broadcast %mul3A_131 : f32 to vector<512x128xf32>
    %mul3A_133 = arith.mulf %mul3A_132, %select_n3A_130 : vector<512x128xf32>
    %tanh3A_134 = math.tanh %mul3A_133 : vector<512x128xf32>
    %exp3A_135 = math.exp %select_n3A_130 : vector<512x128xf32>
    %add3A_136 = arith.constant 1.000000e+00 : f32
    %add3A_137 = vector.broadcast %add3A_136 : f32 to vector<512x128xf32>
    %add3A_138 = arith.addf %add3A_137, %exp3A_135 : vector<512x128xf32>
    %mul3A_139 = arith.mulf %tanh3A_134, %add3A_138 : vector<512x128xf32>
    %eq3A_140 = arith.constant 0.000000e+00 : f32
    %eq3A_141 = vector.broadcast %eq3A_140 : f32 to vector<512x128xf32>
    %eq3A_142 = arith.cmpf oeq, %mul3A_133, %eq3A_141 : vector<512x128xf32>
    %select_n3A_143 = arith.select %eq3A_142, %select_n3A_130, %mul3A_139 : vector<512x128xi1>, vector<512x128xf32>
    %gt3A_144 = arith.constant 0.000000e+00 : f32
    %gt3A_145 = vector.broadcast %gt3A_144 : f32 to vector<512x128xf32>
    %gt3A_146 = arith.cmpf ogt, %add3A_124, %gt3A_145 : vector<512x128xf32>
    %select_n3A_147 = arith.select %gt3A_146, %add3A_124, %select_n3A_143 : vector<512x128xi1>, vector<512x128xf32>
    %max3A_148 = arith.maximumf %max3A, %select_n3A_147 : vector<512x128xf32>
    %jit3A_149 = arith.constant 0.000000e+00 : f32
    %broadcast_in_dim3A_150 = vector.shape_cast %lt3A_16 : vector<512x1xi1> to vector<512x1xi1>
    %broadcast_in_dim3A_151 = vector.broadcast %broadcast_in_dim3A_150 : vector<512x1xi1> to vector<512x128xi1>
    %broadcast_in_dim3A_152 = vector.broadcast %jit3A_149 : f32 to vector<512x128xf32>
    %select_n3A_153 = arith.select %broadcast_in_dim3A_151, %select_n3A_147, %broadcast_in_dim3A_152 : vector<512x128xi1>, vector<512x128xf32>
    %reduce_sum3A_154 = arith.constant dense<0.000000e+00> : vector<128xf32>
    %reduce_sum3A_155 = vector.multi_reduction <add>, %select_n3A_153, %reduce_sum3A_154 [0] : vector<512x128xf32> to vector<128xf32>
    %broadcast_in_dim3A_156 = vector.shape_cast %reduce_sum3A_155 : vector<128xf32> to vector<1x128xf32>
    %add3A_157 = arith.addf %add3A_106, %broadcast_in_dim3A_156 : vector<1x128xf32>
    %mul3A_158 = arith.mulf %select_n3A_153, %select_n3A_153 : vector<512x128xf32>
    %reduce_sum3A_159 = arith.constant dense<0.000000e+00> : vector<128xf32>
    %reduce_sum3A_160 = vector.multi_reduction <add>, %mul3A_158, %reduce_sum3A_159 [0] : vector<512x128xf32> to vector<128xf32>
    %broadcast_in_dim3A_161 = vector.shape_cast %reduce_sum3A_160 : vector<128xf32> to vector<1x128xf32>
    %add3A_162 = arith.addf %add3A_111, %broadcast_in_dim3A_161 : vector<1x128xf32>
    %get3A_163 = arith.constant 0 : index
    %get3A_164 = arith.constant 3 : index
    %get3A_165 = arith.constant 0 : index
    %get3A_166 = vector.load %arg3[%get3A_163, %get3A_164, %get3A_165] : memref<512x4x128xf32, #tpu.memory_space<vmem>>, vector<512x1x128xf32>
    %get3A_167 = vector.shape_cast %get3A_166 : vector<512x1x128xf32> to vector<512x128xf32>
    %sub3A_168 = arith.subf %get3A_167, %get3A_6 : vector<512x128xf32>
    %convert_element_type3A_169 = arith.truncf %sub3A_168 : vector<512x128xf32> to vector<512x128xbf16>
    %convert_element_type3A_170 = arith.truncf %get3A_9 : vector<128x128xf32> to vector<128x128xbf16>
    %dot_general3A_171 = arith.constant dense<0.000000e+00> : vector<512x128xf32>
    %dot_general3A_172 = tpu.matmul %convert_element_type3A_169, %convert_element_type3A_170, %dot_general3A_171 {dimension_numbers = #tpu.dot_dimension_numbers<[1], [0], [0], [1], [0, 0, 1, 1], [], []>, transpose_lhs_hint = false} : vector<512x128xbf16>, vector<128x128xbf16>, vector<512x128xf32> -> vector<512x128xf32>
    %add3A_173 = arith.addf %get3A_3, %dot_general3A_172 : vector<512x128xf32>
    %add3A_174 = vector.broadcast %get3A_12 : vector<1x128xf32> to vector<512x128xf32>
    %add3A_175 = arith.addf %add3A_173, %add3A_174 : vector<512x128xf32>
    %gt3A_176 = arith.constant 0.000000e+00 : f32
    %gt3A_177 = vector.broadcast %gt3A_176 : f32 to vector<512x128xf32>
    %gt3A_178 = arith.cmpf ogt, %add3A_175, %gt3A_177 : vector<512x128xf32>
    %jit3A_179 = arith.constant 0.000000e+00 : f32
    %broadcast_in_dim3A_180 = vector.broadcast %jit3A_179 : f32 to vector<512x128xf32>
    %select_n3A_181 = arith.select %gt3A_178, %broadcast_in_dim3A_180, %add3A_175 : vector<512x128xi1>, vector<512x128xf32>
    %mul3A_182 = arith.constant 5.000000e-01 : f32
    %mul3A_183 = vector.broadcast %mul3A_182 : f32 to vector<512x128xf32>
    %mul3A_184 = arith.mulf %mul3A_183, %select_n3A_181 : vector<512x128xf32>
    %tanh3A_185 = math.tanh %mul3A_184 : vector<512x128xf32>
    %exp3A_186 = math.exp %select_n3A_181 : vector<512x128xf32>
    %add3A_187 = arith.constant 1.000000e+00 : f32
    %add3A_188 = vector.broadcast %add3A_187 : f32 to vector<512x128xf32>
    %add3A_189 = arith.addf %add3A_188, %exp3A_186 : vector<512x128xf32>
    %mul3A_190 = arith.mulf %tanh3A_185, %add3A_189 : vector<512x128xf32>
    %eq3A_191 = arith.constant 0.000000e+00 : f32
    %eq3A_192 = vector.broadcast %eq3A_191 : f32 to vector<512x128xf32>
    %eq3A_193 = arith.cmpf oeq, %mul3A_184, %eq3A_192 : vector<512x128xf32>
    %select_n3A_194 = arith.select %eq3A_193, %select_n3A_181, %mul3A_190 : vector<512x128xi1>, vector<512x128xf32>
    %gt3A_195 = arith.constant 0.000000e+00 : f32
    %gt3A_196 = vector.broadcast %gt3A_195 : f32 to vector<512x128xf32>
    %gt3A_197 = arith.cmpf ogt, %add3A_175, %gt3A_196 : vector<512x128xf32>
    %select_n3A_198 = arith.select %gt3A_197, %add3A_175, %select_n3A_194 : vector<512x128xi1>, vector<512x128xf32>
    %max3A_199 = arith.maximumf %max3A_148, %select_n3A_198 : vector<512x128xf32>
    %jit3A_200 = arith.constant 0.000000e+00 : f32
    %broadcast_in_dim3A_201 = vector.shape_cast %lt3A_16 : vector<512x1xi1> to vector<512x1xi1>
    %broadcast_in_dim3A_202 = vector.broadcast %broadcast_in_dim3A_201 : vector<512x1xi1> to vector<512x128xi1>
    %broadcast_in_dim3A_203 = vector.broadcast %jit3A_200 : f32 to vector<512x128xf32>
    %select_n3A_204 = arith.select %broadcast_in_dim3A_202, %select_n3A_198, %broadcast_in_dim3A_203 : vector<512x128xi1>, vector<512x128xf32>
    %reduce_sum3A_205 = arith.constant dense<0.000000e+00> : vector<128xf32>
    %reduce_sum3A_206 = vector.multi_reduction <add>, %select_n3A_204, %reduce_sum3A_205 [0] : vector<512x128xf32> to vector<128xf32>
    %broadcast_in_dim3A_207 = vector.shape_cast %reduce_sum3A_206 : vector<128xf32> to vector<1x128xf32>
    %add3A_208 = arith.addf %add3A_157, %broadcast_in_dim3A_207 : vector<1x128xf32>
    %mul3A_209 = arith.mulf %select_n3A_204, %select_n3A_204 : vector<512x128xf32>
    %reduce_sum3A_210 = arith.constant dense<0.000000e+00> : vector<128xf32>
    %reduce_sum3A_211 = vector.multi_reduction <add>, %mul3A_209, %reduce_sum3A_210 [0] : vector<512x128xf32> to vector<128xf32>
    %broadcast_in_dim3A_212 = vector.shape_cast %reduce_sum3A_211 : vector<128xf32> to vector<1x128xf32>
    %add3A_213 = arith.addf %add3A_162, %broadcast_in_dim3A_212 : vector<1x128xf32>
    %swap3A = arith.constant 0 : index
    %swap3A_214 = arith.constant 0 : index
    %swap3A_215 = vector.load %arg6[%swap3A, %swap3A_214] : memref<512x128xf32, #tpu.memory_space<vmem>>, vector<512x128xf32>
    tpu.vector_store %arg6[%swap3A, %swap3A_214], %max3A_199 {strides = array<i32>} : memref<512x128xf32, #tpu.memory_space<vmem>>, vector<512x128xf32>,
    %get3A_216 = arith.constant 0 : index
    %get3A_217 = arith.constant 0 : index
    %get3A_218 = vector.load %arg7[%get3A_216, %get3A_217] : memref<1x128xf32, #tpu.memory_space<vmem>>, vector<1x128xf32>
    %add3A_219 = arith.addf %get3A_218, %add3A_208 : vector<1x128xf32>
    %swap3A_220 = arith.constant 0 : index
    %swap3A_221 = arith.constant 0 : index
    %swap3A_222 = vector.load %arg7[%swap3A_220, %swap3A_221] : memref<1x128xf32, #tpu.memory_space<vmem>>, vector<1x128xf32>
    tpu.vector_store %arg7[%swap3A_220, %swap3A_221], %add3A_219 {strides = array<i32>} : memref<1x128xf32, #tpu.memory_space<vmem>>, vector<1x128xf32>,
    %get3A_223 = arith.constant 0 : index
    %get3A_224 = arith.constant 0 : index
    %get3A_225 = vector.load %arg8[%get3A_223, %get3A_224] : memref<1x128xf32, #tpu.memory_space<vmem>>, vector<1x128xf32>
    %add3A_226 = arith.addf %get3A_225, %add3A_213 : vector<1x128xf32>
    %swap3A_227 = arith.constant 0 : index
    %swap3A_228 = arith.constant 0 : index
    %swap3A_229 = vector.load %arg8[%swap3A_227, %swap3A_228] : memref<1x128xf32, #tpu.memory_space<vmem>>, vector<1x128xf32>
    tpu.vector_store %arg8[%swap3A_227, %swap3A_228], %add3A_226 {strides = array<i32>} : memref<1x128xf32, #tpu.memory_space<vmem>>, vector<1x128xf32>,
    return
  }
  func.func @transform_0(%arg0: i32) -> (i32, i32) {
    %c0_i32 = arith.constant 0 : i32
    %c0_i32_0 = arith.constant 0 : i32
    return %arg0, %c0_i32 : i32, i32
  }
  func.func @transform_1(%arg0: i32) -> (i32, i32) {
    %c0_i32 = arith.constant 0 : i32
    %c0_i32_0 = arith.constant 0 : i32
    return %arg0, %c0_i32 : i32, i32
  }
  func.func @transform_2(%arg0: i32) -> (i32, i32, i32) {
    %c0_i32 = arith.constant 0 : i32
    %c0_i32_0 = arith.constant 0 : i32
    %c0_i32_1 = arith.constant 0 : i32
    return %arg0, %c0_i32, %c0_i32_0 : i32, i32, i32
  }
  func.func @transform_3(%arg0: i32) -> (i32, i32) {
    %c0_i32 = arith.constant 0 : i32
    %c0_i32_0 = arith.constant 0 : i32
    %c0_i32_1 = arith.constant 0 : i32
    return %c0_i32, %c0_i32_0 : i32, i32
  }
  func.func @transform_4(%arg0: i32) -> (i32, i32) {
    %c0_i32 = arith.constant 0 : i32
    %c0_i32_0 = arith.constant 0 : i32
    %c0_i32_1 = arith.constant 0 : i32
    return %c0_i32, %c0_i32_0 : i32, i32
  }
  func.func @transform_5(%arg0: i32) -> (i32, i32) {
    %c0_i32 = arith.constant 0 : i32
    %c0_i32_0 = arith.constant 0 : i32
    return %arg0, %c0_i32 : i32, i32
  }
  func.func @transform_6(%arg0: i32) -> (i32, i32) {
    %c0_i32 = arith.constant 0 : i32
    %c0_i32_0 = arith.constant 0 : i32
    %c0_i32_1 = arith.constant 0 : i32
    return %c0_i32, %c0_i32_0 : i32, i32
  }
  func.func @transform_7(%arg0: i32) -> (i32, i32) {
    %c0_i32 = arith.constant 0 : i32
    %c0_i32_0 = arith.constant 0 : i32
    %c0_i32_1 = arith.constant 0 : i32
    return %c0_i32, %c0_i32_0 : i32, i32
  }
}

module attributes {stable_mosaic.version = 14 : i64} {
  func.func @_fin1_body(%arg0: i32, %arg1: memref<512x128xf32, #tpu.memory_space<vmem>>, %arg2: memref<1x128xf32, #tpu.memory_space<vmem>>, %arg3: memref<1x128xf32, #tpu.memory_space<vmem>>, %arg4: memref<1x128xf32, #tpu.memory_space<vmem>>, %arg5: memref<1x128xf32, #tpu.memory_space<vmem>>, %arg6: memref<128x128xf32, #tpu.memory_space<vmem>>, %arg7: memref<512x128xf32, #tpu.memory_space<vmem>>, %arg8: memref<512x128xf32, #tpu.memory_space<vmem>>, %arg9: memref<512x1xf32, #tpu.memory_space<vmem>>) attributes {dimension_semantics = [#tpu.dimension_semantics<arbitrary>], iteration_bounds = array<i64: 20>, scalar_prefetch = 0 : i64, scratch_operands = 0 : i64, tpu.core_type = #tpu.core_type<tc>, window_params = [{transform_indices = @transform_0, window_bounds = array<i64: 512, 128>}, {pipeline_mode = #tpu.pipeline_mode<synchronous>, transform_indices = @transform_1, window_bounds = array<i64: 1, 128>}, {pipeline_mode = #tpu.pipeline_mode<synchronous>, transform_indices = @transform_2, window_bounds = array<i64: 1, 128>}, {pipeline_mode = #tpu.pipeline_mode<synchronous>, transform_indices = @transform_3, window_bounds = array<i64: 1, 128>}, {pipeline_mode = #tpu.pipeline_mode<synchronous>, transform_indices = @transform_4, window_bounds = array<i64: 1, 128>}, {pipeline_mode = #tpu.pipeline_mode<synchronous>, transform_indices = @transform_5, window_bounds = array<i64: 128, 128>}, {transform_indices = @transform_6, window_bounds = array<i64: 512, 128>}, {transform_indices = @transform_7, window_bounds = array<i64: 512, 128>}, {transform_indices = @transform_8, window_bounds = array<i64: 512, 1>}]} {
    %get3A = arith.constant 0 : index
    %get3A_0 = arith.constant 0 : index
    %get3A_1 = vector.load %arg2[%get3A, %get3A_0] : memref<1x128xf32, #tpu.memory_space<vmem>>, vector<1x128xf32>
    %div3A = arith.constant 4.000000e+04 : f32
    %div3A_2 = vector.broadcast %div3A : f32 to vector<1x128xf32>
    %div3A_3 = arith.divf %get3A_1, %div3A_2 : vector<1x128xf32>
    %get3A_4 = arith.constant 0 : index
    %get3A_5 = arith.constant 0 : index
    %get3A_6 = vector.load %arg3[%get3A_4, %get3A_5] : memref<1x128xf32, #tpu.memory_space<vmem>>, vector<1x128xf32>
    %div3A_7 = arith.constant 4.000000e+04 : f32
    %div3A_8 = vector.broadcast %div3A_7 : f32 to vector<1x128xf32>
    %div3A_9 = arith.divf %get3A_6, %div3A_8 : vector<1x128xf32>
    %mul3A = arith.mulf %div3A_3, %div3A_3 : vector<1x128xf32>
    %sub3A = arith.subf %div3A_9, %mul3A : vector<1x128xf32>
    %get3A_10 = arith.constant 0 : index
    %get3A_11 = arith.constant 0 : index
    %get3A_12 = vector.load %arg1[%get3A_10, %get3A_11] : memref<512x128xf32, #tpu.memory_space<vmem>>, vector<512x128xf32>
    %sub3A_13 = vector.broadcast %div3A_3 : vector<1x128xf32> to vector<512x128xf32>
    %sub3A_14 = arith.subf %get3A_12, %sub3A_13 : vector<512x128xf32>
    %add3A = arith.constant 9.99999974E-6 : f32
    %add3A_15 = vector.broadcast %add3A : f32 to vector<1x128xf32>
    %add3A_16 = arith.addf %sub3A, %add3A_15 : vector<1x128xf32>
    %rsqrt3A = math.rsqrt %add3A_16 : vector<1x128xf32>
    %mul3A_17 = vector.broadcast %rsqrt3A : vector<1x128xf32> to vector<512x128xf32>
    %mul3A_18 = arith.mulf %sub3A_14, %mul3A_17 : vector<512x128xf32>
    %get3A_19 = arith.constant 0 : index
    %get3A_20 = arith.constant 0 : index
    %get3A_21 = vector.load %arg4[%get3A_19, %get3A_20] : memref<1x128xf32, #tpu.memory_space<vmem>>, vector<1x128xf32>
    %mul3A_22 = vector.broadcast %get3A_21 : vector<1x128xf32> to vector<512x128xf32>
    %mul3A_23 = arith.mulf %mul3A_18, %mul3A_22 : vector<512x128xf32>
    %get3A_24 = arith.constant 0 : index
    %get3A_25 = arith.constant 0 : index
    %get3A_26 = vector.load %arg5[%get3A_24, %get3A_25] : memref<1x128xf32, #tpu.memory_space<vmem>>, vector<1x128xf32>
    %add3A_27 = vector.broadcast %get3A_26 : vector<1x128xf32> to vector<512x128xf32>
    %add3A_28 = arith.addf %mul3A_23, %add3A_27 : vector<512x128xf32>
    %swap3A = arith.constant 0 : index
    %swap3A_29 = arith.constant 0 : index
    %swap3A_30 = vector.load %arg7[%swap3A, %swap3A_29] : memref<512x128xf32, #tpu.memory_space<vmem>>, vector<512x128xf32>
    tpu.vector_store %arg7[%swap3A, %swap3A_29], %add3A_28 {strides = array<i32>} : memref<512x128xf32, #tpu.memory_space<vmem>>, vector<512x128xf32>,
    %get3A_31 = arith.constant 0 : index
    %get3A_32 = arith.constant 0 : index
    %get3A_33 = vector.load %arg6[%get3A_31, %get3A_32] : memref<128x128xf32, #tpu.memory_space<vmem>>, vector<128x128xf32>
    %convert_element_type3A = arith.truncf %add3A_28 : vector<512x128xf32> to vector<512x128xbf16>
    %convert_element_type3A_34 = arith.truncf %get3A_33 : vector<128x128xf32> to vector<128x128xbf16>
    %dot_general3A = arith.constant dense<0.000000e+00> : vector<512x128xf32>
    %dot_general3A_35 = tpu.matmul %convert_element_type3A, %convert_element_type3A_34, %dot_general3A {dimension_numbers = #tpu.dot_dimension_numbers<[1], [0], [0], [1], [0, 0, 1, 1], [], []>, transpose_lhs_hint = false} : vector<512x128xbf16>, vector<128x128xbf16>, vector<512x128xf32> -> vector<512x128xf32>
    %swap3A_36 = arith.constant 0 : index
    %swap3A_37 = arith.constant 0 : index
    %swap3A_38 = vector.load %arg8[%swap3A_36, %swap3A_37] : memref<512x128xf32, #tpu.memory_space<vmem>>, vector<512x128xf32>
    tpu.vector_store %arg8[%swap3A_36, %swap3A_37], %dot_general3A_35 {strides = array<i32>} : memref<512x128xf32, #tpu.memory_space<vmem>>, vector<512x128xf32>,
    %mul3A_39 = arith.mulf %add3A_28, %add3A_28 : vector<512x128xf32>
    %reduce_sum3A = arith.constant dense<0.000000e+00> : vector<512xf32>
    %reduce_sum3A_40 = vector.multi_reduction <add>, %mul3A_39, %reduce_sum3A [1] : vector<512x128xf32> to vector<512xf32>
    %broadcast_in_dim3A = vector.shape_cast %reduce_sum3A_40 : vector<512xf32> to vector<512x1xf32>
    %swap3A_41 = arith.constant 0 : index
    %swap3A_42 = arith.constant 0 : index
    %swap3A_43 = vector.load %arg9[%swap3A_41, %swap3A_42] : memref<512x1xf32, #tpu.memory_space<vmem>>, vector<512x1xf32>
    tpu.vector_store %arg9[%swap3A_41, %swap3A_42], %broadcast_in_dim3A {strides = array<i32>} : memref<512x1xf32, #tpu.memory_space<vmem>>, vector<512x1xf32>,
    return
  }
  func.func @transform_0(%arg0: i32) -> (i32, i32) {
    %c0_i32 = arith.constant 0 : i32
    %c0_i32_0 = arith.constant 0 : i32
    return %arg0, %c0_i32 : i32, i32
  }
  func.func @transform_1(%arg0: i32) -> (i32, i32) {
    %c0_i32 = arith.constant 0 : i32
    %c0_i32_0 = arith.constant 0 : i32
    %c0_i32_1 = arith.constant 0 : i32
    return %c0_i32, %c0_i32_0 : i32, i32
  }
  func.func @transform_2(%arg0: i32) -> (i32, i32) {
    %c0_i32 = arith.constant 0 : i32
    %c0_i32_0 = arith.constant 0 : i32
    %c0_i32_1 = arith.constant 0 : i32
    return %c0_i32, %c0_i32_0 : i32, i32
  }
  func.func @transform_3(%arg0: i32) -> (i32, i32) {
    %c0_i32 = arith.constant 0 : i32
    %c0_i32_0 = arith.constant 0 : i32
    %c0_i32_1 = arith.constant 0 : i32
    return %c0_i32, %c0_i32_0 : i32, i32
  }
  func.func @transform_4(%arg0: i32) -> (i32, i32) {
    %c0_i32 = arith.constant 0 : i32
    %c0_i32_0 = arith.constant 0 : i32
    %c0_i32_1 = arith.constant 0 : i32
    return %c0_i32, %c0_i32_0 : i32, i32
  }
  func.func @transform_5(%arg0: i32) -> (i32, i32) {
    %c0_i32 = arith.constant 0 : i32
    %c0_i32_0 = arith.constant 0 : i32
    %c0_i32_1 = arith.constant 0 : i32
    return %c0_i32, %c0_i32_0 : i32, i32
  }
  func.func @transform_6(%arg0: i32) -> (i32, i32) {
    %c0_i32 = arith.constant 0 : i32
    %c0_i32_0 = arith.constant 0 : i32
    return %arg0, %c0_i32 : i32, i32
  }
  func.func @transform_7(%arg0: i32) -> (i32, i32) {
    %c0_i32 = arith.constant 0 : i32
    %c0_i32_0 = arith.constant 0 : i32
    return %arg0, %c0_i32 : i32, i32
  }
  func.func @transform_8(%arg0: i32) -> (i32, i32) {
    %c0_i32 = arith.constant 0 : i32
    %c0_i32_0 = arith.constant 0 : i32
    return %arg0, %c0_i32 : i32, i32
  }
}

module attributes {stable_mosaic.version = 14 : i64} {
  func.func @_fin2_body(%arg0: i32, %arg1: memref<512x128xf32, #tpu.memory_space<vmem>>, %arg2: memref<1x128xf32, #tpu.memory_space<vmem>>, %arg3: memref<1x128xf32, #tpu.memory_space<vmem>>, %arg4: memref<1x128xf32, #tpu.memory_space<vmem>>, %arg5: memref<1x128xf32, #tpu.memory_space<vmem>>, %arg6: memref<512x128xf32, #tpu.memory_space<vmem>>, %arg7: memref<128x128xf32, #tpu.memory_space<vmem>>, %arg8: memref<512x128xf32, #tpu.memory_space<vmem>>, %arg9: memref<512x128xf32, #tpu.memory_space<vmem>>, %arg10: memref<512x1xf32, #tpu.memory_space<vmem>>) attributes {dimension_semantics = [#tpu.dimension_semantics<arbitrary>], iteration_bounds = array<i64: 20>, scalar_prefetch = 0 : i64, scratch_operands = 0 : i64, tpu.core_type = #tpu.core_type<tc>, window_params = [{transform_indices = @transform_0, window_bounds = array<i64: 512, 128>}, {pipeline_mode = #tpu.pipeline_mode<synchronous>, transform_indices = @transform_1, window_bounds = array<i64: 1, 128>}, {pipeline_mode = #tpu.pipeline_mode<synchronous>, transform_indices = @transform_2, window_bounds = array<i64: 1, 128>}, {pipeline_mode = #tpu.pipeline_mode<synchronous>, transform_indices = @transform_3, window_bounds = array<i64: 1, 128>}, {pipeline_mode = #tpu.pipeline_mode<synchronous>, transform_indices = @transform_4, window_bounds = array<i64: 1, 128>}, {transform_indices = @transform_5, window_bounds = array<i64: 512, 128>}, {pipeline_mode = #tpu.pipeline_mode<synchronous>, transform_indices = @transform_6, window_bounds = array<i64: 128, 128>}, {transform_indices = @transform_7, window_bounds = array<i64: 512, 128>}, {transform_indices = @transform_8, window_bounds = array<i64: 512, 128>}, {transform_indices = @transform_9, window_bounds = array<i64: 512, 1>}]} {
    %get3A = arith.constant 0 : index
    %get3A_0 = arith.constant 0 : index
    %get3A_1 = vector.load %arg2[%get3A, %get3A_0] : memref<1x128xf32, #tpu.memory_space<vmem>>, vector<1x128xf32>
    %div3A = arith.constant 4.000000e+04 : f32
    %div3A_2 = vector.broadcast %div3A : f32 to vector<1x128xf32>
    %div3A_3 = arith.divf %get3A_1, %div3A_2 : vector<1x128xf32>
    %get3A_4 = arith.constant 0 : index
    %get3A_5 = arith.constant 0 : index
    %get3A_6 = vector.load %arg3[%get3A_4, %get3A_5] : memref<1x128xf32, #tpu.memory_space<vmem>>, vector<1x128xf32>
    %div3A_7 = arith.constant 4.000000e+04 : f32
    %div3A_8 = vector.broadcast %div3A_7 : f32 to vector<1x128xf32>
    %div3A_9 = arith.divf %get3A_6, %div3A_8 : vector<1x128xf32>
    %mul3A = arith.mulf %div3A_3, %div3A_3 : vector<1x128xf32>
    %sub3A = arith.subf %div3A_9, %mul3A : vector<1x128xf32>
    %get3A_10 = arith.constant 0 : index
    %get3A_11 = arith.constant 0 : index
    %get3A_12 = vector.load %arg1[%get3A_10, %get3A_11] : memref<512x128xf32, #tpu.memory_space<vmem>>, vector<512x128xf32>
    %sub3A_13 = vector.broadcast %div3A_3 : vector<1x128xf32> to vector<512x128xf32>
    %sub3A_14 = arith.subf %get3A_12, %sub3A_13 : vector<512x128xf32>
    %add3A = arith.constant 9.99999974E-6 : f32
    %add3A_15 = vector.broadcast %add3A : f32 to vector<1x128xf32>
    %add3A_16 = arith.addf %sub3A, %add3A_15 : vector<1x128xf32>
    %rsqrt3A = math.rsqrt %add3A_16 : vector<1x128xf32>
    %mul3A_17 = vector.broadcast %rsqrt3A : vector<1x128xf32> to vector<512x128xf32>
    %mul3A_18 = arith.mulf %sub3A_14, %mul3A_17 : vector<512x128xf32>
    %get3A_19 = arith.constant 0 : index
    %get3A_20 = arith.constant 0 : index
    %get3A_21 = vector.load %arg4[%get3A_19, %get3A_20] : memref<1x128xf32, #tpu.memory_space<vmem>>, vector<1x128xf32>
    %mul3A_22 = vector.broadcast %get3A_21 : vector<1x128xf32> to vector<512x128xf32>
    %mul3A_23 = arith.mulf %mul3A_18, %mul3A_22 : vector<512x128xf32>
    %get3A_24 = arith.constant 0 : index
    %get3A_25 = arith.constant 0 : index
    %get3A_26 = vector.load %arg5[%get3A_24, %get3A_25] : memref<1x128xf32, #tpu.memory_space<vmem>>, vector<1x128xf32>
    %add3A_27 = vector.broadcast %get3A_26 : vector<1x128xf32> to vector<512x128xf32>
    %add3A_28 = arith.addf %mul3A_23, %add3A_27 : vector<512x128xf32>
    %get3A_29 = arith.constant 0 : index
    %get3A_30 = arith.constant 0 : index
    %get3A_31 = vector.load %arg6[%get3A_29, %get3A_30] : memref<512x128xf32, #tpu.memory_space<vmem>>, vector<512x128xf32>
    %add3A_32 = arith.addf %add3A_28, %get3A_31 : vector<512x128xf32>
    %swap3A = arith.constant 0 : index
    %swap3A_33 = arith.constant 0 : index
    %swap3A_34 = vector.load %arg8[%swap3A, %swap3A_33] : memref<512x128xf32, #tpu.memory_space<vmem>>, vector<512x128xf32>
    tpu.vector_store %arg8[%swap3A, %swap3A_33], %add3A_32 {strides = array<i32>} : memref<512x128xf32, #tpu.memory_space<vmem>>, vector<512x128xf32>,
    %get3A_35 = arith.constant 0 : index
    %get3A_36 = arith.constant 0 : index
    %get3A_37 = vector.load %arg7[%get3A_35, %get3A_36] : memref<128x128xf32, #tpu.memory_space<vmem>>, vector<128x128xf32>
    %convert_element_type3A = arith.truncf %add3A_32 : vector<512x128xf32> to vector<512x128xbf16>
    %convert_element_type3A_38 = arith.truncf %get3A_37 : vector<128x128xf32> to vector<128x128xbf16>
    %dot_general3A = arith.constant dense<0.000000e+00> : vector<512x128xf32>
    %dot_general3A_39 = tpu.matmul %convert_element_type3A, %convert_element_type3A_38, %dot_general3A {dimension_numbers = #tpu.dot_dimension_numbers<[1], [0], [0], [1], [0, 0, 1, 1], [], []>, transpose_lhs_hint = false} : vector<512x128xbf16>, vector<128x128xbf16>, vector<512x128xf32> -> vector<512x128xf32>
    %swap3A_40 = arith.constant 0 : index
    %swap3A_41 = arith.constant 0 : index
    %swap3A_42 = vector.load %arg9[%swap3A_40, %swap3A_41] : memref<512x128xf32, #tpu.memory_space<vmem>>, vector<512x128xf32>
    tpu.vector_store %arg9[%swap3A_40, %swap3A_41], %dot_general3A_39 {strides = array<i32>} : memref<512x128xf32, #tpu.memory_space<vmem>>, vector<512x128xf32>,
    %mul3A_43 = arith.mulf %add3A_32, %add3A_32 : vector<512x128xf32>
    %reduce_sum3A = arith.constant dense<0.000000e+00> : vector<512xf32>
    %reduce_sum3A_44 = vector.multi_reduction <add>, %mul3A_43, %reduce_sum3A [1] : vector<512x128xf32> to vector<512xf32>
    %broadcast_in_dim3A = vector.shape_cast %reduce_sum3A_44 : vector<512xf32> to vector<512x1xf32>
    %swap3A_45 = arith.constant 0 : index
    %swap3A_46 = arith.constant 0 : index
    %swap3A_47 = vector.load %arg10[%swap3A_45, %swap3A_46] : memref<512x1xf32, #tpu.memory_space<vmem>>, vector<512x1xf32>
    tpu.vector_store %arg10[%swap3A_45, %swap3A_46], %broadcast_in_dim3A {strides = array<i32>} : memref<512x1xf32, #tpu.memory_space<vmem>>, vector<512x1xf32>,
    return
  }
  func.func @transform_0(%arg0: i32) -> (i32, i32) {
    %c0_i32 = arith.constant 0 : i32
    %c0_i32_0 = arith.constant 0 : i32
    return %arg0, %c0_i32 : i32, i32
  }
  func.func @transform_1(%arg0: i32) -> (i32, i32) {
    %c0_i32 = arith.constant 0 : i32
    %c0_i32_0 = arith.constant 0 : i32
    %c0_i32_1 = arith.constant 0 : i32
    return %c0_i32, %c0_i32_0 : i32, i32
  }
  func.func @transform_2(%arg0: i32) -> (i32, i32) {
    %c0_i32 = arith.constant 0 : i32
    %c0_i32_0 = arith.constant 0 : i32
    %c0_i32_1 = arith.constant 0 : i32
    return %c0_i32, %c0_i32_0 : i32, i32
  }
  func.func @transform_3(%arg0: i32) -> (i32, i32) {
    %c0_i32 = arith.constant 0 : i32
    %c0_i32_0 = arith.constant 0 : i32
    %c0_i32_1 = arith.constant 0 : i32
    return %c0_i32, %c0_i32_0 : i32, i32
  }
  func.func @transform_4(%arg0: i32) -> (i32, i32) {
    %c0_i32 = arith.constant 0 : i32
    %c0_i32_0 = arith.constant 0 : i32
    %c0_i32_1 = arith.constant 0 : i32
    return %c0_i32, %c0_i32_0 : i32, i32
  }
  func.func @transform_5(%arg0: i32) -> (i32, i32) {
    %c0_i32 = arith.constant 0 : i32
    %c0_i32_0 = arith.constant 0 : i32
    return %arg0, %c0_i32 : i32, i32
  }
  func.func @transform_6(%arg0: i32) -> (i32, i32) {
    %c0_i32 = arith.constant 0 : i32
    %c0_i32_0 = arith.constant 0 : i32
    %c0_i32_1 = arith.constant 0 : i32
    return %c0_i32, %c0_i32_0 : i32, i32
  }
  func.func @transform_7(%arg0: i32) -> (i32, i32) {
    %c0_i32 = arith.constant 0 : i32
    %c0_i32_0 = arith.constant 0 : i32
    return %arg0, %c0_i32 : i32, i32
  }
  func.func @transform_8(%arg0: i32) -> (i32, i32) {
    %c0_i32 = arith.constant 0 : i32
    %c0_i32_0 = arith.constant 0 : i32
    return %arg0, %c0_i32 : i32, i32
  }
  func.func @transform_9(%arg0: i32) -> (i32, i32) {
    %c0_i32 = arith.constant 0 : i32
    %c0_i32_0 = arith.constant 0 : i32
    return %arg0, %c0_i32 : i32, i32
  }
}

module attributes {stable_mosaic.version = 14 : i64} {
  func.func @_fin3_body(%arg0: i32, %arg1: memref<512x128xf32, #tpu.memory_space<vmem>>, %arg2: memref<1x128xf32, #tpu.memory_space<vmem>>, %arg3: memref<1x128xf32, #tpu.memory_space<vmem>>, %arg4: memref<1x128xf32, #tpu.memory_space<vmem>>, %arg5: memref<1x128xf32, #tpu.memory_space<vmem>>, %arg6: memref<512x128xf32, #tpu.memory_space<vmem>>, %arg7: memref<128x32xf32, #tpu.memory_space<vmem>>, %arg8: memref<1x32xf32, #tpu.memory_space<vmem>>, %arg9: memref<32x16xf32, #tpu.memory_space<vmem>>, %arg10: memref<1x16xf32, #tpu.memory_space<vmem>>, %arg11: memref<16x8xf32, #tpu.memory_space<vmem>>, %arg12: memref<1x8xf32, #tpu.memory_space<vmem>>, %arg13: memref<512x8xf32, #tpu.memory_space<vmem>>) attributes {dimension_semantics = [#tpu.dimension_semantics<arbitrary>], iteration_bounds = array<i64: 20>, scalar_prefetch = 0 : i64, scratch_operands = 0 : i64, tpu.core_type = #tpu.core_type<tc>, window_params = [{transform_indices = @transform_0, window_bounds = array<i64: 512, 128>}, {pipeline_mode = #tpu.pipeline_mode<synchronous>, transform_indices = @transform_1, window_bounds = array<i64: 1, 128>}, {pipeline_mode = #tpu.pipeline_mode<synchronous>, transform_indices = @transform_2, window_bounds = array<i64: 1, 128>}, {pipeline_mode = #tpu.pipeline_mode<synchronous>, transform_indices = @transform_3, window_bounds = array<i64: 1, 128>}, {pipeline_mode = #tpu.pipeline_mode<synchronous>, transform_indices = @transform_4, window_bounds = array<i64: 1, 128>}, {transform_indices = @transform_5, window_bounds = array<i64: 512, 128>}, {pipeline_mode = #tpu.pipeline_mode<synchronous>, transform_indices = @transform_6, window_bounds = array<i64: 128, 32>}, {pipeline_mode = #tpu.pipeline_mode<synchronous>, transform_indices = @transform_7, window_bounds = array<i64: 1, 32>}, {pipeline_mode = #tpu.pipeline_mode<synchronous>, transform_indices = @transform_8, window_bounds = array<i64: 32, 16>}, {pipeline_mode = #tpu.pipeline_mode<synchronous>, transform_indices = @transform_9, window_bounds = array<i64: 1, 16>}, {pipeline_mode = #tpu.pipeline_mode<synchronous>, transform_indices = @transform_10, window_bounds = array<i64: 16, 8>}, {pipeline_mode = #tpu.pipeline_mode<synchronous>, transform_indices = @transform_11, window_bounds = array<i64: 1, 8>}, {transform_indices = @transform_12, window_bounds = array<i64: 512, 8>}]} {
    %get3A = arith.constant 0 : index
    %get3A_0 = arith.constant 0 : index
    %get3A_1 = vector.load %arg2[%get3A, %get3A_0] : memref<1x128xf32, #tpu.memory_space<vmem>>, vector<1x128xf32>
    %div3A = arith.constant 4.000000e+04 : f32
    %div3A_2 = vector.broadcast %div3A : f32 to vector<1x128xf32>
    %div3A_3 = arith.divf %get3A_1, %div3A_2 : vector<1x128xf32>
    %get3A_4 = arith.constant 0 : index
    %get3A_5 = arith.constant 0 : index
    %get3A_6 = vector.load %arg3[%get3A_4, %get3A_5] : memref<1x128xf32, #tpu.memory_space<vmem>>, vector<1x128xf32>
    %div3A_7 = arith.constant 4.000000e+04 : f32
    %div3A_8 = vector.broadcast %div3A_7 : f32 to vector<1x128xf32>
    %div3A_9 = arith.divf %get3A_6, %div3A_8 : vector<1x128xf32>
    %mul3A = arith.mulf %div3A_3, %div3A_3 : vector<1x128xf32>
    %sub3A = arith.subf %div3A_9, %mul3A : vector<1x128xf32>
    %get3A_10 = arith.constant 0 : index
    %get3A_11 = arith.constant 0 : index
    %get3A_12 = vector.load %arg1[%get3A_10, %get3A_11] : memref<512x128xf32, #tpu.memory_space<vmem>>, vector<512x128xf32>
    %sub3A_13 = vector.broadcast %div3A_3 : vector<1x128xf32> to vector<512x128xf32>
    %sub3A_14 = arith.subf %get3A_12, %sub3A_13 : vector<512x128xf32>
    %add3A = arith.constant 9.99999974E-6 : f32
    %add3A_15 = vector.broadcast %add3A : f32 to vector<1x128xf32>
    %add3A_16 = arith.addf %sub3A, %add3A_15 : vector<1x128xf32>
    %rsqrt3A = math.rsqrt %add3A_16 : vector<1x128xf32>
    %mul3A_17 = vector.broadcast %rsqrt3A : vector<1x128xf32> to vector<512x128xf32>
    %mul3A_18 = arith.mulf %sub3A_14, %mul3A_17 : vector<512x128xf32>
    %get3A_19 = arith.constant 0 : index
    %get3A_20 = arith.constant 0 : index
    %get3A_21 = vector.load %arg4[%get3A_19, %get3A_20] : memref<1x128xf32, #tpu.memory_space<vmem>>, vector<1x128xf32>
    %mul3A_22 = vector.broadcast %get3A_21 : vector<1x128xf32> to vector<512x128xf32>
    %mul3A_23 = arith.mulf %mul3A_18, %mul3A_22 : vector<512x128xf32>
    %get3A_24 = arith.constant 0 : index
    %get3A_25 = arith.constant 0 : index
    %get3A_26 = vector.load %arg5[%get3A_24, %get3A_25] : memref<1x128xf32, #tpu.memory_space<vmem>>, vector<1x128xf32>
    %add3A_27 = vector.broadcast %get3A_26 : vector<1x128xf32> to vector<512x128xf32>
    %add3A_28 = arith.addf %mul3A_23, %add3A_27 : vector<512x128xf32>
    %get3A_29 = arith.constant 0 : index
    %get3A_30 = arith.constant 0 : index
    %get3A_31 = vector.load %arg6[%get3A_29, %get3A_30] : memref<512x128xf32, #tpu.memory_space<vmem>>, vector<512x128xf32>
    %add3A_32 = arith.addf %add3A_28, %get3A_31 : vector<512x128xf32>
    %get3A_33 = arith.constant 0 : index
    %get3A_34 = arith.constant 0 : index
    %get3A_35 = vector.load %arg7[%get3A_33, %get3A_34] : memref<128x32xf32, #tpu.memory_space<vmem>>, vector<128x32xf32>
    %convert_element_type3A = arith.truncf %add3A_32 : vector<512x128xf32> to vector<512x128xbf16>
    %convert_element_type3A_36 = arith.truncf %get3A_35 : vector<128x32xf32> to vector<128x32xbf16>
    %dot_general3A = arith.constant dense<0.000000e+00> : vector<512x32xf32>
    %dot_general3A_37 = tpu.matmul %convert_element_type3A, %convert_element_type3A_36, %dot_general3A {dimension_numbers = #tpu.dot_dimension_numbers<[1], [0], [0], [1], [0, 0, 1, 1], [], []>, transpose_lhs_hint = false} : vector<512x128xbf16>, vector<128x32xbf16>, vector<512x32xf32> -> vector<512x32xf32>
    %get3A_38 = arith.constant 0 : index
    %get3A_39 = arith.constant 0 : index
    %get3A_40 = vector.load %arg8[%get3A_38, %get3A_39] : memref<1x32xf32, #tpu.memory_space<vmem>>, vector<1x32xf32>
    %add3A_41 = vector.broadcast %get3A_40 : vector<1x32xf32> to vector<512x32xf32>
    %add3A_42 = arith.addf %dot_general3A_37, %add3A_41 : vector<512x32xf32>
    %gt3A = arith.constant 0.000000e+00 : f32
    %gt3A_43 = vector.broadcast %gt3A : f32 to vector<512x32xf32>
    %gt3A_44 = arith.cmpf ogt, %add3A_42, %gt3A_43 : vector<512x32xf32>
    %jit3A = arith.constant 0.000000e+00 : f32
    %broadcast_in_dim3A = vector.broadcast %jit3A : f32 to vector<512x32xf32>
    %select_n3A = arith.select %gt3A_44, %broadcast_in_dim3A, %add3A_42 : vector<512x32xi1>, vector<512x32xf32>
    %mul3A_45 = arith.constant 5.000000e-01 : f32
    %mul3A_46 = vector.broadcast %mul3A_45 : f32 to vector<512x32xf32>
    %mul3A_47 = arith.mulf %mul3A_46, %select_n3A : vector<512x32xf32>
    %tanh3A = math.tanh %mul3A_47 : vector<512x32xf32>
    %exp3A = math.exp %select_n3A : vector<512x32xf32>
    %add3A_48 = arith.constant 1.000000e+00 : f32
    %add3A_49 = vector.broadcast %add3A_48 : f32 to vector<512x32xf32>
    %add3A_50 = arith.addf %add3A_49, %exp3A : vector<512x32xf32>
    %mul3A_51 = arith.mulf %tanh3A, %add3A_50 : vector<512x32xf32>
    %eq3A = arith.constant 0.000000e+00 : f32
    %eq3A_52 = vector.broadcast %eq3A : f32 to vector<512x32xf32>
    %eq3A_53 = arith.cmpf oeq, %mul3A_47, %eq3A_52 : vector<512x32xf32>
    %select_n3A_54 = arith.select %eq3A_53, %select_n3A, %mul3A_51 : vector<512x32xi1>, vector<512x32xf32>
    %gt3A_55 = arith.constant 0.000000e+00 : f32
    %gt3A_56 = vector.broadcast %gt3A_55 : f32 to vector<512x32xf32>
    %gt3A_57 = arith.cmpf ogt, %add3A_42, %gt3A_56 : vector<512x32xf32>
    %select_n3A_58 = arith.select %gt3A_57, %add3A_42, %select_n3A_54 : vector<512x32xi1>, vector<512x32xf32>
    %get3A_59 = arith.constant 0 : index
    %get3A_60 = arith.constant 0 : index
    %get3A_61 = vector.load %arg9[%get3A_59, %get3A_60] : memref<32x16xf32, #tpu.memory_space<vmem>>, vector<32x16xf32>
    %convert_element_type3A_62 = arith.truncf %select_n3A_58 : vector<512x32xf32> to vector<512x32xbf16>
    %convert_element_type3A_63 = arith.truncf %get3A_61 : vector<32x16xf32> to vector<32x16xbf16>
    %dot_general3A_64 = arith.constant dense<0.000000e+00> : vector<512x16xf32>
    %dot_general3A_65 = tpu.matmul %convert_element_type3A_62, %convert_element_type3A_63, %dot_general3A_64 {dimension_numbers = #tpu.dot_dimension_numbers<[1], [0], [0], [1], [0, 0, 1, 1], [], []>, transpose_lhs_hint = false} : vector<512x32xbf16>, vector<32x16xbf16>, vector<512x16xf32> -> vector<512x16xf32>
    %get3A_66 = arith.constant 0 : index
    %get3A_67 = arith.constant 0 : index
    %get3A_68 = vector.load %arg10[%get3A_66, %get3A_67] : memref<1x16xf32, #tpu.memory_space<vmem>>, vector<1x16xf32>
    %add3A_69 = vector.broadcast %get3A_68 : vector<1x16xf32> to vector<512x16xf32>
    %add3A_70 = arith.addf %dot_general3A_65, %add3A_69 : vector<512x16xf32>
    %gt3A_71 = arith.constant 0.000000e+00 : f32
    %gt3A_72 = vector.broadcast %gt3A_71 : f32 to vector<512x16xf32>
    %gt3A_73 = arith.cmpf ogt, %add3A_70, %gt3A_72 : vector<512x16xf32>
    %jit3A_74 = arith.constant 0.000000e+00 : f32
    %broadcast_in_dim3A_75 = vector.broadcast %jit3A_74 : f32 to vector<512x16xf32>
    %select_n3A_76 = arith.select %gt3A_73, %broadcast_in_dim3A_75, %add3A_70 : vector<512x16xi1>, vector<512x16xf32>
    %mul3A_77 = arith.constant 5.000000e-01 : f32
    %mul3A_78 = vector.broadcast %mul3A_77 : f32 to vector<512x16xf32>
    %mul3A_79 = arith.mulf %mul3A_78, %select_n3A_76 : vector<512x16xf32>
    %tanh3A_80 = math.tanh %mul3A_79 : vector<512x16xf32>
    %exp3A_81 = math.exp %select_n3A_76 : vector<512x16xf32>
    %add3A_82 = arith.constant 1.000000e+00 : f32
    %add3A_83 = vector.broadcast %add3A_82 : f32 to vector<512x16xf32>
    %add3A_84 = arith.addf %add3A_83, %exp3A_81 : vector<512x16xf32>
    %mul3A_85 = arith.mulf %tanh3A_80, %add3A_84 : vector<512x16xf32>
    %eq3A_86 = arith.constant 0.000000e+00 : f32
    %eq3A_87 = vector.broadcast %eq3A_86 : f32 to vector<512x16xf32>
    %eq3A_88 = arith.cmpf oeq, %mul3A_79, %eq3A_87 : vector<512x16xf32>
    %select_n3A_89 = arith.select %eq3A_88, %select_n3A_76, %mul3A_85 : vector<512x16xi1>, vector<512x16xf32>
    %gt3A_90 = arith.constant 0.000000e+00 : f32
    %gt3A_91 = vector.broadcast %gt3A_90 : f32 to vector<512x16xf32>
    %gt3A_92 = arith.cmpf ogt, %add3A_70, %gt3A_91 : vector<512x16xf32>
    %select_n3A_93 = arith.select %gt3A_92, %add3A_70, %select_n3A_89 : vector<512x16xi1>, vector<512x16xf32>
    %get3A_94 = arith.constant 0 : index
    %get3A_95 = arith.constant 0 : index
    %get3A_96 = vector.load %arg11[%get3A_94, %get3A_95] : memref<16x8xf32, #tpu.memory_space<vmem>>, vector<16x8xf32>
    %convert_element_type3A_97 = arith.truncf %select_n3A_93 : vector<512x16xf32> to vector<512x16xbf16>
    %convert_element_type3A_98 = arith.truncf %get3A_96 : vector<16x8xf32> to vector<16x8xbf16>
    %dot_general3A_99 = arith.constant dense<0.000000e+00> : vector<512x8xf32>
    %dot_general3A_100 = tpu.matmul %convert_element_type3A_97, %convert_element_type3A_98, %dot_general3A_99 {dimension_numbers = #tpu.dot_dimension_numbers<[1], [0], [0], [1], [0, 0, 1, 1], [], []>, transpose_lhs_hint = false} : vector<512x16xbf16>, vector<16x8xbf16>, vector<512x8xf32> -> vector<512x8xf32>
    %get3A_101 = arith.constant 0 : index
    %get3A_102 = arith.constant 0 : index
    %get3A_103 = vector.load %arg12[%get3A_101, %get3A_102] : memref<1x8xf32, #tpu.memory_space<vmem>>, vector<1x8xf32>
    %add3A_104 = vector.broadcast %get3A_103 : vector<1x8xf32> to vector<512x8xf32>
    %add3A_105 = arith.addf %dot_general3A_100, %add3A_104 : vector<512x8xf32>
    %swap3A = arith.constant 0 : index
    %swap3A_106 = arith.constant 0 : index
    %swap3A_107 = vector.load %arg13[%swap3A, %swap3A_106] : memref<512x8xf32, #tpu.memory_space<vmem>>, vector<512x8xf32>
    tpu.vector_store %arg13[%swap3A, %swap3A_106], %add3A_105 {strides = array<i32>} : memref<512x8xf32, #tpu.memory_space<vmem>>, vector<512x8xf32>,
    return
  }
  func.func @transform_0(%arg0: i32) -> (i32, i32) {
    %c0_i32 = arith.constant 0 : i32
    %c0_i32_0 = arith.constant 0 : i32
    return %arg0, %c0_i32 : i32, i32
  }
  func.func @transform_1(%arg0: i32) -> (i32, i32) {
    %c0_i32 = arith.constant 0 : i32
    %c0_i32_0 = arith.constant 0 : i32
    %c0_i32_1 = arith.constant 0 : i32
    return %c0_i32, %c0_i32_0 : i32, i32
  }
  func.func @transform_2(%arg0: i32) -> (i32, i32) {
    %c0_i32 = arith.constant 0 : i32
    %c0_i32_0 = arith.constant 0 : i32
    %c0_i32_1 = arith.constant 0 : i32
    return %c0_i32, %c0_i32_0 : i32, i32
  }
  func.func @transform_3(%arg0: i32) -> (i32, i32) {
    %c0_i32 = arith.constant 0 : i32
    %c0_i32_0 = arith.constant 0 : i32
    %c0_i32_1 = arith.constant 0 : i32
    return %c0_i32, %c0_i32_0 : i32, i32
  }
  func.func @transform_4(%arg0: i32) -> (i32, i32) {
    %c0_i32 = arith.constant 0 : i32
    %c0_i32_0 = arith.constant 0 : i32
    %c0_i32_1 = arith.constant 0 : i32
    return %c0_i32, %c0_i32_0 : i32, i32
  }
  func.func @transform_5(%arg0: i32) -> (i32, i32) {
    %c0_i32 = arith.constant 0 : i32
    %c0_i32_0 = arith.constant 0 : i32
    return %arg0, %c0_i32 : i32, i32
  }
  func.func @transform_6(%arg0: i32) -> (i32, i32) {
    %c0_i32 = arith.constant 0 : i32
    %c0_i32_0 = arith.constant 0 : i32
    %c0_i32_1 = arith.constant 0 : i32
    return %c0_i32, %c0_i32_0 : i32, i32
  }
  func.func @transform_7(%arg0: i32) -> (i32, i32) {
    %c0_i32 = arith.constant 0 : i32
    %c0_i32_0 = arith.constant 0 : i32
    %c0_i32_1 = arith.constant 0 : i32
    return %c0_i32, %c0_i32_0 : i32, i32
  }
  func.func @transform_8(%arg0: i32) -> (i32, i32) {
    %c0_i32 = arith.constant 0 : i32
    %c0_i32_0 = arith.constant 0 : i32
    %c0_i32_1 = arith.constant 0 : i32
    return %c0_i32, %c0_i32_0 : i32, i32
  }
  func.func @transform_9(%arg0: i32) -> (i32, i32) {
    %c0_i32 = arith.constant 0 : i32
    %c0_i32_0 = arith.constant 0 : i32
    %c0_i32_1 = arith.constant 0 : i32
    return %c0_i32, %c0_i32_0 : i32, i32
  }
  func.func @transform_10(%arg0: i32) -> (i32, i32) {
    %c0_i32 = arith.constant 0 : i32
    %c0_i32_0 = arith.constant 0 : i32
    %c0_i32_1 = arith.constant 0 : i32
    return %c0_i32, %c0_i32_0 : i32, i32
  }
  func.func @transform_11(%arg0: i32) -> (i32, i32) {
    %c0_i32 = arith.constant 0 : i32
    %c0_i32_0 = arith.constant 0 : i32
    %c0_i32_1 = arith.constant 0 : i32
    return %c0_i32, %c0_i32_0 : i32, i32
  }
  func.func @transform_12(%arg0: i32) -> (i32, i32) {
    %c0_i32 = arith.constant 0 : i32
    %c0_i32_0 = arith.constant 0 : i32
    return %arg0, %c0_i32 : i32, i32
  }
}

</mosaic_0001>

<sc_bundles>
// kernel: kernel.15.cloned.1.call-start
scs
__scs_entry_jumppad:
0x0: {  	(pc) =	sbr.rel $0x88, $3  }
0x1: {  	(tag) =	ssettag $0x0;
	lr =	simm.s32 $0x1  }
0x2: {  	[smem:$0x3F89] =	sst lr;
	_ =	strace $0xD0000000  }
0x3: {  	_ = 	snop  }
0x4: {  	_ = 	snop  }
0x5: {  	_ = 	snop  }
0x6: {  	_ = 	snop  }
0x7: {  	_ = 	snop  }
__scs_overlays_trampoline_lowered:
0x8: {  	[smem:$0x3F98] =	sst s0  }
0x9: {  	[smem:$0x3F99] =	sst s1  }
0xa: {  	[smem:$0x3F9A] =	sst s2  }
0xb: {  	[smem:$0x3F9B] =	sst s3  }
0xc: {  	[smem:$0x3F9C] =	sst s4  }
0xd: {  	[smem:$0x3F9D] =	sst s5  }
0xe: {  	[smem:$0x3F9E] =	sst s6  }
0xf: {  	[smem:$0x3F9F] =	sst s7  }
0x10: {  	[smem:$0x3FA0] =	sst s8  }
0x11: {  	[smem:$0x3FA1] =	sst s9;
	s0 =	simm.s32 @!p0 $0x0  }
0x12: {  	s1 =	sld [smem:$0x3F87];
	s0 =	simm.s32 @p0 $0x1  }
0x13: {  	[smem:$0x3FA2] =	sst s0;
	s0 =	simm.s32 @!p1 $0x0  }
0x14: {  	s2 =	sld [smem:$0x3F86];
	s0 =	simm.s32 @p1 $0x1  }
0x15: {  	[smem:$0x3FA3] =	sst s0;
	s0 =	simm.s32 @!p2 $0x0  }
0x16: {  	s3 =	sld [smem:$0x3FDB];
	s0 =	simm.s32 @p2 $0x1  }
0x17: {  	s4 =	simm.s32 $0x1BF5;
	[smem:$0x3FA5] =	sst s0  }
0x18: {  	s0 =	sld [smem:$0x3F88];
	_ =	swait.ge [sflag:s4], $0x0  }
0x19: {  	s7 =	sld [smem:$0x3F89]  }
0x1a: {  	s8 =	sadd.s32 $0xFFFFE003, lr  }
0x1b: {  	s9 =	sadd.s32 $0xFFFFFEF7, lr;
	s5 =	simm.s32 $0xFFFFFFFF;
	p2 =	slt.u32 s8, $0xFFFFF086  }
0x1c: {  	p1 =	slt.u32 s9, $0xF7A;
	s5 =	simm.s32 @!p2 $0x0  }
0x1d: {  	s5 =	simm.s32 @p1 $0x1;
	p0 =	seq.s32 s7, s2  }
0x1e: {  	s7 =	smul.u32 @!p0 $0xF7A, s2;
	p2 =	seq.s32 @!p0 s5, $0x0  }
0x1f: {  	s9 =	smul.u32 $0xF7A, s1;
	s8 =	simm.s32 @!p0 $0x1BF5;
	p2 =	por !p2, p0  }
0x20: {  	[sflag:s8] =	ssyncset.s32 @!p0 $0xFFFFF086;
	s6 =	sadd.s32 @!p0 s3, s7;
	s7 =	simm.s32 @!p0 $0x108  }
0x21: {  	s3 =	sadd.s32 s3, s9;
	s6 =	sadd.s32 @!p0 $0x88, s6;
	s7 =	simm.s32 @p2 $0x1082  }
0x22: {  	[simem:s7], [sflag:s8] =	dma.local @!p0 [hbm:s6], $0xF7A  }
0x23: {  	s9 =	sor.u32 $0xD0000000, s2;
	s6 =	simm.s32 $0x108;
	_ =	swait.ge @!p0 [sflag:s8], $0x0  }
0x24: {  	s3 =	sadd.s32 $0x88, s3;
	s6 =	simm.s32 @!p1 $0x1082;
	[sflag:s4] =	ssyncset.s32 $0xFFFFF086  }
0x25: {  	[simem:s6], [sflag:s4] =	dma.local [hbm:s3], $0xF7A  }
0x26: {  	[smem:$0x3F89] =	sst s1;
	(tag) =	ssettag s2;
	_ =	strace s9  }
0x27: {  	s1 =	sld [smem:$0x3F99]  }
0x28: {  	s2 =	sld [smem:$0x3F9A]  }
0x29: {  	s4 =	sld [smem:$0x3F9C]  }
0x2a: {  	p0 =	seq.s32 s5, $0x0;
	s5 =	sld [smem:$0x3F9D]  }
0x2b: {  	s6 =	sld [smem:$0x3F9E]  }
0x2c: {  	s7 =	sld [smem:$0x3F9F]  }
0x2d: {  	s3 =	simm.s32 $0x108;
	s8 =	sld [smem:$0x3FA0]  }
0x2e: {  	s3 =	simm.s32 @!p0 $0x1082;
	s9 =	sld [smem:$0x3FA1]  }
0x2f: {  	lr =	sadd.s32 s0, s3;
	s0 =	sld [smem:$0x3F98]  }
0x30: {  	s3 =	sld [smem:$0x3F9B]  }
0x31: {  	[smem:$0x3FA4] =	sst s10  }
0x32: {  	s10 =	sld [smem:$0x3FA2];
	_ =	sdelay $0x3  }
0x33: {  	p0 =	seq.s32 s10, $0x1;
	s10 =	sld [smem:$0x3FA4];
	_ =	sdelay $0x3  }
0x34: {  	[smem:$0x3FA4] =	sst s10  }
0x35: {  	s10 =	sld [smem:$0x3FA3];
	_ =	sdelay $0x3  }
0x36: {  	p1 =	seq.s32 s10, $0x1;
	s10 =	sld [smem:$0x3FA4];
	_ =	sdelay $0x3  }
0x37: {  	[smem:$0x3FA4] =	sst s10  }
0x38: {  	s10 =	sld [smem:$0x3FA5]  }
0x39: {  	_ = 	snop;
	(pc) =	sbr.ind lr, $3  }
0x3a: {  	_ = 	snop  }
0x3b: {  	_ = 	snop  }
0x3c: {  	p2 =	seq.s32 s10, $0x1;
	s10 =	sld [smem:$0x3FA4]  }
0x3d: {  	_ =	shalt  }
0x3e: {  	_ =	shalt  }
0x3f: {  	_ =	shalt  }
0x40: {  	_ =	shalt  }
0x41: {  	_ =	shalt  }
0x42: {  	_ =	shalt  }
0x43: {  	_ =	shalt  }
0x44: {  	_ =	shalt  }
0x45: {  	_ =	shalt  }
0x46: {  	_ =	shalt  }
0x47: {  	_ =	shalt  }
0x48: {  	_ =	shalt  }
0x49: {  	_ =	shalt  }
0x4a: {  	_ =	shalt  }
0x4b: {  	_ =	shalt  }
0x4c: {  	_ =	shalt  }
0x4d: {  	_ =	shalt  }
0x4e: {  	_ =	shalt  }
0x4f: {  	_ =	shalt  }
0x50: {  	_ =	shalt  }
0x51: {  	_ =	shalt  }
0x52: {  	_ =	shalt  }
0x53: {  	_ =	shalt  }
0x54: {  	_ =	shalt  }
0x55: {  	_ =	shalt  }
0x56: {  	_ =	shalt  }
0x57: {  	_ =	shalt  }
0x58: {  	_ =	shalt  }
0x59: {  	_ =	shalt  }
0x5a: {  	_ =	shalt  }
0x5b: {  	_ =	shalt  }
0x5c: {  	_ =	shalt  }
0x5d: {  	_ =	shalt  }
0x5e: {  	_ =	shalt  }
0x5f: {  	_ =	shalt  }
0x60: {  	_ =	shalt  }
0x61: {  	_ =	shalt  }
0x62: {  	_ =	shalt  }
0x63: {  	_ =	shalt  }
0x64: {  	_ =	shalt  }
0x65: {  	_ =	shalt  }
0x66: {  	_ =	shalt  }
0x67: {  	_ =	shalt  }
0x68: {  	_ =	shalt  }
0x69: {  	_ =	shalt  }
0x6a: {  	_ =	shalt  }
0x6b: {  	_ =	shalt  }
0x6c: {  	_ =	shalt  }
0x6d: {  	_ =	shalt  }
0x6e: {  	_ =	shalt  }
0x6f: {  	_ =	shalt  }
0x70: {  	_ =	shalt  }
0x71: {  	_ =	shalt  }
0x72: {  	_ =	shalt  }
0x73: {  	_ =	shalt  }
0x74: {  	_ =	shalt  }
0x75: {  	_ =	shalt  }
0x76: {  	_ =	shalt  }
0x77: {  	_ =	shalt  }
0x78: {  	_ =	shalt  }
0x79: {  	_ =	shalt  }
0x7a: {  	_ =	shalt  }
0x7b: {  	_ =	shalt  }
0x7c: {  	_ =	shalt  }
0x7d: {  	_ =	shalt  }
0x7e: {  	_ =	shalt  }
0x7f: {  	_ =	shalt  }
0x80: {  	_ =	shalt  }
0x81: {  	_ =	shalt  }
0x82: {  	_ =	shalt  }
0x83: {  	_ =	shalt  }
0x84: {  	_ =	shalt  }
0x85: {  	_ =	shalt  }
0x86: {  	_ =	shalt  }
0x87: {  	_ =	shalt  }
.Lfunc_end0:
.L_simem_size_0:
called_computation_lowered:
.L_overlay_start_0:
0x88: {  	s2 =	sld [smem:$0x3FD9]  }
0x89: {  	s3 =	sld [smem:$0x3FFE];
	_ =	sdelay $0x1  }
0x8a: {  	s1 =	srdreg.scid  }
0x8b: {  	s0 =	sand.u32 $0x1, s1  }
0x8c: {  	s14 =	sshll.u32 s0, $0xA;
	s2 =	sadd.s32 s3, s2  }
0x8d: {  	s2 =	sadd.s32 s2, s14  }
0x8e: {  	[smem:$0x3FB0] =	sst s2  }
0x8f: {  	_ = 	snop  }
0x90: {  	s2 =	sld [smem:$0x3FD0];
	_ =	sdelay $0x2  }
0x91: {  	s15 =	simm.s32 $0xA;
	s4 =	simm.s32 $0x10  }
0x92: {  	[smem:s4], [sflag:s15] =	dma.local [hbm:s2], $0x1  }
0x93: {  	_ =	swait.eq [sflag:s15], $0x1  }
0x94: {  	[sflag:s15] =	ssyncset.done $0x0  }
0x95: {  	[sflag:s15] =	ssyncadd.s32 $0xFFFFFFFF  }
0x96: {  	s16 =	sld [smem:$0x10];
	(tm) =	ssettm $0x1  }
0x97: {  	s17 =	sld [smem:$0x3FFB];
	_ =	sdelay $0x3  }
0x98: {  	_ =	strace s17  }
0x99: {  	s3 =	sld [smem:$0x3FFC];
	_ =	sdelay $0x3  }
0x9a: {  	_ =	strace s3  }
0x9b: {  	s3 =	sld [smem:$0x3FFD];
	_ =	sdelay $0x3  }
0x9c: {  	_ =	strace s3  }
0x9d: {  	_ =	strace $0x8FFFFFFF  }
0x9e: {  	s18 =	sld [smem:$0x3FDB];
	_ =	sdelay $0x1  }
0x9f: {  	s19 =	simm.s32 $_scs_section_size  }
0xa0: {  	s5 =	simm.s32 $_size__tile_overlayer_lowered;
	s6 =	simm.s32 $_tile_overlayer_lowered  }
0xa1: {  	s22 =	simm.s32 $0x1BFF;
	s21 =	sshll.u32 s6, $0x1;
	s3 =	sadd.s32 s19, s18  }
0xa2: {  	s7 =	simm.s32 $0x0;
	s20 =	sshll.u32 s5, $0x1;
	s5 =	sadd.s32 s21, s3  }
0xa3: {  	[timem:s7], [sflag:s22] =	dma.local [hbm:s5], s20  }
0xa4: {  	_ =	swait.ge [sflag:s22], s20  }
0xa5: {  	s4 =	ssub.s32 $0x0, s20;
	[sflag:s22] =	ssyncset.done $0x0  }
0xa6: {  	[sflag:s22] =	ssyncadd.s32 s4;
	_ =	sdelay $0x1  }
0xa7: {  	s23 =	simm.s32 $0x1B8B  }
0xa8: {  	_ =	swait.ge [sflag:s23], $0x1  }
0xa9: {  	[sflag:s23] =	ssyncset.done $0x0  }
0xaa: {  	s25 =	simm.s32 $0x1B8E;
	s24 =	sld [smem:$0x3FFE];
	[sflag:s23] =	ssyncadd.s32 $0xFFFFFFFF  }
0xab: {  	s26 =	simm.s32 $execute0_lowered;
	[smem:$0x3FD2] =	sst s25  }
0xac: {  	s5 =	sshll.u32 s26, $0x1;
	_ =	strace $0x80000046;
	[dreg:$0x1] =	wrdreg $0xFFFFFFFF  }
0xad: {  	s28 =	simm.s32 $_size_execute0_lowered;
	s3 =	sadd.s32 s3, s5;
	[dreg:$0x0] =	wrdreg $0x0  }
0xae: {  	s5 =	sshll.u32 s28, $0x1;
	[dreg:$0x2] =	wrdreg s3  }
0xaf: {  	[dreg:$0x3] =	wrdreg s5  }
0xb0: {  	[dreg:$0x4] =	wrdreg $0xC0  }
0xb1: {  	_ =	task [dreg:s7], $0x5FFFF  }
0xb2: {  	[dreg:$0x1] =	wrdreg $0xFFFFFFFF  }
0xb3: {  	[dreg:$0x0] =	wrdreg $0x60  }
0xb4: {  	[dreg:$0x2] =	wrdreg s24  }
0xb5: {  	[dreg:$0x3] =	wrdreg s16  }
0xb6: {  	[dreg:$0x4] =	wrdreg $0x9  }
0xb7: {  	_ =	task.clear_ibuf [dreg:s7], $0x5FFFF;
	_ =	strace $0x90000046  }
0xb8: {  	s29 =	simm.s32 $0x9;
	_ =	strace $0x80000048  }
0xb9: {  	_ =	swait.ge [sflag:s29], $0x1  }
0xba: {  	[sflag:s29] =	ssyncadd.s32 $0xFFFFFFFF  }
0xbb: {  	_ =	strace $0x90000048  }
0xbc: {  	_ =	sfence  }
0xbd: {  	s30 =	sld [smem:$0x0];
	_ =	sdelay $0x2  }
0xbe: {  	s31 =	sshll.u32 s1, $0xD;
	s1 =	sshrl.u32 s1, $0x2  }
0xbf: {  	s3 =	sand.u32 $0x4000, s31;
	s1 =	sadd.s32 s1, s30  }
0xc0: {  	s0 =	sor.u32 s3, s0;
	s1 =	sshll.u32 s1, $0x11  }
0xc1: {  	s0 =	sor.u32 s1, s0  }
0xc2: {  	s0 =	sadd.s32 $0x8F2B, s0  }
0xc3: {  	[sflag:s0] =	ssyncadd.remote.s32 $0x1  }
0xc4: {  	_ =	sfence.sel $0xFFFF  }
0xc5: {  	[dreg:$0x0] =	wrdreg $0xFFFFFFFF;
	(pc) =	sbr.abs _section_cstart, $3  }
0xc6: {  	[dreg:$0x1] =	wrdreg $0xFFFFFFFF  }
0xc7: {  	_ =	task.clear_ibuf [dreg:s7], $0x2FFFF;
	_ =	strace $0x9FFFFFFF  }
0xc8: {  	(tm) =	ssettm $0x7FFFFFFF  }
0xc9: {  	_ =	shalt  }
tec
execute0_lowered:
.L_overlay_start_1:
0x0: {  	(tag) =	ssettag $0x1  }
0x1: {  	s1 =	srdreg.scid;
	s0 =	stileid.u32  }
0x2: {  	s9 =	rddreg [dreg:$0x0];
	s13 =	sand.u32 $0x1, s1;
	s31 =	sshll.u32 s0, $0x1  }
0x3: {  	s3 =	rddreg [dreg:$0x1];
	s10 =	sor.u32 s13, s31  }
0x4: {  	s2 =	simm.s32 $0x0;
	s1 =	rddreg [dreg:$0x2];
	s4 =	smul.u32 $0xA0, s10  }
0x5: {  	[smem:$0x7FF] =	sst s2  }
0x6: {  	_ =	strace $0x80000047;
	s4 =	sadd.s32 s3, s4;
	s3 =	simm.s32 $0x2  }
0x7: {  	[tilespmem:s2], [sflag:$0x2] =	stream.linear.gather [hbm4b:s4+s2], $0x500, $0x38;
	[tilespmem:$0xA500] =	vst v63  }
0x8: {  	_ =	swait.ge [sflag:s3], $0x500  }
0x9: {  	s6 =	simm.s32 $0x140;
	s7 =	simm.s32 $0x500;
	[sflag:s3] =	ssyncset.done $0x0  }
0xa: {  	s8 =	simm.s32 $0x1;
	s5 =	sadd.s32 $0x57C00, s9;
	[sflag:s3] =	ssyncadd.s32 $0xFFFFFB00  }
0xb: {  	[tilespmem:s7], [sflag:$0x1] =	stream.indirect.gather [hbm4b:s5+s6], $0x80, s2, s6, $0xb8;
	[tilespmem:$0xA500] =	vst v63  }
0xc: {  	s11 =	smul.u32 $0x5000, s10;
	_ =	swait.ge [sflag:s8], $0xA000  }
0xd: {  	s12 =	sadd.s32 $0x7FC00, s9;
	[sflag:s8] =	ssyncset.done $0x0  }
0xe: {  	s9 =	sadd.s32 s12, s11;
	[sflag:s8] =	ssyncadd.s32 $0xFFFF6000  }
0xf: {  	[hbm4b:s9+s2] =	stream.linear.scatter [tilespmem:s7], [sflag:$0x2], $0xA000, $0x38;
	[tilespmem:$0xA500] =	vst v63  }
0x10: {  	_ =	swait.ge [sflag:s3], $0xA000  }
0x11: {  	[sflag:s3] =	ssyncset.done $0x0  }
0x12: {  	s10 =	smul.u32 $0x28000, s10;
	[sflag:s3] =	ssyncadd.s32 $0xFFFF6000  }
0x13: {  	[tilespmem:s7], [sflag:$0x1] =	stream.indirect.gather [hbm4b:s5+s6], $0x80, s6, s6, $0xb8;
	[tilespmem:$0xA500] =	vst v63  }
0x14: {  	s10 =	sshrl.u32 s10, $0x3;
	_ =	swait.ge [sflag:s8], $0xA000  }
0x15: {  	s14 =	sadd.s32 s12, s10;
	[sflag:s8] =	ssyncset.done $0x0  }
0x16: {  	s10 =	sadd.s32 $0x1400, s14;
	[sflag:s8] =	ssyncadd.s32 $0xFFFF6000  }
0x17: {  	[hbm4b:s10+s2] =	stream.linear.scatter [tilespmem:s7], [sflag:$0x2], $0xA000, $0x38;
	[tilespmem:$0xA500] =	vst v63  }
0x18: {  	_ =	swait.ge [sflag:s3], $0xA000  }
0x19: {  	[sflag:s3] =	ssyncset.done $0x0  }
0x1a: {  	s11 =	simm.s32 $0x280;
	[sflag:s3] =	ssyncadd.s32 $0xFFFF6000  }
0x1b: {  	[tilespmem:s7], [sflag:$0x1] =	stream.indirect.gather [hbm4b:s5+s6], $0x80, s11, s6, $0xb8;
	[tilespmem:$0xA500] =	vst v63  }
0x1c: {  	_ =	swait.ge [sflag:s8], $0xA000  }
0x1d: {  	[sflag:s8] =	ssyncset.done $0x0  }
0x1e: {  	s15 =	ssub.s32 $0x2, s13;
	s12 =	sadd.s32 $0x2800, s14;
	[sflag:s8] =	ssyncadd.s32 $0xFFFF6000  }
0x1f: {  	[hbm4b:s12+s2] =	stream.linear.scatter [tilespmem:s7], [sflag:$0x2], $0xA000, $0x38;
	[tilespmem:$0xA500] =	vst v63  }
0x20: {  	s16 =	sshrl.u32 s15, $0x1;
	_ =	swait.ge [sflag:s3], $0xA000  }
0x21: {  	s15 =	ssub.s32 s15, s16;
	[sflag:s3] =	ssyncset.done $0x0  }
0x22: {  	s13 =	simm.s32 $0x3C0;
	s15 =	smax.u32 s15, $0x1;
	[sflag:s3] =	ssyncadd.s32 $0xFFFF6000  }
0x23: {  	[tilespmem:s7], [sflag:$0x1] =	stream.indirect.gather [hbm4b:s5+s6], $0x80, s13, s6, $0xb8;
	[tilespmem:$0xA500] =	vst v63  }
0x24: {  	p0 =	sne.s32 s15, $0x1;
	_ =	swait.ge [sflag:s8], $0xA000  }
.Ltmp0:
0x25: {  	[sflag:s8] =	ssyncset.done $0x0;
	(pc) =	sbr.rel @!p0 .LBB2_2-.Ltmp0, $4  }
0x26: {  	s14 =	sadd.s32 $0x3C00, s14;
	[sflag:s8] =	ssyncadd.s32 $0xFFFF6000  }
0x27: {  	[hbm4b:s14+s2] =	stream.linear.scatter [tilespmem:s7], [sflag:$0x2], $0xA000, $0x38;
	[tilespmem:$0xA500] =	vst v63  }
0x28: {  	_ =	swait.ge [sflag:s3], $0xA000  }
0x29: {  	s15 =	sadd.s32 $0xFFFFFFFF, s15;
	[sflag:s3] =	ssyncset.done $0x0  }
.LBB2_1:
0x2a: {  	p0 =	sne.s32 s15, $0x1;
	s15 =	sadd.s32 $0xFFFFFFFF, s15;
	[sflag:s3] =	ssyncadd.s32 $0xFFFF6000  }
0x2b: {  	[tilespmem:s2], [sflag:$0x2] =	stream.linear.gather [hbm4b:s4+s2], $0x500, $0x38;
	[tilespmem:$0xA500] =	vst v63  }
0x2c: {  	_ =	swait.ge [sflag:s3], $0x500  }
0x2d: {  	[sflag:s3] =	ssyncset.done $0x0  }
0x2e: {  	[sflag:s3] =	ssyncadd.s32 $0xFFFFFB00  }
0x2f: {  	[tilespmem:s7], [sflag:$0x1] =	stream.indirect.gather [hbm4b:s5+s6], $0x80, s2, s6, $0xb8;
	[tilespmem:$0xA500] =	vst v63  }
0x30: {  	_ =	swait.ge [sflag:s8], $0xA000  }
0x31: {  	[sflag:s8] =	ssyncset.done $0x0  }
0x32: {  	[sflag:s8] =	ssyncadd.s32 $0xFFFF6000  }
0x33: {  	[hbm4b:s9+s2] =	stream.linear.scatter [tilespmem:s7], [sflag:$0x2], $0xA000, $0x38;
	[tilespmem:$0xA500] =	vst v63  }
0x34: {  	_ =	swait.ge [sflag:s3], $0xA000  }
0x35: {  	[sflag:s3] =	ssyncset.done $0x0  }
0x36: {  	[sflag:s3] =	ssyncadd.s32 $0xFFFF6000  }
0x37: {  	[tilespmem:s7], [sflag:$0x1] =	stream.indirect.gather [hbm4b:s5+s6], $0x80, s6, s6, $0xb8;
	[tilespmem:$0xA500] =	vst v63  }
0x38: {  	_ =	swait.ge [sflag:s8], $0xA000  }
0x39: {  	[sflag:s8] =	ssyncset.done $0x0  }
0x3a: {  	[sflag:s8] =	ssyncadd.s32 $0xFFFF6000  }
0x3b: {  	[hbm4b:s10+s2] =	stream.linear.scatter [tilespmem:s7], [sflag:$0x2], $0xA000, $0x38;
	[tilespmem:$0xA500] =	vst v63  }
0x3c: {  	_ =	swait.ge [sflag:s3], $0xA000  }
0x3d: {  	[sflag:s3] =	ssyncset.done $0x0  }
0x3e: {  	[sflag:s3] =	ssyncadd.s32 $0xFFFF6000  }
0x3f: {  	[tilespmem:s7], [sflag:$0x1] =	stream.indirect.gather [hbm4b:s5+s6], $0x80, s11, s6, $0xb8;
	[tilespmem:$0xA500] =	vst v63  }
0x40: {  	_ =	swait.ge [sflag:s8], $0xA000  }
0x41: {  	[sflag:s8] =	ssyncset.done $0x0  }
0x42: {  	[sflag:s8] =	ssyncadd.s32 $0xFFFF6000  }
0x43: {  	[hbm4b:s12+s2] =	stream.linear.scatter [tilespmem:s7], [sflag:$0x2], $0xA000, $0x38;
	[tilespmem:$0xA500] =	vst v63  }
0x44: {  	_ =	swait.ge [sflag:s3], $0xA000  }
0x45: {  	[sflag:s3] =	ssyncset.done $0x0  }
0x46: {  	[sflag:s3] =	ssyncadd.s32 $0xFFFF6000  }
0x47: {  	[tilespmem:s7], [sflag:$0x1] =	stream.indirect.gather [hbm4b:s5+s6], $0x80, s13, s6, $0xb8;
	[tilespmem:$0xA500] =	vst v63  }
0x48: {  	_ =	swait.ge [sflag:s8], $0xA000  }
.Ltmp1:
0x49: {  	[sflag:s8] =	ssyncset.done $0x0;
	(pc) =	sbr.rel @p0 .LBB2_1-.Ltmp1, $4  }
0x4a: {  	[sflag:s8] =	ssyncadd.s32 $0xFFFF6000  }
0x4b: {  	[hbm4b:s14+s2] =	stream.linear.scatter [tilespmem:s7], [sflag:$0x2], $0xA000, $0x38;
	[tilespmem:$0xA500] =	vst v63  }
0x4c: {  	_ =	swait.ge [sflag:s3], $0xA000  }
0x4d: {  	[sflag:s3] =	ssyncset.done $0x0  }
.LBB2_2:
0x4e: {  	[sflag:s3] =	ssyncadd.s32 $0xFFFF6000  }
0x4f: {  	_ =	sfence.sel $0x180000  }
0x50: {  	[bflag:$0x0] =	sbarrier.arrive $0xFFFF  }
0x51: {  	p0 =	sne.s32 s0, $0x0;
	_ =	strace $0x90000047  }
0x52: {  	s0 =	sadd.s32 @!p0 $0x100000, s1;
	[bflag:$0x2] =	sbarrier.arrive $0xFFFF  }
0x53: {  	[sflag:s0] =	ssyncadd.tile.s32 @!p0 $0x1;
	_ =	shalt  }
.Lfunc_end2:
_tile_overlayer_lowered:
.L_overlay_start_2:
0x54: {  	(tag) =	ssettag $0x2  }
0x55: {  	s0 =	rddreg [dreg:$0x0];
	s2 =	stileid.u32  }
0x56: {  	s1 =	rddreg [dreg:$0x1];
	p0 =	sne.s32 s2, $0x0  }
0x57: {  	s3 =	rddreg [dreg:$0x2];
	[bflag:$0x3] =	sbarrier.arrive $0xFFFF;
	s2 =	simm.s32 @!p0 $0x1C02  }
0x58: {  	[timem:s3], [sflag:s2] =	dma.local @!p0 [hbm:s0], s1  }
0x59: {  	s0 =	simm.s32 @!p0 $0x2  }
0x5a: {  	_ =	swait.ge @!p0 [sflag:s0], s1  }
0x5b: {  	s1 =	ssub.s32 @!p0 $0x0, s1;
	[sflag:s0] =	ssyncset.done @!p0 $0x0  }
0x5c: {  	[sflag:s0] =	ssyncadd.s32 @!p0 s1  }
0x5d: {  	[bflag:$0x3] =	sbarrier.arrive $0xFFFF  }
0x5e: {  	_ =	shalt  }

// kernel: kernel.18.cloned.1.call-start
scs
__scs_entry_jumppad:
0x0: {  	(pc) =	sbr.rel $0x88, $3  }
0x1: {  	(tag) =	ssettag $0x0;
	lr =	simm.s32 $0x1  }
0x2: {  	[smem:$0x3F89] =	sst lr;
	_ =	strace $0xD0000000  }
0x3: {  	_ = 	snop  }
0x4: {  	_ = 	snop  }
0x5: {  	_ = 	snop  }
0x6: {  	_ = 	snop  }
0x7: {  	_ = 	snop  }
__scs_overlays_trampoline_lowered:
0x8: {  	[smem:$0x3F98] =	sst s0  }
0x9: {  	[smem:$0x3F99] =	sst s1  }
0xa: {  	[smem:$0x3F9A] =	sst s2  }
0xb: {  	[smem:$0x3F9B] =	sst s3  }
0xc: {  	[smem:$0x3F9C] =	sst s4  }
0xd: {  	[smem:$0x3F9D] =	sst s5  }
0xe: {  	[smem:$0x3F9E] =	sst s6  }
0xf: {  	[smem:$0x3F9F] =	sst s7  }
0x10: {  	[smem:$0x3FA0] =	sst s8  }
0x11: {  	[smem:$0x3FA1] =	sst s9;
	s0 =	simm.s32 @!p0 $0x0  }
0x12: {  	s1 =	sld [smem:$0x3F87];
	s0 =	simm.s32 @p0 $0x1  }
0x13: {  	[smem:$0x3FA2] =	sst s0;
	s0 =	simm.s32 @!p1 $0x0  }
0x14: {  	s2 =	sld [smem:$0x3F86];
	s0 =	simm.s32 @p1 $0x1  }
0x15: {  	[smem:$0x3FA3] =	sst s0;
	s0 =	simm.s32 @!p2 $0x0  }
0x16: {  	s3 =	sld [smem:$0x3FDB];
	s0 =	simm.s32 @p2 $0x1  }
0x17: {  	s4 =	simm.s32 $0x1BF5;
	[smem:$0x3FA5] =	sst s0  }
0x18: {  	s0 =	sld [smem:$0x3F88];
	_ =	swait.ge [sflag:s4], $0x0  }
0x19: {  	s7 =	sld [smem:$0x3F89]  }
0x1a: {  	s8 =	sadd.s32 $0xFFFFE003, lr  }
0x1b: {  	s9 =	sadd.s32 $0xFFFFFEF7, lr;
	s5 =	simm.s32 $0xFFFFFFFF;
	p2 =	slt.u32 s8, $0xFFFFF086  }
0x1c: {  	p1 =	slt.u32 s9, $0xF7A;
	s5 =	simm.s32 @!p2 $0x0  }
0x1d: {  	s5 =	simm.s32 @p1 $0x1;
	p0 =	seq.s32 s7, s2  }
0x1e: {  	s7 =	smul.u32 @!p0 $0xF7A, s2;
	p2 =	seq.s32 @!p0 s5, $0x0  }
0x1f: {  	s9 =	smul.u32 $0xF7A, s1;
	s8 =	simm.s32 @!p0 $0x1BF5;
	p2 =	por !p2, p0  }
0x20: {  	[sflag:s8] =	ssyncset.s32 @!p0 $0xFFFFF086;
	s6 =	sadd.s32 @!p0 s3, s7;
	s7 =	simm.s32 @!p0 $0x108  }
0x21: {  	s3 =	sadd.s32 s3, s9;
	s6 =	sadd.s32 @!p0 $0x88, s6;
	s7 =	simm.s32 @p2 $0x1082  }
0x22: {  	[simem:s7], [sflag:s8] =	dma.local @!p0 [hbm:s6], $0xF7A  }
0x23: {  	s9 =	sor.u32 $0xD0000000, s2;
	s6 =	simm.s32 $0x108;
	_ =	swait.ge @!p0 [sflag:s8], $0x0  }
0x24: {  	s3 =	sadd.s32 $0x88, s3;
	s6 =	simm.s32 @!p1 $0x1082;
	[sflag:s4] =	ssyncset.s32 $0xFFFFF086  }
0x25: {  	[simem:s6], [sflag:s4] =	dma.local [hbm:s3], $0xF7A  }
0x26: {  	[smem:$0x3F89] =	sst s1;
	(tag) =	ssettag s2;
	_ =	strace s9  }
0x27: {  	s1 =	sld [smem:$0x3F99]  }
0x28: {  	s2 =	sld [smem:$0x3F9A]  }
0x29: {  	s4 =	sld [smem:$0x3F9C]  }
0x2a: {  	p0 =	seq.s32 s5, $0x0;
	s5 =	sld [smem:$0x3F9D]  }
0x2b: {  	s6 =	sld [smem:$0x3F9E]  }
0x2c: {  	s7 =	sld [smem:$0x3F9F]  }
0x2d: {  	s3 =	simm.s32 $0x108;
	s8 =	sld [smem:$0x3FA0]  }
0x2e: {  	s3 =	simm.s32 @!p0 $0x1082;
	s9 =	sld [smem:$0x3FA1]  }
0x2f: {  	lr =	sadd.s32 s0, s3;
	s0 =	sld [smem:$0x3F98]  }
0x30: {  	s3 =	sld [smem:$0x3F9B]  }
0x31: {  	[smem:$0x3FA4] =	sst s10  }
0x32: {  	s10 =	sld [smem:$0x3FA2];
	_ =	sdelay $0x3  }
0x33: {  	p0 =	seq.s32 s10, $0x1;
	s10 =	sld [smem:$0x3FA4];
	_ =	sdelay $0x3  }
0x34: {  	[smem:$0x3FA4] =	sst s10  }
0x35: {  	s10 =	sld [smem:$0x3FA3];
	_ =	sdelay $0x3  }
0x36: {  	p1 =	seq.s32 s10, $0x1;
	s10 =	sld [smem:$0x3FA4];
	_ =	sdelay $0x3  }
0x37: {  	[smem:$0x3FA4] =	sst s10  }
0x38: {  	s10 =	sld [smem:$0x3FA5]  }
0x39: {  	_ = 	snop;
	(pc) =	sbr.ind lr, $3  }
0x3a: {  	_ = 	snop  }
0x3b: {  	_ = 	snop  }
0x3c: {  	p2 =	seq.s32 s10, $0x1;
	s10 =	sld [smem:$0x3FA4]  }
0x3d: {  	_ =	shalt  }
0x3e: {  	_ =	shalt  }
0x3f: {  	_ =	shalt  }
0x40: {  	_ =	shalt  }
0x41: {  	_ =	shalt  }
0x42: {  	_ =	shalt  }
0x43: {  	_ =	shalt  }
0x44: {  	_ =	shalt  }
0x45: {  	_ =	shalt  }
0x46: {  	_ =	shalt  }
0x47: {  	_ =	shalt  }
0x48: {  	_ =	shalt  }
0x49: {  	_ =	shalt  }
0x4a: {  	_ =	shalt  }
0x4b: {  	_ =	shalt  }
0x4c: {  	_ =	shalt  }
0x4d: {  	_ =	shalt  }
0x4e: {  	_ =	shalt  }
0x4f: {  	_ =	shalt  }
0x50: {  	_ =	shalt  }
0x51: {  	_ =	shalt  }
0x52: {  	_ =	shalt  }
0x53: {  	_ =	shalt  }
0x54: {  	_ =	shalt  }
0x55: {  	_ =	shalt  }
0x56: {  	_ =	shalt  }
0x57: {  	_ =	shalt  }
0x58: {  	_ =	shalt  }
0x59: {  	_ =	shalt  }
0x5a: {  	_ =	shalt  }
0x5b: {  	_ =	shalt  }
0x5c: {  	_ =	shalt  }
0x5d: {  	_ =	shalt  }
0x5e: {  	_ =	shalt  }
0x5f: {  	_ =	shalt  }
0x60: {  	_ =	shalt  }
0x61: {  	_ =	shalt  }
0x62: {  	_ =	shalt  }
0x63: {  	_ =	shalt  }
0x64: {  	_ =	shalt  }
0x65: {  	_ =	shalt  }
0x66: {  	_ =	shalt  }
0x67: {  	_ =	shalt  }
0x68: {  	_ =	shalt  }
0x69: {  	_ =	shalt  }
0x6a: {  	_ =	shalt  }
0x6b: {  	_ =	shalt  }
0x6c: {  	_ =	shalt  }
0x6d: {  	_ =	shalt  }
0x6e: {  	_ =	shalt  }
0x6f: {  	_ =	shalt  }
0x70: {  	_ =	shalt  }
0x71: {  	_ =	shalt  }
0x72: {  	_ =	shalt  }
0x73: {  	_ =	shalt  }
0x74: {  	_ =	shalt  }
0x75: {  	_ =	shalt  }
0x76: {  	_ =	shalt  }
0x77: {  	_ =	shalt  }
0x78: {  	_ =	shalt  }
0x79: {  	_ =	shalt  }
0x7a: {  	_ =	shalt  }
0x7b: {  	_ =	shalt  }
0x7c: {  	_ =	shalt  }
0x7d: {  	_ =	shalt  }
0x7e: {  	_ =	shalt  }
0x7f: {  	_ =	shalt  }
0x80: {  	_ =	shalt  }
0x81: {  	_ =	shalt  }
0x82: {  	_ =	shalt  }
0x83: {  	_ =	shalt  }
0x84: {  	_ =	shalt  }
0x85: {  	_ =	shalt  }
0x86: {  	_ =	shalt  }
0x87: {  	_ =	shalt  }
.Lfunc_end0:
.L_simem_size_0:
called_computation.1_lowered:
.L_overlay_start_0:
0x88: {  	s2 =	sld [smem:$0x3FD9]  }
0x89: {  	s3 =	sld [smem:$0x3FFE];
	_ =	sdelay $0x1  }
0x8a: {  	s1 =	srdreg.scid  }
0x8b: {  	s0 =	sand.u32 $0x1, s1  }
0x8c: {  	s14 =	sshll.u32 s0, $0xA;
	s2 =	sadd.s32 s3, s2  }
0x8d: {  	s2 =	sadd.s32 s2, s14  }
0x8e: {  	[smem:$0x3FB0] =	sst s2  }
0x8f: {  	_ = 	snop  }
0x90: {  	s2 =	sld [smem:$0x3FD0];
	_ =	sdelay $0x2  }
0x91: {  	s15 =	simm.s32 $0xA;
	s4 =	simm.s32 $0x10  }
0x92: {  	[smem:s4], [sflag:s15] =	dma.local [hbm:s2], $0x1  }
0x93: {  	_ =	swait.eq [sflag:s15], $0x1  }
0x94: {  	[sflag:s15] =	ssyncset.done $0x0  }
0x95: {  	[sflag:s15] =	ssyncadd.s32 $0xFFFFFFFF  }
0x96: {  	s16 =	sld [smem:$0x10];
	(tm) =	ssettm $0x1  }
0x97: {  	s17 =	sld [smem:$0x3FFB];
	_ =	sdelay $0x3  }
0x98: {  	_ =	strace s17  }
0x99: {  	s3 =	sld [smem:$0x3FFC];
	_ =	sdelay $0x3  }
0x9a: {  	_ =	strace s3  }
0x9b: {  	s3 =	sld [smem:$0x3FFD];
	_ =	sdelay $0x3  }
0x9c: {  	_ =	strace s3  }
0x9d: {  	_ =	strace $0x8FFFFFFF  }
0x9e: {  	s18 =	sld [smem:$0x3FDB];
	_ =	sdelay $0x1  }
0x9f: {  	s19 =	simm.s32 $_scs_section_size  }
0xa0: {  	s5 =	simm.s32 $_size__tile_overlayer_lowered;
	s6 =	simm.s32 $_tile_overlayer_lowered  }
0xa1: {  	s22 =	simm.s32 $0x1BFF;
	s21 =	sshll.u32 s6, $0x1;
	s3 =	sadd.s32 s19, s18  }
0xa2: {  	s7 =	simm.s32 $0x0;
	s20 =	sshll.u32 s5, $0x1;
	s5 =	sadd.s32 s21, s3  }
0xa3: {  	[timem:s7], [sflag:s22] =	dma.local [hbm:s5], s20  }
0xa4: {  	_ =	swait.ge [sflag:s22], s20  }
0xa5: {  	s4 =	ssub.s32 $0x0, s20;
	[sflag:s22] =	ssyncset.done $0x0  }
0xa6: {  	[sflag:s22] =	ssyncadd.s32 s4;
	_ =	sdelay $0x1  }
0xa7: {  	s23 =	simm.s32 $0x1B8B  }
0xa8: {  	_ =	swait.ge [sflag:s23], $0x1  }
0xa9: {  	[sflag:s23] =	ssyncset.done $0x0  }
0xaa: {  	s25 =	simm.s32 $0x1B8E;
	s24 =	sld [smem:$0x3FFE];
	[sflag:s23] =	ssyncadd.s32 $0xFFFFFFFF  }
0xab: {  	s26 =	simm.s32 $execute0_lowered;
	[smem:$0x3FD2] =	sst s25  }
0xac: {  	s5 =	sshll.u32 s26, $0x1;
	_ =	strace $0x80000049;
	[dreg:$0x1] =	wrdreg $0xFFFFFFFF  }
0xad: {  	s28 =	simm.s32 $_size_execute0_lowered;
	s3 =	sadd.s32 s3, s5;
	[dreg:$0x0] =	wrdreg $0x0  }
0xae: {  	s5 =	sshll.u32 s28, $0x1;
	[dreg:$0x2] =	wrdreg s3  }
0xaf: {  	[dreg:$0x3] =	wrdreg s5  }
0xb0: {  	[dreg:$0x4] =	wrdreg $0xC0  }
0xb1: {  	_ =	task [dreg:s7], $0x5FFFF  }
0xb2: {  	[dreg:$0x1] =	wrdreg $0xFFFFFFFF  }
0xb3: {  	[dreg:$0x0] =	wrdreg $0x60  }
0xb4: {  	[dreg:$0x2] =	wrdreg s24  }
0xb5: {  	[dreg:$0x3] =	wrdreg s16  }
0xb6: {  	[dreg:$0x4] =	wrdreg $0x9  }
0xb7: {  	_ =	task.clear_ibuf [dreg:s7], $0x5FFFF;
	_ =	strace $0x90000049  }
0xb8: {  	s29 =	simm.s32 $0x9;
	_ =	strace $0x8000004B  }
0xb9: {  	_ =	swait.ge [sflag:s29], $0x1  }
0xba: {  	[sflag:s29] =	ssyncadd.s32 $0xFFFFFFFF  }
0xbb: {  	_ =	strace $0x9000004B  }
0xbc: {  	_ =	sfence  }
0xbd: {  	s30 =	sld [smem:$0x0];
	_ =	sdelay $0x2  }
0xbe: {  	s31 =	sshll.u32 s1, $0xD;
	s1 =	sshrl.u32 s1, $0x2  }
0xbf: {  	s3 =	sand.u32 $0x4000, s31;
	s1 =	sadd.s32 s1, s30  }
0xc0: {  	s0 =	sor.u32 s3, s0;
	s1 =	sshll.u32 s1, $0x11  }
0xc1: {  	s0 =	sor.u32 s1, s0  }
0xc2: {  	s0 =	sadd.s32 $0x8F2B, s0  }
0xc3: {  	[sflag:s0] =	ssyncadd.remote.s32 $0x1  }
0xc4: {  	_ =	sfence.sel $0xFFFF  }
0xc5: {  	[dreg:$0x0] =	wrdreg $0xFFFFFFFF;
	(pc) =	sbr.abs _section_cstart, $3  }
0xc6: {  	[dreg:$0x1] =	wrdreg $0xFFFFFFFF  }
0xc7: {  	_ =	task.clear_ibuf [dreg:s7], $0x2FFFF;
	_ =	strace $0x9FFFFFFF  }
0xc8: {  	(tm) =	ssettm $0x7FFFFFFF  }
0xc9: {  	_ =	shalt  }
tec
execute0_lowered:
.L_overlay_start_1:
0x0: {  	(tag) =	ssettag $0x1  }
0x1: {  	s1 =	srdreg.scid;
	s0 =	stileid.u32  }
0x2: {  	s9 =	rddreg [dreg:$0x0];
	s13 =	sand.u32 $0x1, s1;
	s31 =	sshll.u32 s0, $0x1  }
0x3: {  	s3 =	rddreg [dreg:$0x1];
	s10 =	sor.u32 s13, s31  }
0x4: {  	s2 =	simm.s32 $0x0;
	s1 =	rddreg [dreg:$0x2];
	s4 =	smul.u32 $0xA0, s10  }
0x5: {  	[smem:$0x7FF] =	sst s2  }
0x6: {  	_ =	strace $0x8000004A;
	s4 =	sadd.s32 s3, s4;
	s3 =	simm.s32 $0x2  }
0x7: {  	[tilespmem:s2], [sflag:$0x2] =	stream.linear.gather [hbm4b:s4+s2], $0x500, $0x38;
	[tilespmem:$0xA500] =	vst v63  }
0x8: {  	_ =	swait.ge [sflag:s3], $0x500  }
0x9: {  	s6 =	simm.s32 $0x140;
	s7 =	simm.s32 $0x500;
	[sflag:s3] =	ssyncset.done $0x0  }
0xa: {  	s8 =	simm.s32 $0x1;
	s5 =	sadd.s32 $0x7FC00, s9;
	[sflag:s3] =	ssyncadd.s32 $0xFFFFFB00  }
0xb: {  	[tilespmem:s7], [sflag:$0x1] =	stream.indirect.gather [hbm4b:s5+s6], $0x80, s2, s6, $0xb8;
	[tilespmem:$0xA500] =	vst v63  }
0xc: {  	s11 =	smul.u32 $0x5000, s10;
	_ =	swait.ge [sflag:s8], $0xA000  }
0xd: {  	s12 =	sadd.s32 $0xA7C00, s9;
	[sflag:s8] =	ssyncset.done $0x0  }
0xe: {  	s9 =	sadd.s32 s12, s11;
	[sflag:s8] =	ssyncadd.s32 $0xFFFF6000  }
0xf: {  	[hbm4b:s9+s2] =	stream.linear.scatter [tilespmem:s7], [sflag:$0x2], $0xA000, $0x38;
	[tilespmem:$0xA500] =	vst v63  }
0x10: {  	_ =	swait.ge [sflag:s3], $0xA000  }
0x11: {  	[sflag:s3] =	ssyncset.done $0x0  }
0x12: {  	s10 =	smul.u32 $0x28000, s10;
	[sflag:s3] =	ssyncadd.s32 $0xFFFF6000  }
0x13: {  	[tilespmem:s7], [sflag:$0x1] =	stream.indirect.gather [hbm4b:s5+s6], $0x80, s6, s6, $0xb8;
	[tilespmem:$0xA500] =	vst v63  }
0x14: {  	s10 =	sshrl.u32 s10, $0x3;
	_ =	swait.ge [sflag:s8], $0xA000  }
0x15: {  	s14 =	sadd.s32 s12, s10;
	[sflag:s8] =	ssyncset.done $0x0  }
0x16: {  	s10 =	sadd.s32 $0x1400, s14;
	[sflag:s8] =	ssyncadd.s32 $0xFFFF6000  }
0x17: {  	[hbm4b:s10+s2] =	stream.linear.scatter [tilespmem:s7], [sflag:$0x2], $0xA000, $0x38;
	[tilespmem:$0xA500] =	vst v63  }
0x18: {  	_ =	swait.ge [sflag:s3], $0xA000  }
0x19: {  	[sflag:s3] =	ssyncset.done $0x0  }
0x1a: {  	s11 =	simm.s32 $0x280;
	[sflag:s3] =	ssyncadd.s32 $0xFFFF6000  }
0x1b: {  	[tilespmem:s7], [sflag:$0x1] =	stream.indirect.gather [hbm4b:s5+s6], $0x80, s11, s6, $0xb8;
	[tilespmem:$0xA500] =	vst v63  }
0x1c: {  	_ =	swait.ge [sflag:s8], $0xA000  }
0x1d: {  	[sflag:s8] =	ssyncset.done $0x0  }
0x1e: {  	s15 =	ssub.s32 $0x2, s13;
	s12 =	sadd.s32 $0x2800, s14;
	[sflag:s8] =	ssyncadd.s32 $0xFFFF6000  }
0x1f: {  	[hbm4b:s12+s2] =	stream.linear.scatter [tilespmem:s7], [sflag:$0x2], $0xA000, $0x38;
	[tilespmem:$0xA500] =	vst v63  }
0x20: {  	s16 =	sshrl.u32 s15, $0x1;
	_ =	swait.ge [sflag:s3], $0xA000  }
0x21: {  	s15 =	ssub.s32 s15, s16;
	[sflag:s3] =	ssyncset.done $0x0  }
0x22: {  	s13 =	simm.s32 $0x3C0;
	s15 =	smax.u32 s15, $0x1;
	[sflag:s3] =	ssyncadd.s32 $0xFFFF6000  }
0x23: {  	[tilespmem:s7], [sflag:$0x1] =	stream.indirect.gather [hbm4b:s5+s6], $0x80, s13, s6, $0xb8;
	[tilespmem:$0xA500] =	vst v63  }
0x24: {  	p0 =	sne.s32 s15, $0x1;
	_ =	swait.ge [sflag:s8], $0xA000  }
.Ltmp0:
0x25: {  	[sflag:s8] =	ssyncset.done $0x0;
	(pc) =	sbr.rel @!p0 .LBB2_2-.Ltmp0, $4  }
0x26: {  	s14 =	sadd.s32 $0x3C00, s14;
	[sflag:s8] =	ssyncadd.s32 $0xFFFF6000  }
0x27: {  	[hbm4b:s14+s2] =	stream.linear.scatter [tilespmem:s7], [sflag:$0x2], $0xA000, $0x38;
	[tilespmem:$0xA500] =	vst v63  }
0x28: {  	_ =	swait.ge [sflag:s3], $0xA000  }
0x29: {  	s15 =	sadd.s32 $0xFFFFFFFF, s15;
	[sflag:s3] =	ssyncset.done $0x0  }
.LBB2_1:
0x2a: {  	p0 =	sne.s32 s15, $0x1;
	s15 =	sadd.s32 $0xFFFFFFFF, s15;
	[sflag:s3] =	ssyncadd.s32 $0xFFFF6000  }
0x2b: {  	[tilespmem:s2], [sflag:$0x2] =	stream.linear.gather [hbm4b:s4+s2], $0x500, $0x38;
	[tilespmem:$0xA500] =	vst v63  }
0x2c: {  	_ =	swait.ge [sflag:s3], $0x500  }
0x2d: {  	[sflag:s3] =	ssyncset.done $0x0  }
0x2e: {  	[sflag:s3] =	ssyncadd.s32 $0xFFFFFB00  }
0x2f: {  	[tilespmem:s7], [sflag:$0x1] =	stream.indirect.gather [hbm4b:s5+s6], $0x80, s2, s6, $0xb8;
	[tilespmem:$0xA500] =	vst v63  }
0x30: {  	_ =	swait.ge [sflag:s8], $0xA000  }
0x31: {  	[sflag:s8] =	ssyncset.done $0x0  }
0x32: {  	[sflag:s8] =	ssyncadd.s32 $0xFFFF6000  }
0x33: {  	[hbm4b:s9+s2] =	stream.linear.scatter [tilespmem:s7], [sflag:$0x2], $0xA000, $0x38;
	[tilespmem:$0xA500] =	vst v63  }
0x34: {  	_ =	swait.ge [sflag:s3], $0xA000  }
0x35: {  	[sflag:s3] =	ssyncset.done $0x0  }
0x36: {  	[sflag:s3] =	ssyncadd.s32 $0xFFFF6000  }
0x37: {  	[tilespmem:s7], [sflag:$0x1] =	stream.indirect.gather [hbm4b:s5+s6], $0x80, s6, s6, $0xb8;
	[tilespmem:$0xA500] =	vst v63  }
0x38: {  	_ =	swait.ge [sflag:s8], $0xA000  }
0x39: {  	[sflag:s8] =	ssyncset.done $0x0  }
0x3a: {  	[sflag:s8] =	ssyncadd.s32 $0xFFFF6000  }
0x3b: {  	[hbm4b:s10+s2] =	stream.linear.scatter [tilespmem:s7], [sflag:$0x2], $0xA000, $0x38;
	[tilespmem:$0xA500] =	vst v63  }
0x3c: {  	_ =	swait.ge [sflag:s3], $0xA000  }
0x3d: {  	[sflag:s3] =	ssyncset.done $0x0  }
0x3e: {  	[sflag:s3] =	ssyncadd.s32 $0xFFFF6000  }
0x3f: {  	[tilespmem:s7], [sflag:$0x1] =	stream.indirect.gather [hbm4b:s5+s6], $0x80, s11, s6, $0xb8;
	[tilespmem:$0xA500] =	vst v63  }
0x40: {  	_ =	swait.ge [sflag:s8], $0xA000  }
0x41: {  	[sflag:s8] =	ssyncset.done $0x0  }
0x42: {  	[sflag:s8] =	ssyncadd.s32 $0xFFFF6000  }
0x43: {  	[hbm4b:s12+s2] =	stream.linear.scatter [tilespmem:s7], [sflag:$0x2], $0xA000, $0x38;
	[tilespmem:$0xA500] =	vst v63  }
0x44: {  	_ =	swait.ge [sflag:s3], $0xA000  }
0x45: {  	[sflag:s3] =	ssyncset.done $0x0  }
0x46: {  	[sflag:s3] =	ssyncadd.s32 $0xFFFF6000  }
0x47: {  	[tilespmem:s7], [sflag:$0x1] =	stream.indirect.gather [hbm4b:s5+s6], $0x80, s13, s6, $0xb8;
	[tilespmem:$0xA500] =	vst v63  }
0x48: {  	_ =	swait.ge [sflag:s8], $0xA000  }
.Ltmp1:
0x49: {  	[sflag:s8] =	ssyncset.done $0x0;
	(pc) =	sbr.rel @p0 .LBB2_1-.Ltmp1, $4  }
0x4a: {  	[sflag:s8] =	ssyncadd.s32 $0xFFFF6000  }
0x4b: {  	[hbm4b:s14+s2] =	stream.linear.scatter [tilespmem:s7], [sflag:$0x2], $0xA000, $0x38;
	[tilespmem:$0xA500] =	vst v63  }
0x4c: {  	_ =	swait.ge [sflag:s3], $0xA000  }
0x4d: {  	[sflag:s3] =	ssyncset.done $0x0  }
.LBB2_2:
0x4e: {  	[sflag:s3] =	ssyncadd.s32 $0xFFFF6000  }
0x4f: {  	_ =	sfence.sel $0x180000  }
0x50: {  	[bflag:$0x0] =	sbarrier.arrive $0xFFFF  }
0x51: {  	p0 =	sne.s32 s0, $0x0;
	_ =	strace $0x9000004A  }
0x52: {  	s0 =	sadd.s32 @!p0 $0x100000, s1;
	[bflag:$0x2] =	sbarrier.arrive $0xFFFF  }
0x53: {  	[sflag:s0] =	ssyncadd.tile.s32 @!p0 $0x1;
	_ =	shalt  }
.Lfunc_end2:
_tile_overlayer_lowered:
.L_overlay_start_2:
0x54: {  	(tag) =	ssettag $0x2  }
0x55: {  	s0 =	rddreg [dreg:$0x0];
	s2 =	stileid.u32  }
0x56: {  	s1 =	rddreg [dreg:$0x1];
	p0 =	sne.s32 s2, $0x0  }
0x57: {  	s3 =	rddreg [dreg:$0x2];
	[bflag:$0x3] =	sbarrier.arrive $0xFFFF;
	s2 =	simm.s32 @!p0 $0x1C02  }
0x58: {  	[timem:s3], [sflag:s2] =	dma.local @!p0 [hbm:s0], s1  }
0x59: {  	s0 =	simm.s32 @!p0 $0x2  }
0x5a: {  	_ =	swait.ge @!p0 [sflag:s0], s1  }
0x5b: {  	s1 =	ssub.s32 @!p0 $0x0, s1;
	[sflag:s0] =	ssyncset.done @!p0 $0x0  }
0x5c: {  	[sflag:s0] =	ssyncadd.s32 @!p0 s1  }
0x5d: {  	[bflag:$0x3] =	sbarrier.arrive $0xFFFF  }
0x5e: {  	_ =	shalt  }

// kernel: kernel.21.cloned.1.call-start
scs
__scs_entry_jumppad:
0x0: {  	(pc) =	sbr.rel $0x88, $3  }
0x1: {  	(tag) =	ssettag $0x0;
	lr =	simm.s32 $0x1  }
0x2: {  	[smem:$0x3F89] =	sst lr;
	_ =	strace $0xD0000000  }
0x3: {  	_ = 	snop  }
0x4: {  	_ = 	snop  }
0x5: {  	_ = 	snop  }
0x6: {  	_ = 	snop  }
0x7: {  	_ = 	snop  }
__scs_overlays_trampoline_lowered:
0x8: {  	[smem:$0x3F98] =	sst s0  }
0x9: {  	[smem:$0x3F99] =	sst s1  }
0xa: {  	[smem:$0x3F9A] =	sst s2  }
0xb: {  	[smem:$0x3F9B] =	sst s3  }
0xc: {  	[smem:$0x3F9C] =	sst s4  }
0xd: {  	[smem:$0x3F9D] =	sst s5  }
0xe: {  	[smem:$0x3F9E] =	sst s6  }
0xf: {  	[smem:$0x3F9F] =	sst s7  }
0x10: {  	[smem:$0x3FA0] =	sst s8  }
0x11: {  	[smem:$0x3FA1] =	sst s9;
	s0 =	simm.s32 @!p0 $0x0  }
0x12: {  	s1 =	sld [smem:$0x3F87];
	s0 =	simm.s32 @p0 $0x1  }
0x13: {  	[smem:$0x3FA2] =	sst s0;
	s0 =	simm.s32 @!p1 $0x0  }
0x14: {  	s2 =	sld [smem:$0x3F86];
	s0 =	simm.s32 @p1 $0x1  }
0x15: {  	[smem:$0x3FA3] =	sst s0;
	s0 =	simm.s32 @!p2 $0x0  }
0x16: {  	s3 =	sld [smem:$0x3FDB];
	s0 =	simm.s32 @p2 $0x1  }
0x17: {  	s4 =	simm.s32 $0x1BF5;
	[smem:$0x3FA5] =	sst s0  }
0x18: {  	s0 =	sld [smem:$0x3F88];
	_ =	swait.ge [sflag:s4], $0x0  }
0x19: {  	s7 =	sld [smem:$0x3F89]  }
0x1a: {  	s8 =	sadd.s32 $0xFFFFE003, lr  }
0x1b: {  	s9 =	sadd.s32 $0xFFFFFEF7, lr;
	s5 =	simm.s32 $0xFFFFFFFF;
	p2 =	slt.u32 s8, $0xFFFFF086  }
0x1c: {  	p1 =	slt.u32 s9, $0xF7A;
	s5 =	simm.s32 @!p2 $0x0  }
0x1d: {  	s5 =	simm.s32 @p1 $0x1;
	p0 =	seq.s32 s7, s2  }
0x1e: {  	s7 =	smul.u32 @!p0 $0xF7A, s2;
	p2 =	seq.s32 @!p0 s5, $0x0  }
0x1f: {  	s9 =	smul.u32 $0xF7A, s1;
	s8 =	simm.s32 @!p0 $0x1BF5;
	p2 =	por !p2, p0  }
0x20: {  	[sflag:s8] =	ssyncset.s32 @!p0 $0xFFFFF086;
	s6 =	sadd.s32 @!p0 s3, s7;
	s7 =	simm.s32 @!p0 $0x108  }
0x21: {  	s3 =	sadd.s32 s3, s9;
	s6 =	sadd.s32 @!p0 $0x88, s6;
	s7 =	simm.s32 @p2 $0x1082  }
0x22: {  	[simem:s7], [sflag:s8] =	dma.local @!p0 [hbm:s6], $0xF7A  }
0x23: {  	s9 =	sor.u32 $0xD0000000, s2;
	s6 =	simm.s32 $0x108;
	_ =	swait.ge @!p0 [sflag:s8], $0x0  }
0x24: {  	s3 =	sadd.s32 $0x88, s3;
	s6 =	simm.s32 @!p1 $0x1082;
	[sflag:s4] =	ssyncset.s32 $0xFFFFF086  }
0x25: {  	[simem:s6], [sflag:s4] =	dma.local [hbm:s3], $0xF7A  }
0x26: {  	[smem:$0x3F89] =	sst s1;
	(tag) =	ssettag s2;
	_ =	strace s9  }
0x27: {  	s1 =	sld [smem:$0x3F99]  }
0x28: {  	s2 =	sld [smem:$0x3F9A]  }
0x29: {  	s4 =	sld [smem:$0x3F9C]  }
0x2a: {  	p0 =	seq.s32 s5, $0x0;
	s5 =	sld [smem:$0x3F9D]  }
0x2b: {  	s6 =	sld [smem:$0x3F9E]  }
0x2c: {  	s7 =	sld [smem:$0x3F9F]  }
0x2d: {  	s3 =	simm.s32 $0x108;
	s8 =	sld [smem:$0x3FA0]  }
0x2e: {  	s3 =	simm.s32 @!p0 $0x1082;
	s9 =	sld [smem:$0x3FA1]  }
0x2f: {  	lr =	sadd.s32 s0, s3;
	s0 =	sld [smem:$0x3F98]  }
0x30: {  	s3 =	sld [smem:$0x3F9B]  }
0x31: {  	[smem:$0x3FA4] =	sst s10  }
0x32: {  	s10 =	sld [smem:$0x3FA2];
	_ =	sdelay $0x3  }
0x33: {  	p0 =	seq.s32 s10, $0x1;
	s10 =	sld [smem:$0x3FA4];
	_ =	sdelay $0x3  }
0x34: {  	[smem:$0x3FA4] =	sst s10  }
0x35: {  	s10 =	sld [smem:$0x3FA3];
	_ =	sdelay $0x3  }
0x36: {  	p1 =	seq.s32 s10, $0x1;
	s10 =	sld [smem:$0x3FA4];
	_ =	sdelay $0x3  }
0x37: {  	[smem:$0x3FA4] =	sst s10  }
0x38: {  	s10 =	sld [smem:$0x3FA5]  }
0x39: {  	_ = 	snop;
	(pc) =	sbr.ind lr, $3  }
0x3a: {  	_ = 	snop  }
0x3b: {  	_ = 	snop  }
0x3c: {  	p2 =	seq.s32 s10, $0x1;
	s10 =	sld [smem:$0x3FA4]  }
0x3d: {  	_ =	shalt  }
0x3e: {  	_ =	shalt  }
0x3f: {  	_ =	shalt  }
0x40: {  	_ =	shalt  }
0x41: {  	_ =	shalt  }
0x42: {  	_ =	shalt  }
0x43: {  	_ =	shalt  }
0x44: {  	_ =	shalt  }
0x45: {  	_ =	shalt  }
0x46: {  	_ =	shalt  }
0x47: {  	_ =	shalt  }
0x48: {  	_ =	shalt  }
0x49: {  	_ =	shalt  }
0x4a: {  	_ =	shalt  }
0x4b: {  	_ =	shalt  }
0x4c: {  	_ =	shalt  }
0x4d: {  	_ =	shalt  }
0x4e: {  	_ =	shalt  }
0x4f: {  	_ =	shalt  }
0x50: {  	_ =	shalt  }
0x51: {  	_ =	shalt  }
0x52: {  	_ =	shalt  }
0x53: {  	_ =	shalt  }
0x54: {  	_ =	shalt  }
0x55: {  	_ =	shalt  }
0x56: {  	_ =	shalt  }
0x57: {  	_ =	shalt  }
0x58: {  	_ =	shalt  }
0x59: {  	_ =	shalt  }
0x5a: {  	_ =	shalt  }
0x5b: {  	_ =	shalt  }
0x5c: {  	_ =	shalt  }
0x5d: {  	_ =	shalt  }
0x5e: {  	_ =	shalt  }
0x5f: {  	_ =	shalt  }
0x60: {  	_ =	shalt  }
0x61: {  	_ =	shalt  }
0x62: {  	_ =	shalt  }
0x63: {  	_ =	shalt  }
0x64: {  	_ =	shalt  }
0x65: {  	_ =	shalt  }
0x66: {  	_ =	shalt  }
0x67: {  	_ =	shalt  }
0x68: {  	_ =	shalt  }
0x69: {  	_ =	shalt  }
0x6a: {  	_ =	shalt  }
0x6b: {  	_ =	shalt  }
0x6c: {  	_ =	shalt  }
0x6d: {  	_ =	shalt  }
0x6e: {  	_ =	shalt  }
0x6f: {  	_ =	shalt  }
0x70: {  	_ =	shalt  }
0x71: {  	_ =	shalt  }
0x72: {  	_ =	shalt  }
0x73: {  	_ =	shalt  }
0x74: {  	_ =	shalt  }
0x75: {  	_ =	shalt  }
0x76: {  	_ =	shalt  }
0x77: {  	_ =	shalt  }
0x78: {  	_ =	shalt  }
0x79: {  	_ =	shalt  }
0x7a: {  	_ =	shalt  }
0x7b: {  	_ =	shalt  }
0x7c: {  	_ =	shalt  }
0x7d: {  	_ =	shalt  }
0x7e: {  	_ =	shalt  }
0x7f: {  	_ =	shalt  }
0x80: {  	_ =	shalt  }
0x81: {  	_ =	shalt  }
0x82: {  	_ =	shalt  }
0x83: {  	_ =	shalt  }
0x84: {  	_ =	shalt  }
0x85: {  	_ =	shalt  }
0x86: {  	_ =	shalt  }
0x87: {  	_ =	shalt  }
.Lfunc_end0:
.L_simem_size_0:
called_computation.2_lowered:
.L_overlay_start_0:
0x88: {  	s2 =	sld [smem:$0x3FD9]  }
0x89: {  	s3 =	sld [smem:$0x3FFE];
	_ =	sdelay $0x1  }
0x8a: {  	s1 =	srdreg.scid  }
0x8b: {  	s0 =	sand.u32 $0x1, s1  }
0x8c: {  	s14 =	sshll.u32 s0, $0xA;
	s2 =	sadd.s32 s3, s2  }
0x8d: {  	s2 =	sadd.s32 s2, s14  }
0x8e: {  	[smem:$0x3FB0] =	sst s2  }
0x8f: {  	_ = 	snop  }
0x90: {  	s2 =	sld [smem:$0x3FD0];
	_ =	sdelay $0x2  }
0x91: {  	s15 =	simm.s32 $0xA;
	s4 =	simm.s32 $0x10  }
0x92: {  	[smem:s4], [sflag:s15] =	dma.local [hbm:s2], $0x1  }
0x93: {  	_ =	swait.eq [sflag:s15], $0x1  }
0x94: {  	[sflag:s15] =	ssyncset.done $0x0  }
0x95: {  	[sflag:s15] =	ssyncadd.s32 $0xFFFFFFFF  }
0x96: {  	s16 =	sld [smem:$0x10];
	(tm) =	ssettm $0x1  }
0x97: {  	s17 =	sld [smem:$0x3FFB];
	_ =	sdelay $0x3  }
0x98: {  	_ =	strace s17  }
0x99: {  	s3 =	sld [smem:$0x3FFC];
	_ =	sdelay $0x3  }
0x9a: {  	_ =	strace s3  }
0x9b: {  	s3 =	sld [smem:$0x3FFD];
	_ =	sdelay $0x3  }
0x9c: {  	_ =	strace s3  }
0x9d: {  	_ =	strace $0x8FFFFFFF  }
0x9e: {  	s18 =	sld [smem:$0x3FDB];
	_ =	sdelay $0x1  }
0x9f: {  	s19 =	simm.s32 $_scs_section_size  }
0xa0: {  	s5 =	simm.s32 $_size__tile_overlayer_lowered;
	s6 =	simm.s32 $_tile_overlayer_lowered  }
0xa1: {  	s22 =	simm.s32 $0x1BFF;
	s21 =	sshll.u32 s6, $0x1;
	s3 =	sadd.s32 s19, s18  }
0xa2: {  	s7 =	simm.s32 $0x0;
	s20 =	sshll.u32 s5, $0x1;
	s5 =	sadd.s32 s21, s3  }
0xa3: {  	[timem:s7], [sflag:s22] =	dma.local [hbm:s5], s20  }
0xa4: {  	_ =	swait.ge [sflag:s22], s20  }
0xa5: {  	s4 =	ssub.s32 $0x0, s20;
	[sflag:s22] =	ssyncset.done $0x0  }
0xa6: {  	[sflag:s22] =	ssyncadd.s32 s4;
	_ =	sdelay $0x1  }
0xa7: {  	s23 =	simm.s32 $0x1B8B  }
0xa8: {  	_ =	swait.ge [sflag:s23], $0x1  }
0xa9: {  	[sflag:s23] =	ssyncset.done $0x0  }
0xaa: {  	s25 =	simm.s32 $0x1B8E;
	s24 =	sld [smem:$0x3FFE];
	[sflag:s23] =	ssyncadd.s32 $0xFFFFFFFF  }
0xab: {  	s26 =	simm.s32 $execute0_lowered;
	[smem:$0x3FD2] =	sst s25  }
0xac: {  	s5 =	sshll.u32 s26, $0x1;
	_ =	strace $0x8000004C;
	[dreg:$0x1] =	wrdreg $0xFFFFFFFF  }
0xad: {  	s28 =	simm.s32 $_size_execute0_lowered;
	s3 =	sadd.s32 s3, s5;
	[dreg:$0x0] =	wrdreg $0x0  }
0xae: {  	s5 =	sshll.u32 s28, $0x1;
	[dreg:$0x2] =	wrdreg s3  }
0xaf: {  	[dreg:$0x3] =	wrdreg s5  }
0xb0: {  	[dreg:$0x4] =	wrdreg $0xC0  }
0xb1: {  	_ =	task [dreg:s7], $0x5FFFF  }
0xb2: {  	[dreg:$0x1] =	wrdreg $0xFFFFFFFF  }
0xb3: {  	[dreg:$0x0] =	wrdreg $0x60  }
0xb4: {  	[dreg:$0x2] =	wrdreg s24  }
0xb5: {  	[dreg:$0x3] =	wrdreg s16  }
0xb6: {  	[dreg:$0x4] =	wrdreg $0x9  }
0xb7: {  	_ =	task.clear_ibuf [dreg:s7], $0x5FFFF;
	_ =	strace $0x9000004C  }
0xb8: {  	s29 =	simm.s32 $0x9;
	_ =	strace $0x8000004E  }
0xb9: {  	_ =	swait.ge [sflag:s29], $0x1  }
0xba: {  	[sflag:s29] =	ssyncadd.s32 $0xFFFFFFFF  }
0xbb: {  	_ =	strace $0x9000004E  }
0xbc: {  	_ =	sfence  }
0xbd: {  	s30 =	sld [smem:$0x0];
	_ =	sdelay $0x2  }
0xbe: {  	s31 =	sshll.u32 s1, $0xD;
	s1 =	sshrl.u32 s1, $0x2  }
0xbf: {  	s3 =	sand.u32 $0x4000, s31;
	s1 =	sadd.s32 s1, s30  }
0xc0: {  	s0 =	sor.u32 s3, s0;
	s1 =	sshll.u32 s1, $0x11  }
0xc1: {  	s0 =	sor.u32 s1, s0  }
0xc2: {  	s0 =	sadd.s32 $0x8F2B, s0  }
0xc3: {  	[sflag:s0] =	ssyncadd.remote.s32 $0x1  }
0xc4: {  	_ =	sfence.sel $0xFFFF  }
0xc5: {  	[dreg:$0x0] =	wrdreg $0xFFFFFFFF;
	(pc) =	sbr.abs _section_cstart, $3  }
0xc6: {  	[dreg:$0x1] =	wrdreg $0xFFFFFFFF  }
0xc7: {  	_ =	task.clear_ibuf [dreg:s7], $0x2FFFF;
	_ =	strace $0x9FFFFFFF  }
0xc8: {  	(tm) =	ssettm $0x7FFFFFFF  }
0xc9: {  	_ =	shalt  }
tec
execute0_lowered:
.L_overlay_start_1:
0x0: {  	(tag) =	ssettag $0x1  }
0x1: {  	s1 =	srdreg.scid;
	s0 =	stileid.u32  }
0x2: {  	s9 =	rddreg [dreg:$0x0];
	s13 =	sand.u32 $0x1, s1;
	s31 =	sshll.u32 s0, $0x1  }
0x3: {  	s3 =	rddreg [dreg:$0x1];
	s10 =	sor.u32 s13, s31  }
0x4: {  	s2 =	simm.s32 $0x0;
	s1 =	rddreg [dreg:$0x2];
	s4 =	smul.u32 $0xA0, s10  }
0x5: {  	[smem:$0x7FF] =	sst s2  }
0x6: {  	_ =	strace $0x8000004D;
	s4 =	sadd.s32 s3, s4;
	s3 =	simm.s32 $0x2  }
0x7: {  	[tilespmem:s2], [sflag:$0x2] =	stream.linear.gather [hbm4b:s4+s2], $0x500, $0x38;
	[tilespmem:$0xA500] =	vst v63  }
0x8: {  	_ =	swait.ge [sflag:s3], $0x500  }
0x9: {  	s6 =	simm.s32 $0x140;
	s7 =	simm.s32 $0x500;
	[sflag:s3] =	ssyncset.done $0x0  }
0xa: {  	s8 =	simm.s32 $0x1;
	s5 =	sadd.s32 $0x7FC00, s9;
	[sflag:s3] =	ssyncadd.s32 $0xFFFFFB00  }
0xb: {  	[tilespmem:s7], [sflag:$0x1] =	stream.indirect.gather [hbm4b:s5+s6], $0x80, s2, s6, $0xb8;
	[tilespmem:$0xA500] =	vst v63  }
0xc: {  	s11 =	smul.u32 $0x5000, s10;
	_ =	swait.ge [sflag:s8], $0xA000  }
0xd: {  	s12 =	sadd.s32 $0xA7C00, s9;
	[sflag:s8] =	ssyncset.done $0x0  }
0xe: {  	s9 =	sadd.s32 s12, s11;
	[sflag:s8] =	ssyncadd.s32 $0xFFFF6000  }
0xf: {  	[hbm4b:s9+s2] =	stream.linear.scatter [tilespmem:s7], [sflag:$0x2], $0xA000, $0x38;
	[tilespmem:$0xA500] =	vst v63  }
0x10: {  	_ =	swait.ge [sflag:s3], $0xA000  }
0x11: {  	[sflag:s3] =	ssyncset.done $0x0  }
0x12: {  	s10 =	smul.u32 $0x28000, s10;
	[sflag:s3] =	ssyncadd.s32 $0xFFFF6000  }
0x13: {  	[tilespmem:s7], [sflag:$0x1] =	stream.indirect.gather [hbm4b:s5+s6], $0x80, s6, s6, $0xb8;
	[tilespmem:$0xA500] =	vst v63  }
0x14: {  	s10 =	sshrl.u32 s10, $0x3;
	_ =	swait.ge [sflag:s8], $0xA000  }
0x15: {  	s14 =	sadd.s32 s12, s10;
	[sflag:s8] =	ssyncset.done $0x0  }
0x16: {  	s10 =	sadd.s32 $0x1400, s14;
	[sflag:s8] =	ssyncadd.s32 $0xFFFF6000  }
0x17: {  	[hbm4b:s10+s2] =	stream.linear.scatter [tilespmem:s7], [sflag:$0x2], $0xA000, $0x38;
	[tilespmem:$0xA500] =	vst v63  }
0x18: {  	_ =	swait.ge [sflag:s3], $0xA000  }
0x19: {  	[sflag:s3] =	ssyncset.done $0x0  }
0x1a: {  	s11 =	simm.s32 $0x280;
	[sflag:s3] =	ssyncadd.s32 $0xFFFF6000  }
0x1b: {  	[tilespmem:s7], [sflag:$0x1] =	stream.indirect.gather [hbm4b:s5+s6], $0x80, s11, s6, $0xb8;
	[tilespmem:$0xA500] =	vst v63  }
0x1c: {  	_ =	swait.ge [sflag:s8], $0xA000  }
0x1d: {  	[sflag:s8] =	ssyncset.done $0x0  }
0x1e: {  	s15 =	ssub.s32 $0x2, s13;
	s12 =	sadd.s32 $0x2800, s14;
	[sflag:s8] =	ssyncadd.s32 $0xFFFF6000  }
0x1f: {  	[hbm4b:s12+s2] =	stream.linear.scatter [tilespmem:s7], [sflag:$0x2], $0xA000, $0x38;
	[tilespmem:$0xA500] =	vst v63  }
0x20: {  	s16 =	sshrl.u32 s15, $0x1;
	_ =	swait.ge [sflag:s3], $0xA000  }
0x21: {  	s15 =	ssub.s32 s15, s16;
	[sflag:s3] =	ssyncset.done $0x0  }
0x22: {  	s13 =	simm.s32 $0x3C0;
	s15 =	smax.u32 s15, $0x1;
	[sflag:s3] =	ssyncadd.s32 $0xFFFF6000  }
0x23: {  	[tilespmem:s7], [sflag:$0x1] =	stream.indirect.gather [hbm4b:s5+s6], $0x80, s13, s6, $0xb8;
	[tilespmem:$0xA500] =	vst v63  }
0x24: {  	p0 =	sne.s32 s15, $0x1;
	_ =	swait.ge [sflag:s8], $0xA000  }
.Ltmp0:
0x25: {  	[sflag:s8] =	ssyncset.done $0x0;
	(pc) =	sbr.rel @!p0 .LBB2_2-.Ltmp0, $4  }
0x26: {  	s14 =	sadd.s32 $0x3C00, s14;
	[sflag:s8] =	ssyncadd.s32 $0xFFFF6000  }
0x27: {  	[hbm4b:s14+s2] =	stream.linear.scatter [tilespmem:s7], [sflag:$0x2], $0xA000, $0x38;
	[tilespmem:$0xA500] =	vst v63  }
0x28: {  	_ =	swait.ge [sflag:s3], $0xA000  }
0x29: {  	s15 =	sadd.s32 $0xFFFFFFFF, s15;
	[sflag:s3] =	ssyncset.done $0x0  }
.LBB2_1:
0x2a: {  	p0 =	sne.s32 s15, $0x1;
	s15 =	sadd.s32 $0xFFFFFFFF, s15;
	[sflag:s3] =	ssyncadd.s32 $0xFFFF6000  }
0x2b: {  	[tilespmem:s2], [sflag:$0x2] =	stream.linear.gather [hbm4b:s4+s2], $0x500, $0x38;
	[tilespmem:$0xA500] =	vst v63  }
0x2c: {  	_ =	swait.ge [sflag:s3], $0x500  }
0x2d: {  	[sflag:s3] =	ssyncset.done $0x0  }
0x2e: {  	[sflag:s3] =	ssyncadd.s32 $0xFFFFFB00  }
0x2f: {  	[tilespmem:s7], [sflag:$0x1] =	stream.indirect.gather [hbm4b:s5+s6], $0x80, s2, s6, $0xb8;
	[tilespmem:$0xA500] =	vst v63  }
0x30: {  	_ =	swait.ge [sflag:s8], $0xA000  }
0x31: {  	[sflag:s8] =	ssyncset.done $0x0  }
0x32: {  	[sflag:s8] =	ssyncadd.s32 $0xFFFF6000  }
0x33: {  	[hbm4b:s9+s2] =	stream.linear.scatter [tilespmem:s7], [sflag:$0x2], $0xA000, $0x38;
	[tilespmem:$0xA500] =	vst v63  }
0x34: {  	_ =	swait.ge [sflag:s3], $0xA000  }
0x35: {  	[sflag:s3] =	ssyncset.done $0x0  }
0x36: {  	[sflag:s3] =	ssyncadd.s32 $0xFFFF6000  }
0x37: {  	[tilespmem:s7], [sflag:$0x1] =	stream.indirect.gather [hbm4b:s5+s6], $0x80, s6, s6, $0xb8;
	[tilespmem:$0xA500] =	vst v63  }
0x38: {  	_ =	swait.ge [sflag:s8], $0xA000  }
0x39: {  	[sflag:s8] =	ssyncset.done $0x0  }
0x3a: {  	[sflag:s8] =	ssyncadd.s32 $0xFFFF6000  }
0x3b: {  	[hbm4b:s10+s2] =	stream.linear.scatter [tilespmem:s7], [sflag:$0x2], $0xA000, $0x38;
	[tilespmem:$0xA500] =	vst v63  }
0x3c: {  	_ =	swait.ge [sflag:s3], $0xA000  }
0x3d: {  	[sflag:s3] =	ssyncset.done $0x0  }
0x3e: {  	[sflag:s3] =	ssyncadd.s32 $0xFFFF6000  }
0x3f: {  	[tilespmem:s7], [sflag:$0x1] =	stream.indirect.gather [hbm4b:s5+s6], $0x80, s11, s6, $0xb8;
	[tilespmem:$0xA500] =	vst v63  }
0x40: {  	_ =	swait.ge [sflag:s8], $0xA000  }
0x41: {  	[sflag:s8] =	ssyncset.done $0x0  }
0x42: {  	[sflag:s8] =	ssyncadd.s32 $0xFFFF6000  }
0x43: {  	[hbm4b:s12+s2] =	stream.linear.scatter [tilespmem:s7], [sflag:$0x2], $0xA000, $0x38;
	[tilespmem:$0xA500] =	vst v63  }
0x44: {  	_ =	swait.ge [sflag:s3], $0xA000  }
0x45: {  	[sflag:s3] =	ssyncset.done $0x0  }
0x46: {  	[sflag:s3] =	ssyncadd.s32 $0xFFFF6000  }
0x47: {  	[tilespmem:s7], [sflag:$0x1] =	stream.indirect.gather [hbm4b:s5+s6], $0x80, s13, s6, $0xb8;
	[tilespmem:$0xA500] =	vst v63  }
0x48: {  	_ =	swait.ge [sflag:s8], $0xA000  }
.Ltmp1:
0x49: {  	[sflag:s8] =	ssyncset.done $0x0;
	(pc) =	sbr.rel @p0 .LBB2_1-.Ltmp1, $4  }
0x4a: {  	[sflag:s8] =	ssyncadd.s32 $0xFFFF6000  }
0x4b: {  	[hbm4b:s14+s2] =	stream.linear.scatter [tilespmem:s7], [sflag:$0x2], $0xA000, $0x38;
	[tilespmem:$0xA500] =	vst v63  }
0x4c: {  	_ =	swait.ge [sflag:s3], $0xA000  }
0x4d: {  	[sflag:s3] =	ssyncset.done $0x0  }
.LBB2_2:
0x4e: {  	[sflag:s3] =	ssyncadd.s32 $0xFFFF6000  }
0x4f: {  	_ =	sfence.sel $0x180000  }
0x50: {  	[bflag:$0x0] =	sbarrier.arrive $0xFFFF  }
0x51: {  	p0 =	sne.s32 s0, $0x0;
	_ =	strace $0x9000004D  }
0x52: {  	s0 =	sadd.s32 @!p0 $0x100000, s1;
	[bflag:$0x2] =	sbarrier.arrive $0xFFFF  }
0x53: {  	[sflag:s0] =	ssyncadd.tile.s32 @!p0 $0x1;
	_ =	shalt  }
.Lfunc_end2:
_tile_overlayer_lowered:
.L_overlay_start_2:
0x54: {  	(tag) =	ssettag $0x2  }
0x55: {  	s0 =	rddreg [dreg:$0x0];
	s2 =	stileid.u32  }
0x56: {  	s1 =	rddreg [dreg:$0x1];
	p0 =	sne.s32 s2, $0x0  }
0x57: {  	s3 =	rddreg [dreg:$0x2];
	[bflag:$0x3] =	sbarrier.arrive $0xFFFF;
	s2 =	simm.s32 @!p0 $0x1C02  }
0x58: {  	[timem:s3], [sflag:s2] =	dma.local @!p0 [hbm:s0], s1  }
0x59: {  	s0 =	simm.s32 @!p0 $0x2  }
0x5a: {  	_ =	swait.ge @!p0 [sflag:s0], s1  }
0x5b: {  	s1 =	ssub.s32 @!p0 $0x0, s1;
	[sflag:s0] =	ssyncset.done @!p0 $0x0  }
0x5c: {  	[sflag:s0] =	ssyncadd.s32 @!p0 s1  }
0x5d: {  	[bflag:$0x3] =	sbarrier.arrive $0xFFFF  }
0x5e: {  	_ =	shalt  }

</sc_bundles>
